<compile_context>
chip_gen: v7x
topology: tpu7x:2x2x1
jax: 0.10.2.dev20260603
libtpu: 0.0.44.dev20260713+nightly
codegen_flags: <defaults>
</compile_context>

<pallas_src>
import dataclasses
import functools

import jax
import jax.numpy as jnp
from jax import lax
from jax.experimental import pallas as pl
from jax.experimental.pallas import tpu as pltpu
from jax.experimental.pallas import tpu_sc as plsc

NN = 10000
NP = 10240
EE = 320000
DD = 128
NC = 2
NS = 16
NW = NC * NS
ET = EE // NW
C = 80
NCHUNK = ET // C
RT = NP // NS
ZR = 32

_mesh = plsc.VectorSubcoreMesh(core_axis_name="c", subcore_axis_name="s")


def _fill(ref, rows, width, value):
    @pl.loop(0, rows)
    def _(i):
        @pl.loop(0, width // 16)
        def _(j):
            ref[i, pl.ds(j * 16, 16)] = jnp.full((16,), value, jnp.float32)


def _zero_acc_start(zer_v, acc_sh, sid, zsem):
    _fill(zer_v, ZR, DD, 0.0)
    for k in range(RT // ZR):
        pltpu.async_copy(zer_v, acc_sh.at[pl.ds(sid * RT + k * ZR, ZR)], zsem)


def _zero_acc_wait(zer_v, acc_sh, sid, zsem):
    for k in range(RT // ZR):
        pltpu.make_async_copy(
            zer_v, acc_sh.at[pl.ds(sid * RT + k * ZR, ZR)], zsem).wait()


def _readback(acc_sh, out_hbm, cid, sid):
    pltpu.sync_copy(acc_sh.at[pl.ds(sid * RT, RT)],
                    out_hbm.at[cid, pl.ds(sid * RT, RT)])


_cp = pltpu.CompilerParams()
if "needs_layout_passes" in pltpu.CompilerParams.__dataclass_fields__:
    _cp = dataclasses.replace(_cp, needs_layout_passes=False)


@functools.partial(
    pl.kernel,
    out_type=jax.ShapeDtypeStruct((NW * NP,), jnp.float32),
    mesh=_mesh,
    compiler_params=_cp,
    scratch_types=[
        pltpu.VMEM((NP,), jnp.float32),
        pltpu.VMEM((ET,), jnp.int32),
        pltpu.SemaphoreType.DMA,
    ],
)
def _deg_partials(dst_hbm, out_hbm, acc_v, didx_v, isem):
    cid = lax.axis_index("c")
    sid = lax.axis_index("s")
    wid = sid * NC + cid

    cp = pltpu.async_copy(dst_hbm.at[pl.ds(wid * ET, ET)], didx_v, isem)

    @pl.loop(0, NP // 16)
    def _(i):
        acc_v[pl.ds(i * 16, 16)] = jnp.zeros((16,), jnp.float32)

    cp.wait()
    ones16 = jnp.ones((16,), jnp.float32)

    @pl.loop(0, ET // 80)
    def _(i):
        for u in range(5):
            idx = didx_v[pl.ds(i * 80 + u * 16, 16)]
            plsc.addupdate_scatter(acc_v, [idx], ones16)

    pltpu.sync_copy(acc_v, out_hbm.at[pl.ds(wid * NP, NP)])


@functools.partial(
    pl.kernel,
    out_type=jax.ShapeDtypeStruct((NC, NP, DD), jnp.float32),
    mesh=_mesh,
    scratch_types=(
        [pltpu.VMEM((C,), jnp.int32) for _ in range(4)]
        + [pltpu.VMEM((C,), jnp.int32) for _ in range(4)]
        + [pltpu.VMEM((C, DD), jnp.float32) for _ in range(4)]
        + [pltpu.VMEM((ZR, DD), jnp.float32),
           pltpu.VMEM_SHARED((NP, DD), jnp.float32)]
        + [pltpu.SemaphoreType.DMA for _ in range(9)]
    ),
)
def _agg_partials(g_hbm, src_hbm, dst_hbm, out_hbm,
                  si0, si1, si2, si3, di0, di1, di2, di3,
                  r0, r1, r2, r3, zer_v, acc_sh,
                  gs0, gs1, gs2, gs3, ss0, ss1, ss2, ss3, zsem):
    cid = lax.axis_index("c")
    sid = lax.axis_index("s")
    wid = sid * NC + cid
    base = wid * ET
    si = (si0, si1, si2, si3)
    di = (di0, di1, di2, di3)
    rows = (r0, r1, r2, r3)
    gsem = (gs0, gs1, gs2, gs3)
    ssem = (ss0, ss1, ss2, ss3)

    _zero_acc_start(zer_v, acc_sh, sid, zsem)

    def load_idx(j, ci):
        pltpu.sync_copy(src_hbm.at[pl.ds(base + ci * C, C)], si[j])
        pltpu.sync_copy(dst_hbm.at[pl.ds(base + ci * C, C)], di[j])

    def start_gather(j):
        pltpu.async_copy(g_hbm.at[si[j]], rows[j], gsem[j])

    def wait_gather(j):
        pltpu.make_async_copy(g_hbm.at[si[j]], rows[j], gsem[j]).wait()

    def start_scatter(j):
        pltpu.async_copy(rows[j], acc_sh.at[di[j]], ssem[j], add=True)

    def wait_scatter(j):
        pltpu.make_async_copy(rows[j], acc_sh.at[di[j]], ssem[j]).wait()

    for j in (0, 1, 2):
        load_idx(j, j)
        start_gather(j)
    _zero_acc_wait(zer_v, acc_sh, sid, zsem)
    plsc.subcore_barrier()

    @pl.loop(0, 30)
    def _(k):
        for j in range(4):
            ci = 4 * k + j
            jn = (j + 3) % 4
            wait_gather(j)
            start_scatter(j)
            if j == 0:
                @pl.when(k >= 1)
                def _():
                    wait_scatter(jn)
            else:
                wait_scatter(jn)
            load_idx(jn, ci + 3)
            start_gather(jn)

    wait_gather(0)
    start_scatter(0)
    wait_scatter(3)
    load_idx(3, 123)
    start_gather(3)
    wait_gather(1)
    start_scatter(1)
    wait_scatter(0)
    load_idx(0, 124)
    start_gather(0)
    wait_gather(2)
    start_scatter(2)
    wait_scatter(1)
    wait_gather(3)
    start_scatter(3)
    wait_scatter(2)
    wait_gather(0)
    start_scatter(0)
    wait_scatter(3)
    wait_scatter(0)
    plsc.subcore_barrier()
    _readback(acc_sh, out_hbm, cid, sid)



_BN = 10000


def _scale_body(degp_ref, x_ref, w_ref, dis_ref, g_ref):
    ones_w = jnp.ones((NW, 1), jnp.float32)
    deg = lax.dot_general(degp_ref[...], ones_w, (((0,), (0,)), ((), ())),
                          precision=lax.Precision.HIGHEST,
                          preferred_element_type=jnp.float32)
    dis_full = lax.rsqrt(deg + 1.0)
    dis = dis_full[:NN]
    dis_ref[...] = dis
    h = jnp.dot(x_ref[...], w_ref[...], preferred_element_type=jnp.float32)
    g_ref[...] = dis * h


def _dis_and_scale(degp, x, w):
    return pl.pallas_call(
        _scale_body,
        grid=(NN // _BN,),
        in_specs=[
            pl.BlockSpec((NW, NP), lambda i: (0, 0)),
            pl.BlockSpec((_BN, DD), lambda i: (i, 0)),
            pl.BlockSpec((DD, DD), lambda i: (0, 0)),
        ],
        out_specs=[
            pl.BlockSpec((_BN, 1), lambda i: (i, 0)),
            pl.BlockSpec((_BN, DD), lambda i: (i, 0)),
        ],
        out_shape=[
            jax.ShapeDtypeStruct((NN, 1), jnp.float32),
            jax.ShapeDtypeStruct((NN, DD), jnp.float32),
        ],
    )(degp, x, w)


def _mid_body(sp_ref, g_ref, dis_ref, w_ref, o_ref):
    dis = dis_ref[...]
    z = jnp.maximum(dis * (sp_ref[0] + sp_ref[1] + g_ref[...]), 0.0)
    o_ref[...] = dis * jnp.dot(z, w_ref[...],
                               preferred_element_type=jnp.float32)


def _mid_layer(sp, g, dis, w):
    return pl.pallas_call(
        _mid_body,
        grid=(NN // _BN,),
        in_specs=[
            pl.BlockSpec((NC, _BN, DD), lambda i: (0, i, 0)),
            pl.BlockSpec((_BN, DD), lambda i: (i, 0)),
            pl.BlockSpec((_BN, 1), lambda i: (i, 0)),
            pl.BlockSpec((DD, DD), lambda i: (0, 0)),
        ],
        out_specs=pl.BlockSpec((_BN, DD), lambda i: (i, 0)),
        out_shape=jax.ShapeDtypeStruct((NN, DD), jnp.float32),
    )(sp, g, dis, w)


def _final_body(sp_ref, g_ref, dis_ref, o_ref):
    dis = dis_ref[...]
    o_ref[...] = dis * (sp_ref[0] + sp_ref[1] + g_ref[...])


def _final_layer(sp, g, dis):
    return pl.pallas_call(
        _final_body,
        grid=(NN // _BN,),
        in_specs=[
            pl.BlockSpec((NC, _BN, DD), lambda i: (0, i, 0)),
            pl.BlockSpec((_BN, DD), lambda i: (i, 0)),
            pl.BlockSpec((_BN, 1), lambda i: (i, 0)),
        ],
        out_specs=pl.BlockSpec((_BN, DD), lambda i: (i, 0)),
        out_shape=jax.ShapeDtypeStruct((NN, DD), jnp.float32),
    )(sp, g, dis)


def kernel(x, edge_index, W1, W2):
    src = edge_index[0]
    dst = edge_index[1]

    degp = _deg_partials(dst).reshape(NW, NP)
    dis, g1 = _dis_and_scale(degp, x, W1)

    s1p = _agg_partials(g1, src, dst)
    g2 = _mid_layer(s1p, g1, dis, W2)
    s2p = _agg_partials(g2, src, dst)
    out = _final_layer(s2p, g2, dis)
    return out

# --- scband reference (transcript-rebuilt; emitter-appended) ---
"""Pipeline reference for scband-gcnencoder-42391327212241 (READ-ONLY COPY).

The authoritative reference and input builder live on the scoring server;
editing this copy changes nothing except your own understanding.
"""

import jax, jax.numpy as jnp
import numpy as np

N = 10000
E = 320000
D_IN = 128
D_H0 = 128
D_H1 = 128


def setup_inputs(seed: int = 0) -> dict:
    key = jax.random.key(seed)
    k1, k2, k3, k4 = jax.random.split(key, 4)
    x = jax.random.normal(k1, (N, D_IN), dtype=jnp.float32)
    edge_index = jax.random.randint(k2, (2, E), 0, N, dtype=jnp.int32)
    # GCNConv weights (bias=False), glorot-ish scaling
    W1 = jax.random.normal(k3, (D_IN, D_H0), dtype=jnp.float32) * (1.0 / np.sqrt(D_IN))
    W2 = jax.random.normal(k4, (D_H0, D_H1), dtype=jnp.float32) * (1.0 / np.sqrt(D_H0))
    return {"x": x, "edge_index": edge_index, "W1": W1, "W2": W2}


def gcn_conv(x, edge_index, W):
    # PyG GCNConv: add self-loops, symmetric normalization, then scatter-add
    h = x @ W
    loop = jnp.arange(N, dtype=edge_index.dtype)
    src = jnp.concatenate([edge_index[0], loop])
    dst = jnp.concatenate([edge_index[1], loop])
    ones = jnp.ones(src.shape[0], dtype=h.dtype)
    deg = jax.ops.segment_sum(ones, dst, num_segments=N)
    deg_inv_sqrt = jnp.where(deg > 0, jax.lax.rsqrt(jnp.maximum(deg, 1e-12)), 0.0)
    norm = deg_inv_sqrt[src] * deg_inv_sqrt[dst]
    msgs = norm[:, None] * jnp.take(h, src, axis=0)
    return jax.ops.segment_sum(msgs, dst, num_segments=N)


def reference(x, edge_index, W1, W2):
    # layer0 GCNConv -> ReLU -> layer2 GCNConv (corrupt=False path)
    z = jax.nn.relu(gcn_conv(x, edge_index, W1))
    z = gcn_conv(z, edge_index, W2)
    return z

if __name__ == "__main__":
    import jax
    _d = setup_inputs()
    print(jax.jit(kernel)(*tuple(_d.values())))

</pallas_src>

<mosaic_0001>
#map = affine_map<(d0, d1) -> (0, 0)>
#map1 = affine_map<(d0, d1) -> (0)>
#map2 = affine_map<(d0, d1) -> (0, 0, 0)>
module attributes {stable_mosaic.version = 14 : i64} {
  func.func @_agg_partials(%arg0: i32, %arg1: i32, %arg2: memref<10000x128xf32, #tpu.memory_space<hbm>>, %arg3: memref<320000xi32, #tpu.memory_space<hbm>>, %arg4: memref<320000xi32, #tpu.memory_space<hbm>>, %arg5: memref<2x10240x128xf32, #tpu.memory_space<hbm>>, %arg6: memref<80xi32, #tpu.memory_space<vmem>>, %arg7: memref<80xi32, #tpu.memory_space<vmem>>, %arg8: memref<80xi32, #tpu.memory_space<vmem>>, %arg9: memref<80xi32, #tpu.memory_space<vmem>>, %arg10: memref<80xi32, #tpu.memory_space<vmem>>, %arg11: memref<80xi32, #tpu.memory_space<vmem>>, %arg12: memref<80xi32, #tpu.memory_space<vmem>>, %arg13: memref<80xi32, #tpu.memory_space<vmem>>, %arg14: memref<80x128xf32, #tpu.memory_space<vmem>>, %arg15: memref<80x128xf32, #tpu.memory_space<vmem>>, %arg16: memref<80x128xf32, #tpu.memory_space<vmem>>, %arg17: memref<80x128xf32, #tpu.memory_space<vmem>>, %arg18: memref<32x128xf32, #tpu.memory_space<vmem>>, %arg19: memref<10240x128xf32, #tpu.memory_space<vmem_shared>>, %arg20: memref<!tpu.dma_semaphore, #tpu.memory_space<semaphore_mem>>, %arg21: memref<!tpu.dma_semaphore, #tpu.memory_space<semaphore_mem>>, %arg22: memref<!tpu.dma_semaphore, #tpu.memory_space<semaphore_mem>>, %arg23: memref<!tpu.dma_semaphore, #tpu.memory_space<semaphore_mem>>, %arg24: memref<!tpu.dma_semaphore, #tpu.memory_space<semaphore_mem>>, %arg25: memref<!tpu.dma_semaphore, #tpu.memory_space<semaphore_mem>>, %arg26: memref<!tpu.dma_semaphore, #tpu.memory_space<semaphore_mem>>, %arg27: memref<!tpu.dma_semaphore, #tpu.memory_space<semaphore_mem>>, %arg28: memref<!tpu.dma_semaphore, #tpu.memory_space<semaphore_mem>>) attributes {dimension_semantics = [#tpu.dimension_semantics<core_parallel>, #tpu.dimension_semantics<subcore_parallel>], iteration_bounds = array<i64: 2, 16>, scalar_prefetch = 0 : i64, scratch_operands = 23 : i64, tpu.core_type = #tpu.core_type<sc_vector_subcore>, window_params = [{transform_indices = #map}, {transform_indices = #map1}, {transform_indices = #map1}, {transform_indices = #map2}]} {
    %mul3A = arith.constant 2 : i32
    %mul3A_0 = arith.muli %arg1, %mul3A : i32
    %add3A = arith.addi %mul3A_0, %arg0 : i32
    %mul3A_1 = arith.constant 10000 : i32
    %mul3A_2 = arith.muli %add3A, %mul3A_1 : i32
    %scan3A = arith.constant 0 : i32
    %scan3A_3 = arith.constant 32 : i32
    %scan3A_4 = arith.addi %scan3A, %scan3A_3 : i32
    %scan3A_5 = arith.constant 1 : i32
    scf.for %scan3A_418 = %scan3A to %scan3A_4 step %scan3A_5  : i32 {
      %mul3A_419 = arith.constant 1 : i32
      %mul3A_420 = arith.muli %scan3A_418, %mul3A_419 : i32
      %add3A_421 = arith.constant 0 : i32
      %add3A_422 = arith.addi %add3A_421, %mul3A_420 : i32
      %scan3A_423 = arith.constant 0 : i32
      %scan3A_424 = arith.constant 8 : i32
      %scan3A_425 = arith.addi %scan3A_423, %scan3A_424 : i32
      %scan3A_426 = arith.constant 1 : i32
      scf.for %scan3A_428 = %scan3A_423 to %scan3A_425 step %scan3A_426  : i32 {
        %mul3A_429 = arith.constant 1 : i32
        %mul3A_430 = arith.muli %scan3A_428, %mul3A_429 : i32
        %add3A_431 = arith.constant 0 : i32
        %add3A_432 = arith.addi %add3A_431, %mul3A_430 : i32
        %broadcast_in_dim3A = arith.constant 0.000000e+00 : f32
        %broadcast_in_dim3A_433 = vector.broadcast %broadcast_in_dim3A : f32 to vector<16xf32>
        %mul3A_434 = arith.constant 16 : i32
        %mul3A_435 = arith.muli %add3A_432, %mul3A_434 : i32
        %swap3A = arith.index_cast %add3A_422 : i32 to index
        %swap3A_436 = arith.index_cast %mul3A_435 : i32 to index
        %swap3A_437 = tpu.vector_load %arg18[%swap3A, %swap3A_436] {strides = array<i32>} : memref<32x128xf32, #tpu.memory_space<vmem>>, vector<1x16xf32>,
        %swap3A_438 = vector.shape_cast %swap3A_437 : vector<1x16xf32> to vector<16xf32>
        %swap3A_439 = vector.shape_cast %broadcast_in_dim3A_433 : vector<16xf32> to vector<1x16xf32>
        tpu.vector_store %arg18[%swap3A, %swap3A_436], %swap3A_439 {strides = array<i32>} : memref<32x128xf32, #tpu.memory_space<vmem>>, vector<1x16xf32>,
      }
      %scan3A_427 = arith.constant 8 : i32
    }
    %scan3A_6 = arith.constant 32 : i32
    %mul3A_7 = arith.constant 640 : i32
    %mul3A_8 = arith.muli %arg1, %mul3A_7 : i32
    %add3A_9 = arith.constant 0 : i32
    %add3A_10 = arith.addi %mul3A_8, %add3A_9 : i32
    %dma_start3A = arith.constant 0 : i32
    %dma_start3A_11 = tpu.memref_slice %arg19[%add3A_10, %dma_start3A] : memref<10240x128xf32, #tpu.memory_space<vmem_shared>> -> memref<32x128xf32, #tpu.memory_space<vmem_shared>>
    %dma_start3A_12 = arith.constant 0 : i32
    %dma_start3A_13 = tpu.memref_slice %arg19[%add3A_10, %dma_start3A_12] : memref<10240x128xf32, #tpu.memory_space<vmem_shared>> -> memref<32x128xf32, #tpu.memory_space<vmem_shared>>
    tpu.enqueue_dma source(%arg18 : memref<32x128xf32, #tpu.memory_space<vmem>>) target(%dma_start3A_13 : memref<32x128xf32, #tpu.memory_space<vmem_shared>>) target_semaphore(%arg28 : memref<!tpu.dma_semaphore, #tpu.memory_space<semaphore_mem>>)
    %mul3A_14 = arith.constant 640 : i32
    %mul3A_15 = arith.muli %arg1, %mul3A_14 : i32
    %add3A_16 = arith.constant 32 : i32
    %add3A_17 = arith.addi %mul3A_15, %add3A_16 : i32
    %dma_start3A_18 = arith.constant 0 : i32
    %dma_start3A_19 = tpu.memref_slice %arg19[%add3A_17, %dma_start3A_18] : memref<10240x128xf32, #tpu.memory_space<vmem_shared>> -> memref<32x128xf32, #tpu.memory_space<vmem_shared>>
    %dma_start3A_20 = arith.constant 0 : i32
    %dma_start3A_21 = tpu.memref_slice %arg19[%add3A_17, %dma_start3A_20] : memref<10240x128xf32, #tpu.memory_space<vmem_shared>> -> memref<32x128xf32, #tpu.memory_space<vmem_shared>>
    tpu.enqueue_dma source(%arg18 : memref<32x128xf32, #tpu.memory_space<vmem>>) target(%dma_start3A_21 : memref<32x128xf32, #tpu.memory_space<vmem_shared>>) target_semaphore(%arg28 : memref<!tpu.dma_semaphore, #tpu.memory_space<semaphore_mem>>)
    %mul3A_22 = arith.constant 640 : i32
    %mul3A_23 = arith.muli %arg1, %mul3A_22 : i32
    %add3A_24 = arith.constant 64 : i32
    %add3A_25 = arith.addi %mul3A_23, %add3A_24 : i32
    %dma_start3A_26 = arith.constant 0 : i32
    %dma_start3A_27 = tpu.memref_slice %arg19[%add3A_25, %dma_start3A_26] : memref<10240x128xf32, #tpu.memory_space<vmem_shared>> -> memref<32x128xf32, #tpu.memory_space<vmem_shared>>
    %dma_start3A_28 = arith.constant 0 : i32
    %dma_start3A_29 = tpu.memref_slice %arg19[%add3A_25, %dma_start3A_28] : memref<10240x128xf32, #tpu.memory_space<vmem_shared>> -> memref<32x128xf32, #tpu.memory_space<vmem_shared>>
    tpu.enqueue_dma source(%arg18 : memref<32x128xf32, #tpu.memory_space<vmem>>) target(%dma_start3A_29 : memref<32x128xf32, #tpu.memory_space<vmem_shared>>) target_semaphore(%arg28 : memref<!tpu.dma_semaphore, #tpu.memory_space<semaphore_mem>>)
    %mul3A_30 = arith.constant 640 : i32
    %mul3A_31 = arith.muli %arg1, %mul3A_30 : i32
    %add3A_32 = arith.constant 96 : i32
    %add3A_33 = arith.addi %mul3A_31, %add3A_32 : i32
    %dma_start3A_34 = arith.constant 0 : i32
    %dma_start3A_35 = tpu.memref_slice %arg19[%add3A_33, %dma_start3A_34] : memref<10240x128xf32, #tpu.memory_space<vmem_shared>> -> memref<32x128xf32, #tpu.memory_space<vmem_shared>>
    %dma_start3A_36 = arith.constant 0 : i32
    %dma_start3A_37 = tpu.memref_slice %arg19[%add3A_33, %dma_start3A_36] : memref<10240x128xf32, #tpu.memory_space<vmem_shared>> -> memref<32x128xf32, #tpu.memory_space<vmem_shared>>
    tpu.enqueue_dma source(%arg18 : memref<32x128xf32, #tpu.memory_space<vmem>>) target(%dma_start3A_37 : memref<32x128xf32, #tpu.memory_space<vmem_shared>>) target_semaphore(%arg28 : memref<!tpu.dma_semaphore, #tpu.memory_space<semaphore_mem>>)
    %mul3A_38 = arith.constant 640 : i32
    %mul3A_39 = arith.muli %arg1, %mul3A_38 : i32
    %add3A_40 = arith.constant 128 : i32
    %add3A_41 = arith.addi %mul3A_39, %add3A_40 : i32
    %dma_start3A_42 = arith.constant 0 : i32
    %dma_start3A_43 = tpu.memref_slice %arg19[%add3A_41, %dma_start3A_42] : memref<10240x128xf32, #tpu.memory_space<vmem_shared>> -> memref<32x128xf32, #tpu.memory_space<vmem_shared>>
    %dma_start3A_44 = arith.constant 0 : i32
    %dma_start3A_45 = tpu.memref_slice %arg19[%add3A_41, %dma_start3A_44] : memref<10240x128xf32, #tpu.memory_space<vmem_shared>> -> memref<32x128xf32, #tpu.memory_space<vmem_shared>>
    tpu.enqueue_dma source(%arg18 : memref<32x128xf32, #tpu.memory_space<vmem>>) target(%dma_start3A_45 : memref<32x128xf32, #tpu.memory_space<vmem_shared>>) target_semaphore(%arg28 : memref<!tpu.dma_semaphore, #tpu.memory_space<semaphore_mem>>)
    %mul3A_46 = arith.constant 640 : i32
    %mul3A_47 = arith.muli %arg1, %mul3A_46 : i32
    %add3A_48 = arith.constant 160 : i32
    %add3A_49 = arith.addi %mul3A_47, %add3A_48 : i32
    %dma_start3A_50 = arith.constant 0 : i32
    %dma_start3A_51 = tpu.memref_slice %arg19[%add3A_49, %dma_start3A_50] : memref<10240x128xf32, #tpu.memory_space<vmem_shared>> -> memref<32x128xf32, #tpu.memory_space<vmem_shared>>
    %dma_start3A_52 = arith.constant 0 : i32
    %dma_start3A_53 = tpu.memref_slice %arg19[%add3A_49, %dma_start3A_52] : memref<10240x128xf32, #tpu.memory_space<vmem_shared>> -> memref<32x128xf32, #tpu.memory_space<vmem_shared>>
    tpu.enqueue_dma source(%arg18 : memref<32x128xf32, #tpu.memory_space<vmem>>) target(%dma_start3A_53 : memref<32x128xf32, #tpu.memory_space<vmem_shared>>) target_semaphore(%arg28 : memref<!tpu.dma_semaphore, #tpu.memory_space<semaphore_mem>>)
    %mul3A_54 = arith.constant 640 : i32
    %mul3A_55 = arith.muli %arg1, %mul3A_54 : i32
    %add3A_56 = arith.constant 192 : i32
    %add3A_57 = arith.addi %mul3A_55, %add3A_56 : i32
    %dma_start3A_58 = arith.constant 0 : i32
    %dma_start3A_59 = tpu.memref_slice %arg19[%add3A_57, %dma_start3A_58] : memref<10240x128xf32, #tpu.memory_space<vmem_shared>> -> memref<32x128xf32, #tpu.memory_space<vmem_shared>>
    %dma_start3A_60 = arith.constant 0 : i32
    %dma_start3A_61 = tpu.memref_slice %arg19[%add3A_57, %dma_start3A_60] : memref<10240x128xf32, #tpu.memory_space<vmem_shared>> -> memref<32x128xf32, #tpu.memory_space<vmem_shared>>
    tpu.enqueue_dma source(%arg18 : memref<32x128xf32, #tpu.memory_space<vmem>>) target(%dma_start3A_61 : memref<32x128xf32, #tpu.memory_space<vmem_shared>>) target_semaphore(%arg28 : memref<!tpu.dma_semaphore, #tpu.memory_space<semaphore_mem>>)
    %mul3A_62 = arith.constant 640 : i32
    %mul3A_63 = arith.muli %arg1, %mul3A_62 : i32
    %add3A_64 = arith.constant 224 : i32
    %add3A_65 = arith.addi %mul3A_63, %add3A_64 : i32
    %dma_start3A_66 = arith.constant 0 : i32
    %dma_start3A_67 = tpu.memref_slice %arg19[%add3A_65, %dma_start3A_66] : memref<10240x128xf32, #tpu.memory_space<vmem_shared>> -> memref<32x128xf32, #tpu.memory_space<vmem_shared>>
    %dma_start3A_68 = arith.constant 0 : i32
    %dma_start3A_69 = tpu.memref_slice %arg19[%add3A_65, %dma_start3A_68] : memref<10240x128xf32, #tpu.memory_space<vmem_shared>> -> memref<32x128xf32, #tpu.memory_space<vmem_shared>>
    tpu.enqueue_dma source(%arg18 : memref<32x128xf32, #tpu.memory_space<vmem>>) target(%dma_start3A_69 : memref<32x128xf32, #tpu.memory_space<vmem_shared>>) target_semaphore(%arg28 : memref<!tpu.dma_semaphore, #tpu.memory_space<semaphore_mem>>)
    %mul3A_70 = arith.constant 640 : i32
    %mul3A_71 = arith.muli %arg1, %mul3A_70 : i32
    %add3A_72 = arith.constant 256 : i32
    %add3A_73 = arith.addi %mul3A_71, %add3A_72 : i32
    %dma_start3A_74 = arith.constant 0 : i32
    %dma_start3A_75 = tpu.memref_slice %arg19[%add3A_73, %dma_start3A_74] : memref<10240x128xf32, #tpu.memory_space<vmem_shared>> -> memref<32x128xf32, #tpu.memory_space<vmem_shared>>
    %dma_start3A_76 = arith.constant 0 : i32
    %dma_start3A_77 = tpu.memref_slice %arg19[%add3A_73, %dma_start3A_76] : memref<10240x128xf32, #tpu.memory_space<vmem_shared>> -> memref<32x128xf32, #tpu.memory_space<vmem_shared>>
    tpu.enqueue_dma source(%arg18 : memref<32x128xf32, #tpu.memory_space<vmem>>) target(%dma_start3A_77 : memref<32x128xf32, #tpu.memory_space<vmem_shared>>) target_semaphore(%arg28 : memref<!tpu.dma_semaphore, #tpu.memory_space<semaphore_mem>>)
    %mul3A_78 = arith.constant 640 : i32
    %mul3A_79 = arith.muli %arg1, %mul3A_78 : i32
    %add3A_80 = arith.constant 288 : i32
    %add3A_81 = arith.addi %mul3A_79, %add3A_80 : i32
    %dma_start3A_82 = arith.constant 0 : i32
    %dma_start3A_83 = tpu.memref_slice %arg19[%add3A_81, %dma_start3A_82] : memref<10240x128xf32, #tpu.memory_space<vmem_shared>> -> memref<32x128xf32, #tpu.memory_space<vmem_shared>>
    %dma_start3A_84 = arith.constant 0 : i32
    %dma_start3A_85 = tpu.memref_slice %arg19[%add3A_81, %dma_start3A_84] : memref<10240x128xf32, #tpu.memory_space<vmem_shared>> -> memref<32x128xf32, #tpu.memory_space<vmem_shared>>
    tpu.enqueue_dma source(%arg18 : memref<32x128xf32, #tpu.memory_space<vmem>>) target(%dma_start3A_85 : memref<32x128xf32, #tpu.memory_space<vmem_shared>>) target_semaphore(%arg28 : memref<!tpu.dma_semaphore, #tpu.memory_space<semaphore_mem>>)
    %mul3A_86 = arith.constant 640 : i32
    %mul3A_87 = arith.muli %arg1, %mul3A_86 : i32
    %add3A_88 = arith.constant 320 : i32
    %add3A_89 = arith.addi %mul3A_87, %add3A_88 : i32
    %dma_start3A_90 = arith.constant 0 : i32
    %dma_start3A_91 = tpu.memref_slice %arg19[%add3A_89, %dma_start3A_90] : memref<10240x128xf32, #tpu.memory_space<vmem_shared>> -> memref<32x128xf32, #tpu.memory_space<vmem_shared>>
    %dma_start3A_92 = arith.constant 0 : i32
    %dma_start3A_93 = tpu.memref_slice %arg19[%add3A_89, %dma_start3A_92] : memref<10240x128xf32, #tpu.memory_space<vmem_shared>> -> memref<32x128xf32, #tpu.memory_space<vmem_shared>>
    tpu.enqueue_dma source(%arg18 : memref<32x128xf32, #tpu.memory_space<vmem>>) target(%dma_start3A_93 : memref<32x128xf32, #tpu.memory_space<vmem_shared>>) target_semaphore(%arg28 : memref<!tpu.dma_semaphore, #tpu.memory_space<semaphore_mem>>)
    %mul3A_94 = arith.constant 640 : i32
    %mul3A_95 = arith.muli %arg1, %mul3A_94 : i32
    %add3A_96 = arith.constant 352 : i32
    %add3A_97 = arith.addi %mul3A_95, %add3A_96 : i32
    %dma_start3A_98 = arith.constant 0 : i32
    %dma_start3A_99 = tpu.memref_slice %arg19[%add3A_97, %dma_start3A_98] : memref<10240x128xf32, #tpu.memory_space<vmem_shared>> -> memref<32x128xf32, #tpu.memory_space<vmem_shared>>
    %dma_start3A_100 = arith.constant 0 : i32
    %dma_start3A_101 = tpu.memref_slice %arg19[%add3A_97, %dma_start3A_100] : memref<10240x128xf32, #tpu.memory_space<vmem_shared>> -> memref<32x128xf32, #tpu.memory_space<vmem_shared>>
    tpu.enqueue_dma source(%arg18 : memref<32x128xf32, #tpu.memory_space<vmem>>) target(%dma_start3A_101 : memref<32x128xf32, #tpu.memory_space<vmem_shared>>) target_semaphore(%arg28 : memref<!tpu.dma_semaphore, #tpu.memory_space<semaphore_mem>>)
    %mul3A_102 = arith.constant 640 : i32
    %mul3A_103 = arith.muli %arg1, %mul3A_102 : i32
    %add3A_104 = arith.constant 384 : i32
    %add3A_105 = arith.addi %mul3A_103, %add3A_104 : i32
    %dma_start3A_106 = arith.constant 0 : i32
    %dma_start3A_107 = tpu.memref_slice %arg19[%add3A_105, %dma_start3A_106] : memref<10240x128xf32, #tpu.memory_space<vmem_shared>> -> memref<32x128xf32, #tpu.memory_space<vmem_shared>>
    %dma_start3A_108 = arith.constant 0 : i32
    %dma_start3A_109 = tpu.memref_slice %arg19[%add3A_105, %dma_start3A_108] : memref<10240x128xf32, #tpu.memory_space<vmem_shared>> -> memref<32x128xf32, #tpu.memory_space<vmem_shared>>
    tpu.enqueue_dma source(%arg18 : memref<32x128xf32, #tpu.memory_space<vmem>>) target(%dma_start3A_109 : memref<32x128xf32, #tpu.memory_space<vmem_shared>>) target_semaphore(%arg28 : memref<!tpu.dma_semaphore, #tpu.memory_space<semaphore_mem>>)
    %mul3A_110 = arith.constant 640 : i32
    %mul3A_111 = arith.muli %arg1, %mul3A_110 : i32
    %add3A_112 = arith.constant 416 : i32
    %add3A_113 = arith.addi %mul3A_111, %add3A_112 : i32
    %dma_start3A_114 = arith.constant 0 : i32
    %dma_start3A_115 = tpu.memref_slice %arg19[%add3A_113, %dma_start3A_114] : memref<10240x128xf32, #tpu.memory_space<vmem_shared>> -> memref<32x128xf32, #tpu.memory_space<vmem_shared>>
    %dma_start3A_116 = arith.constant 0 : i32
    %dma_start3A_117 = tpu.memref_slice %arg19[%add3A_113, %dma_start3A_116] : memref<10240x128xf32, #tpu.memory_space<vmem_shared>> -> memref<32x128xf32, #tpu.memory_space<vmem_shared>>
    tpu.enqueue_dma source(%arg18 : memref<32x128xf32, #tpu.memory_space<vmem>>) target(%dma_start3A_117 : memref<32x128xf32, #tpu.memory_space<vmem_shared>>) target_semaphore(%arg28 : memref<!tpu.dma_semaphore, #tpu.memory_space<semaphore_mem>>)
    %mul3A_118 = arith.constant 640 : i32
    %mul3A_119 = arith.muli %arg1, %mul3A_118 : i32
    %add3A_120 = arith.constant 448 : i32
    %add3A_121 = arith.addi %mul3A_119, %add3A_120 : i32
    %dma_start3A_122 = arith.constant 0 : i32
    %dma_start3A_123 = tpu.memref_slice %arg19[%add3A_121, %dma_start3A_122] : memref<10240x128xf32, #tpu.memory_space<vmem_shared>> -> memref<32x128xf32, #tpu.memory_space<vmem_shared>>
    %dma_start3A_124 = arith.constant 0 : i32
    %dma_start3A_125 = tpu.memref_slice %arg19[%add3A_121, %dma_start3A_124] : memref<10240x128xf32, #tpu.memory_space<vmem_shared>> -> memref<32x128xf32, #tpu.memory_space<vmem_shared>>
    tpu.enqueue_dma source(%arg18 : memref<32x128xf32, #tpu.memory_space<vmem>>) target(%dma_start3A_125 : memref<32x128xf32, #tpu.memory_space<vmem_shared>>) target_semaphore(%arg28 : memref<!tpu.dma_semaphore, #tpu.memory_space<semaphore_mem>>)
    %mul3A_126 = arith.constant 640 : i32
    %mul3A_127 = arith.muli %arg1, %mul3A_126 : i32
    %add3A_128 = arith.constant 480 : i32
    %add3A_129 = arith.addi %mul3A_127, %add3A_128 : i32
    %dma_start3A_130 = arith.constant 0 : i32
    %dma_start3A_131 = tpu.memref_slice %arg19[%add3A_129, %dma_start3A_130] : memref<10240x128xf32, #tpu.memory_space<vmem_shared>> -> memref<32x128xf32, #tpu.memory_space<vmem_shared>>
    %dma_start3A_132 = arith.constant 0 : i32
    %dma_start3A_133 = tpu.memref_slice %arg19[%add3A_129, %dma_start3A_132] : memref<10240x128xf32, #tpu.memory_space<vmem_shared>> -> memref<32x128xf32, #tpu.memory_space<vmem_shared>>
    tpu.enqueue_dma source(%arg18 : memref<32x128xf32, #tpu.memory_space<vmem>>) target(%dma_start3A_133 : memref<32x128xf32, #tpu.memory_space<vmem_shared>>) target_semaphore(%arg28 : memref<!tpu.dma_semaphore, #tpu.memory_space<semaphore_mem>>)
    %mul3A_134 = arith.constant 640 : i32
    %mul3A_135 = arith.muli %arg1, %mul3A_134 : i32
    %add3A_136 = arith.constant 512 : i32
    %add3A_137 = arith.addi %mul3A_135, %add3A_136 : i32
    %dma_start3A_138 = arith.constant 0 : i32
    %dma_start3A_139 = tpu.memref_slice %arg19[%add3A_137, %dma_start3A_138] : memref<10240x128xf32, #tpu.memory_space<vmem_shared>> -> memref<32x128xf32, #tpu.memory_space<vmem_shared>>
    %dma_start3A_140 = arith.constant 0 : i32
    %dma_start3A_141 = tpu.memref_slice %arg19[%add3A_137, %dma_start3A_140] : memref<10240x128xf32, #tpu.memory_space<vmem_shared>> -> memref<32x128xf32, #tpu.memory_space<vmem_shared>>
    tpu.enqueue_dma source(%arg18 : memref<32x128xf32, #tpu.memory_space<vmem>>) target(%dma_start3A_141 : memref<32x128xf32, #tpu.memory_space<vmem_shared>>) target_semaphore(%arg28 : memref<!tpu.dma_semaphore, #tpu.memory_space<semaphore_mem>>)
    %mul3A_142 = arith.constant 640 : i32
    %mul3A_143 = arith.muli %arg1, %mul3A_142 : i32
    %add3A_144 = arith.constant 544 : i32
    %add3A_145 = arith.addi %mul3A_143, %add3A_144 : i32
    %dma_start3A_146 = arith.constant 0 : i32
    %dma_start3A_147 = tpu.memref_slice %arg19[%add3A_145, %dma_start3A_146] : memref<10240x128xf32, #tpu.memory_space<vmem_shared>> -> memref<32x128xf32, #tpu.memory_space<vmem_shared>>
    %dma_start3A_148 = arith.constant 0 : i32
    %dma_start3A_149 = tpu.memref_slice %arg19[%add3A_145, %dma_start3A_148] : memref<10240x128xf32, #tpu.memory_space<vmem_shared>> -> memref<32x128xf32, #tpu.memory_space<vmem_shared>>
    tpu.enqueue_dma source(%arg18 : memref<32x128xf32, #tpu.memory_space<vmem>>) target(%dma_start3A_149 : memref<32x128xf32, #tpu.memory_space<vmem_shared>>) target_semaphore(%arg28 : memref<!tpu.dma_semaphore, #tpu.memory_space<semaphore_mem>>)
    %mul3A_150 = arith.constant 640 : i32
    %mul3A_151 = arith.muli %arg1, %mul3A_150 : i32
    %add3A_152 = arith.constant 576 : i32
    %add3A_153 = arith.addi %mul3A_151, %add3A_152 : i32
    %dma_start3A_154 = arith.constant 0 : i32
    %dma_start3A_155 = tpu.memref_slice %arg19[%add3A_153, %dma_start3A_154] : memref<10240x128xf32, #tpu.memory_space<vmem_shared>> -> memref<32x128xf32, #tpu.memory_space<vmem_shared>>
    %dma_start3A_156 = arith.constant 0 : i32
    %dma_start3A_157 = tpu.memref_slice %arg19[%add3A_153, %dma_start3A_156] : memref<10240x128xf32, #tpu.memory_space<vmem_shared>> -> memref<32x128xf32, #tpu.memory_space<vmem_shared>>
    tpu.enqueue_dma source(%arg18 : memref<32x128xf32, #tpu.memory_space<vmem>>) target(%dma_start3A_157 : memref<32x128xf32, #tpu.memory_space<vmem_shared>>) target_semaphore(%arg28 : memref<!tpu.dma_semaphore, #tpu.memory_space<semaphore_mem>>)
    %mul3A_158 = arith.constant 640 : i32
    %mul3A_159 = arith.muli %arg1, %mul3A_158 : i32
    %add3A_160 = arith.constant 608 : i32
    %add3A_161 = arith.addi %mul3A_159, %add3A_160 : i32
    %dma_start3A_162 = arith.constant 0 : i32
    %dma_start3A_163 = tpu.memref_slice %arg19[%add3A_161, %dma_start3A_162] : memref<10240x128xf32, #tpu.memory_space<vmem_shared>> -> memref<32x128xf32, #tpu.memory_space<vmem_shared>>
    %dma_start3A_164 = arith.constant 0 : i32
    %dma_start3A_165 = tpu.memref_slice %arg19[%add3A_161, %dma_start3A_164] : memref<10240x128xf32, #tpu.memory_space<vmem_shared>> -> memref<32x128xf32, #tpu.memory_space<vmem_shared>>
    tpu.enqueue_dma source(%arg18 : memref<32x128xf32, #tpu.memory_space<vmem>>) target(%dma_start3A_165 : memref<32x128xf32, #tpu.memory_space<vmem_shared>>) target_semaphore(%arg28 : memref<!tpu.dma_semaphore, #tpu.memory_space<semaphore_mem>>)
    %add3A_166 = arith.constant 0 : i32
    %add3A_167 = arith.addi %mul3A_2, %add3A_166 : i32
    "tpu.region"() ({
      %run_scoped3A = tpu.sem_alloc : memref<!tpu.dma_semaphore, #tpu.memory_space<semaphore_mem>>
      %dma_start3A_418 = tpu.memref_slice %arg3[%add3A_167] : memref<320000xi32, #tpu.memory_space<hbm>> -> memref<80xi32, #tpu.memory_space<hbm>>
      %dma_start3A_419 = tpu.memref_slice %arg3[%add3A_167] : memref<320000xi32, #tpu.memory_space<hbm>> -> memref<80xi32, #tpu.memory_space<hbm>>
      tpu.enqueue_dma source(%dma_start3A_419 : memref<80xi32, #tpu.memory_space<hbm>>) target(%arg6 : memref<80xi32, #tpu.memory_space<vmem>>) target_semaphore(%run_scoped3A : memref<!tpu.dma_semaphore, #tpu.memory_space<semaphore_mem>>)
      %dma_wait3A_420 = tpu.memref_slice %arg3[%add3A_167] : memref<320000xi32, #tpu.memory_space<hbm>> -> memref<80xi32, #tpu.memory_space<hbm>>
      %dma_wait3A_421 = tpu.memref_slice %arg3[%add3A_167] : memref<320000xi32, #tpu.memory_space<hbm>> -> memref<80xi32, #tpu.memory_space<hbm>>
      tpu.wait_dma2 semaphore(%run_scoped3A : memref<!tpu.dma_semaphore, #tpu.memory_space<semaphore_mem>>) src(%dma_wait3A_421 : memref<80xi32, #tpu.memory_space<hbm>>) dst(%arg6 : memref<80xi32, #tpu.memory_space<vmem>>)
      tpu.yield
    }) : () -> ()
    %add3A_168 = arith.constant 0 : i32
    %add3A_169 = arith.addi %mul3A_2, %add3A_168 : i32
    "tpu.region"() ({
      %run_scoped3A = tpu.sem_alloc : memref<!tpu.dma_semaphore, #tpu.memory_space<semaphore_mem>>
      %dma_start3A_418 = tpu.memref_slice %arg4[%add3A_169] : memref<320000xi32, #tpu.memory_space<hbm>> -> memref<80xi32, #tpu.memory_space<hbm>>
      %dma_start3A_419 = tpu.memref_slice %arg4[%add3A_169] : memref<320000xi32, #tpu.memory_space<hbm>> -> memref<80xi32, #tpu.memory_space<hbm>>
      tpu.enqueue_dma source(%dma_start3A_419 : memref<80xi32, #tpu.memory_space<hbm>>) target(%arg10 : memref<80xi32, #tpu.memory_space<vmem>>) target_semaphore(%run_scoped3A : memref<!tpu.dma_semaphore, #tpu.memory_space<semaphore_mem>>)
      %dma_wait3A_420 = tpu.memref_slice %arg4[%add3A_169] : memref<320000xi32, #tpu.memory_space<hbm>> -> memref<80xi32, #tpu.memory_space<hbm>>
      %dma_wait3A_421 = tpu.memref_slice %arg4[%add3A_169] : memref<320000xi32, #tpu.memory_space<hbm>> -> memref<80xi32, #tpu.memory_space<hbm>>
      tpu.wait_dma2 semaphore(%run_scoped3A : memref<!tpu.dma_semaphore, #tpu.memory_space<semaphore_mem>>) src(%dma_wait3A_421 : memref<80xi32, #tpu.memory_space<hbm>>) dst(%arg10 : memref<80xi32, #tpu.memory_space<vmem>>)
      tpu.yield
    }) : () -> ()
    %dma_start3A_170 = arith.constant 0 : i32
    %dma_start3A_171 = arith.constant 0 : i32
    %dma_start3A_172 = tpu.memref_slice %arg2[%dma_start3A_170, %dma_start3A_171] : memref<10000x128xf32, #tpu.memory_space<hbm>> -> memref<10000x128xf32, #tpu.memory_space<hbm>>
    tpu.enqueue_indirect_dma source(%dma_start3A_172 : memref<10000x128xf32, #tpu.memory_space<hbm>>) target(%arg14 : memref<80x128xf32, #tpu.memory_space<vmem>>) offsets(%arg6 : memref<80xi32, #tpu.memory_space<vmem>>) semaphore(%arg20 : memref<!tpu.dma_semaphore, #tpu.memory_space<semaphore_mem>>)
    %add3A_173 = arith.constant 80 : i32
    %add3A_174 = arith.addi %mul3A_2, %add3A_173 : i32
    "tpu.region"() ({
      %run_scoped3A = tpu.sem_alloc : memref<!tpu.dma_semaphore, #tpu.memory_space<semaphore_mem>>
      %dma_start3A_418 = tpu.memref_slice %arg3[%add3A_174] : memref<320000xi32, #tpu.memory_space<hbm>> -> memref<80xi32, #tpu.memory_space<hbm>>
      %dma_start3A_419 = tpu.memref_slice %arg3[%add3A_174] : memref<320000xi32, #tpu.memory_space<hbm>> -> memref<80xi32, #tpu.memory_space<hbm>>
      tpu.enqueue_dma source(%dma_start3A_419 : memref<80xi32, #tpu.memory_space<hbm>>) target(%arg7 : memref<80xi32, #tpu.memory_space<vmem>>) target_semaphore(%run_scoped3A : memref<!tpu.dma_semaphore, #tpu.memory_space<semaphore_mem>>)
      %dma_wait3A_420 = tpu.memref_slice %arg3[%add3A_174] : memref<320000xi32, #tpu.memory_space<hbm>> -> memref<80xi32, #tpu.memory_space<hbm>>
      %dma_wait3A_421 = tpu.memref_slice %arg3[%add3A_174] : memref<320000xi32, #tpu.memory_space<hbm>> -> memref<80xi32, #tpu.memory_space<hbm>>
      tpu.wait_dma2 semaphore(%run_scoped3A : memref<!tpu.dma_semaphore, #tpu.memory_space<semaphore_mem>>) src(%dma_wait3A_421 : memref<80xi32, #tpu.memory_space<hbm>>) dst(%arg7 : memref<80xi32, #tpu.memory_space<vmem>>)
      tpu.yield
    }) : () -> ()
    %add3A_175 = arith.constant 80 : i32
    %add3A_176 = arith.addi %mul3A_2, %add3A_175 : i32
    "tpu.region"() ({
      %run_scoped3A = tpu.sem_alloc : memref<!tpu.dma_semaphore, #tpu.memory_space<semaphore_mem>>
      %dma_start3A_418 = tpu.memref_slice %arg4[%add3A_176] : memref<320000xi32, #tpu.memory_space<hbm>> -> memref<80xi32, #tpu.memory_space<hbm>>
      %dma_start3A_419 = tpu.memref_slice %arg4[%add3A_176] : memref<320000xi32, #tpu.memory_space<hbm>> -> memref<80xi32, #tpu.memory_space<hbm>>
      tpu.enqueue_dma source(%dma_start3A_419 : memref<80xi32, #tpu.memory_space<hbm>>) target(%arg11 : memref<80xi32, #tpu.memory_space<vmem>>) target_semaphore(%run_scoped3A : memref<!tpu.dma_semaphore, #tpu.memory_space<semaphore_mem>>)
      %dma_wait3A_420 = tpu.memref_slice %arg4[%add3A_176] : memref<320000xi32, #tpu.memory_space<hbm>> -> memref<80xi32, #tpu.memory_space<hbm>>
      %dma_wait3A_421 = tpu.memref_slice %arg4[%add3A_176] : memref<320000xi32, #tpu.memory_space<hbm>> -> memref<80xi32, #tpu.memory_space<hbm>>
      tpu.wait_dma2 semaphore(%run_scoped3A : memref<!tpu.dma_semaphore, #tpu.memory_space<semaphore_mem>>) src(%dma_wait3A_421 : memref<80xi32, #tpu.memory_space<hbm>>) dst(%arg11 : memref<80xi32, #tpu.memory_space<vmem>>)
      tpu.yield
    }) : () -> ()
    %dma_start3A_177 = arith.constant 0 : i32
    %dma_start3A_178 = arith.constant 0 : i32
    %dma_start3A_179 = tpu.memref_slice %arg2[%dma_start3A_177, %dma_start3A_178] : memref<10000x128xf32, #tpu.memory_space<hbm>> -> memref<10000x128xf32, #tpu.memory_space<hbm>>
    tpu.enqueue_indirect_dma source(%dma_start3A_179 : memref<10000x128xf32, #tpu.memory_space<hbm>>) target(%arg15 : memref<80x128xf32, #tpu.memory_space<vmem>>) offsets(%arg7 : memref<80xi32, #tpu.memory_space<vmem>>) semaphore(%arg21 : memref<!tpu.dma_semaphore, #tpu.memory_space<semaphore_mem>>)
    %add3A_180 = arith.constant 160 : i32
    %add3A_181 = arith.addi %mul3A_2, %add3A_180 : i32
    "tpu.region"() ({
      %run_scoped3A = tpu.sem_alloc : memref<!tpu.dma_semaphore, #tpu.memory_space<semaphore_mem>>
      %dma_start3A_418 = tpu.memref_slice %arg3[%add3A_181] : memref<320000xi32, #tpu.memory_space<hbm>> -> memref<80xi32, #tpu.memory_space<hbm>>
      %dma_start3A_419 = tpu.memref_slice %arg3[%add3A_181] : memref<320000xi32, #tpu.memory_space<hbm>> -> memref<80xi32, #tpu.memory_space<hbm>>
      tpu.enqueue_dma source(%dma_start3A_419 : memref<80xi32, #tpu.memory_space<hbm>>) target(%arg8 : memref<80xi32, #tpu.memory_space<vmem>>) target_semaphore(%run_scoped3A : memref<!tpu.dma_semaphore, #tpu.memory_space<semaphore_mem>>)
      %dma_wait3A_420 = tpu.memref_slice %arg3[%add3A_181] : memref<320000xi32, #tpu.memory_space<hbm>> -> memref<80xi32, #tpu.memory_space<hbm>>
      %dma_wait3A_421 = tpu.memref_slice %arg3[%add3A_181] : memref<320000xi32, #tpu.memory_space<hbm>> -> memref<80xi32, #tpu.memory_space<hbm>>
      tpu.wait_dma2 semaphore(%run_scoped3A : memref<!tpu.dma_semaphore, #tpu.memory_space<semaphore_mem>>) src(%dma_wait3A_421 : memref<80xi32, #tpu.memory_space<hbm>>) dst(%arg8 : memref<80xi32, #tpu.memory_space<vmem>>)
      tpu.yield
    }) : () -> ()
    %add3A_182 = arith.constant 160 : i32
    %add3A_183 = arith.addi %mul3A_2, %add3A_182 : i32
    "tpu.region"() ({
      %run_scoped3A = tpu.sem_alloc : memref<!tpu.dma_semaphore, #tpu.memory_space<semaphore_mem>>
      %dma_start3A_418 = tpu.memref_slice %arg4[%add3A_183] : memref<320000xi32, #tpu.memory_space<hbm>> -> memref<80xi32, #tpu.memory_space<hbm>>
      %dma_start3A_419 = tpu.memref_slice %arg4[%add3A_183] : memref<320000xi32, #tpu.memory_space<hbm>> -> memref<80xi32, #tpu.memory_space<hbm>>
      tpu.enqueue_dma source(%dma_start3A_419 : memref<80xi32, #tpu.memory_space<hbm>>) target(%arg12 : memref<80xi32, #tpu.memory_space<vmem>>) target_semaphore(%run_scoped3A : memref<!tpu.dma_semaphore, #tpu.memory_space<semaphore_mem>>)
      %dma_wait3A_420 = tpu.memref_slice %arg4[%add3A_183] : memref<320000xi32, #tpu.memory_space<hbm>> -> memref<80xi32, #tpu.memory_space<hbm>>
      %dma_wait3A_421 = tpu.memref_slice %arg4[%add3A_183] : memref<320000xi32, #tpu.memory_space<hbm>> -> memref<80xi32, #tpu.memory_space<hbm>>
      tpu.wait_dma2 semaphore(%run_scoped3A : memref<!tpu.dma_semaphore, #tpu.memory_space<semaphore_mem>>) src(%dma_wait3A_421 : memref<80xi32, #tpu.memory_space<hbm>>) dst(%arg12 : memref<80xi32, #tpu.memory_space<vmem>>)
      tpu.yield
    }) : () -> ()
    %dma_start3A_184 = arith.constant 0 : i32
    %dma_start3A_185 = arith.constant 0 : i32
    %dma_start3A_186 = tpu.memref_slice %arg2[%dma_start3A_184, %dma_start3A_185] : memref<10000x128xf32, #tpu.memory_space<hbm>> -> memref<10000x128xf32, #tpu.memory_space<hbm>>
    tpu.enqueue_indirect_dma source(%dma_start3A_186 : memref<10000x128xf32, #tpu.memory_space<hbm>>) target(%arg16 : memref<80x128xf32, #tpu.memory_space<vmem>>) offsets(%arg8 : memref<80xi32, #tpu.memory_space<vmem>>) semaphore(%arg22 : memref<!tpu.dma_semaphore, #tpu.memory_space<semaphore_mem>>)
    %mul3A_187 = arith.constant 640 : i32
    %mul3A_188 = arith.muli %arg1, %mul3A_187 : i32
    %add3A_189 = arith.constant 0 : i32
    %add3A_190 = arith.addi %mul3A_188, %add3A_189 : i32
    %dma_wait3A = arith.constant 0 : i32
    %dma_wait3A_191 = tpu.memref_slice %arg19[%add3A_190, %dma_wait3A] : memref<10240x128xf32, #tpu.memory_space<vmem_shared>> -> memref<32x128xf32, #tpu.memory_space<vmem_shared>>
    %dma_wait3A_192 = arith.constant 0 : i32
    %dma_wait3A_193 = tpu.memref_slice %arg19[%add3A_190, %dma_wait3A_192] : memref<10240x128xf32, #tpu.memory_space<vmem_shared>> -> memref<32x128xf32, #tpu.memory_space<vmem_shared>>
    tpu.wait_dma2 semaphore(%arg28 : memref<!tpu.dma_semaphore, #tpu.memory_space<semaphore_mem>>) src(%arg18 : memref<32x128xf32, #tpu.memory_space<vmem>>) dst(%dma_wait3A_193 : memref<32x128xf32, #tpu.memory_space<vmem_shared>>)
    %mul3A_194 = arith.constant 640 : i32
    %mul3A_195 = arith.muli %arg1, %mul3A_194 : i32
    %add3A_196 = arith.constant 32 : i32
    %add3A_197 = arith.addi %mul3A_195, %add3A_196 : i32
    %dma_wait3A_198 = arith.constant 0 : i32
    %dma_wait3A_199 = tpu.memref_slice %arg19[%add3A_197, %dma_wait3A_198] : memref<10240x128xf32, #tpu.memory_space<vmem_shared>> -> memref<32x128xf32, #tpu.memory_space<vmem_shared>>
    %dma_wait3A_200 = arith.constant 0 : i32
    %dma_wait3A_201 = tpu.memref_slice %arg19[%add3A_197, %dma_wait3A_200] : memref<10240x128xf32, #tpu.memory_space<vmem_shared>> -> memref<32x128xf32, #tpu.memory_space<vmem_shared>>
    tpu.wait_dma2 semaphore(%arg28 : memref<!tpu.dma_semaphore, #tpu.memory_space<semaphore_mem>>) src(%arg18 : memref<32x128xf32, #tpu.memory_space<vmem>>) dst(%dma_wait3A_201 : memref<32x128xf32, #tpu.memory_space<vmem_shared>>)
    %mul3A_202 = arith.constant 640 : i32
    %mul3A_203 = arith.muli %arg1, %mul3A_202 : i32
    %add3A_204 = arith.constant 64 : i32
    %add3A_205 = arith.addi %mul3A_203, %add3A_204 : i32
    %dma_wait3A_206 = arith.constant 0 : i32
    %dma_wait3A_207 = tpu.memref_slice %arg19[%add3A_205, %dma_wait3A_206] : memref<10240x128xf32, #tpu.memory_space<vmem_shared>> -> memref<32x128xf32, #tpu.memory_space<vmem_shared>>
    %dma_wait3A_208 = arith.constant 0 : i32
    %dma_wait3A_209 = tpu.memref_slice %arg19[%add3A_205, %dma_wait3A_208] : memref<10240x128xf32, #tpu.memory_space<vmem_shared>> -> memref<32x128xf32, #tpu.memory_space<vmem_shared>>
    tpu.wait_dma2 semaphore(%arg28 : memref<!tpu.dma_semaphore, #tpu.memory_space<semaphore_mem>>) src(%arg18 : memref<32x128xf32, #tpu.memory_space<vmem>>) dst(%dma_wait3A_209 : memref<32x128xf32, #tpu.memory_space<vmem_shared>>)
    %mul3A_210 = arith.constant 640 : i32
    %mul3A_211 = arith.muli %arg1, %mul3A_210 : i32
    %add3A_212 = arith.constant 96 : i32
    %add3A_213 = arith.addi %mul3A_211, %add3A_212 : i32
    %dma_wait3A_214 = arith.constant 0 : i32
    %dma_wait3A_215 = tpu.memref_slice %arg19[%add3A_213, %dma_wait3A_214] : memref<10240x128xf32, #tpu.memory_space<vmem_shared>> -> memref<32x128xf32, #tpu.memory_space<vmem_shared>>
    %dma_wait3A_216 = arith.constant 0 : i32
    %dma_wait3A_217 = tpu.memref_slice %arg19[%add3A_213, %dma_wait3A_216] : memref<10240x128xf32, #tpu.memory_space<vmem_shared>> -> memref<32x128xf32, #tpu.memory_space<vmem_shared>>
    tpu.wait_dma2 semaphore(%arg28 : memref<!tpu.dma_semaphore, #tpu.memory_space<semaphore_mem>>) src(%arg18 : memref<32x128xf32, #tpu.memory_space<vmem>>) dst(%dma_wait3A_217 : memref<32x128xf32, #tpu.memory_space<vmem_shared>>)
    %mul3A_218 = arith.constant 640 : i32
    %mul3A_219 = arith.muli %arg1, %mul3A_218 : i32
    %add3A_220 = arith.constant 128 : i32
    %add3A_221 = arith.addi %mul3A_219, %add3A_220 : i32
    %dma_wait3A_222 = arith.constant 0 : i32
    %dma_wait3A_223 = tpu.memref_slice %arg19[%add3A_221, %dma_wait3A_222] : memref<10240x128xf32, #tpu.memory_space<vmem_shared>> -> memref<32x128xf32, #tpu.memory_space<vmem_shared>>
    %dma_wait3A_224 = arith.constant 0 : i32
    %dma_wait3A_225 = tpu.memref_slice %arg19[%add3A_221, %dma_wait3A_224] : memref<10240x128xf32, #tpu.memory_space<vmem_shared>> -> memref<32x128xf32, #tpu.memory_space<vmem_shared>>
    tpu.wait_dma2 semaphore(%arg28 : memref<!tpu.dma_semaphore, #tpu.memory_space<semaphore_mem>>) src(%arg18 : memref<32x128xf32, #tpu.memory_space<vmem>>) dst(%dma_wait3A_225 : memref<32x128xf32, #tpu.memory_space<vmem_shared>>)
    %mul3A_226 = arith.constant 640 : i32
    %mul3A_227 = arith.muli %arg1, %mul3A_226 : i32
    %add3A_228 = arith.constant 160 : i32
    %add3A_229 = arith.addi %mul3A_227, %add3A_228 : i32
    %dma_wait3A_230 = arith.constant 0 : i32
    %dma_wait3A_231 = tpu.memref_slice %arg19[%add3A_229, %dma_wait3A_230] : memref<10240x128xf32, #tpu.memory_space<vmem_shared>> -> memref<32x128xf32, #tpu.memory_space<vmem_shared>>
    %dma_wait3A_232 = arith.constant 0 : i32
    %dma_wait3A_233 = tpu.memref_slice %arg19[%add3A_229, %dma_wait3A_232] : memref<10240x128xf32, #tpu.memory_space<vmem_shared>> -> memref<32x128xf32, #tpu.memory_space<vmem_shared>>
    tpu.wait_dma2 semaphore(%arg28 : memref<!tpu.dma_semaphore, #tpu.memory_space<semaphore_mem>>) src(%arg18 : memref<32x128xf32, #tpu.memory_space<vmem>>) dst(%dma_wait3A_233 : memref<32x128xf32, #tpu.memory_space<vmem_shared>>)
    %mul3A_234 = arith.constant 640 : i32
    %mul3A_235 = arith.muli %arg1, %mul3A_234 : i32
    %add3A_236 = arith.constant 192 : i32
    %add3A_237 = arith.addi %mul3A_235, %add3A_236 : i32
    %dma_wait3A_238 = arith.constant 0 : i32
    %dma_wait3A_239 = tpu.memref_slice %arg19[%add3A_237, %dma_wait3A_238] : memref<10240x128xf32, #tpu.memory_space<vmem_shared>> -> memref<32x128xf32, #tpu.memory_space<vmem_shared>>
    %dma_wait3A_240 = arith.constant 0 : i32
    %dma_wait3A_241 = tpu.memref_slice %arg19[%add3A_237, %dma_wait3A_240] : memref<10240x128xf32, #tpu.memory_space<vmem_shared>> -> memref<32x128xf32, #tpu.memory_space<vmem_shared>>
    tpu.wait_dma2 semaphore(%arg28 : memref<!tpu.dma_semaphore, #tpu.memory_space<semaphore_mem>>) src(%arg18 : memref<32x128xf32, #tpu.memory_space<vmem>>) dst(%dma_wait3A_241 : memref<32x128xf32, #tpu.memory_space<vmem_shared>>)
    %mul3A_242 = arith.constant 640 : i32
    %mul3A_243 = arith.muli %arg1, %mul3A_242 : i32
    %add3A_244 = arith.constant 224 : i32
    %add3A_245 = arith.addi %mul3A_243, %add3A_244 : i32
    %dma_wait3A_246 = arith.constant 0 : i32
    %dma_wait3A_247 = tpu.memref_slice %arg19[%add3A_245, %dma_wait3A_246] : memref<10240x128xf32, #tpu.memory_space<vmem_shared>> -> memref<32x128xf32, #tpu.memory_space<vmem_shared>>
    %dma_wait3A_248 = arith.constant 0 : i32
    %dma_wait3A_249 = tpu.memref_slice %arg19[%add3A_245, %dma_wait3A_248] : memref<10240x128xf32, #tpu.memory_space<vmem_shared>> -> memref<32x128xf32, #tpu.memory_space<vmem_shared>>
    tpu.wait_dma2 semaphore(%arg28 : memref<!tpu.dma_semaphore, #tpu.memory_space<semaphore_mem>>) src(%arg18 : memref<32x128xf32, #tpu.memory_space<vmem>>) dst(%dma_wait3A_249 : memref<32x128xf32, #tpu.memory_space<vmem_shared>>)
    %mul3A_250 = arith.constant 640 : i32
    %mul3A_251 = arith.muli %arg1, %mul3A_250 : i32
    %add3A_252 = arith.constant 256 : i32
    %add3A_253 = arith.addi %mul3A_251, %add3A_252 : i32
    %dma_wait3A_254 = arith.constant 0 : i32
    %dma_wait3A_255 = tpu.memref_slice %arg19[%add3A_253, %dma_wait3A_254] : memref<10240x128xf32, #tpu.memory_space<vmem_shared>> -> memref<32x128xf32, #tpu.memory_space<vmem_shared>>
    %dma_wait3A_256 = arith.constant 0 : i32
    %dma_wait3A_257 = tpu.memref_slice %arg19[%add3A_253, %dma_wait3A_256] : memref<10240x128xf32, #tpu.memory_space<vmem_shared>> -> memref<32x128xf32, #tpu.memory_space<vmem_shared>>
    tpu.wait_dma2 semaphore(%arg28 : memref<!tpu.dma_semaphore, #tpu.memory_space<semaphore_mem>>) src(%arg18 : memref<32x128xf32, #tpu.memory_space<vmem>>) dst(%dma_wait3A_257 : memref<32x128xf32, #tpu.memory_space<vmem_shared>>)
    %mul3A_258 = arith.constant 640 : i32
    %mul3A_259 = arith.muli %arg1, %mul3A_258 : i32
    %add3A_260 = arith.constant 288 : i32
    %add3A_261 = arith.addi %mul3A_259, %add3A_260 : i32
    %dma_wait3A_262 = arith.constant 0 : i32
    %dma_wait3A_263 = tpu.memref_slice %arg19[%add3A_261, %dma_wait3A_262] : memref<10240x128xf32, #tpu.memory_space<vmem_shared>> -> memref<32x128xf32, #tpu.memory_space<vmem_shared>>
    %dma_wait3A_264 = arith.constant 0 : i32
    %dma_wait3A_265 = tpu.memref_slice %arg19[%add3A_261, %dma_wait3A_264] : memref<10240x128xf32, #tpu.memory_space<vmem_shared>> -> memref<32x128xf32, #tpu.memory_space<vmem_shared>>
    tpu.wait_dma2 semaphore(%arg28 : memref<!tpu.dma_semaphore, #tpu.memory_space<semaphore_mem>>) src(%arg18 : memref<32x128xf32, #tpu.memory_space<vmem>>) dst(%dma_wait3A_265 : memref<32x128xf32, #tpu.memory_space<vmem_shared>>)
    %mul3A_266 = arith.constant 640 : i32
    %mul3A_267 = arith.muli %arg1, %mul3A_266 : i32
    %add3A_268 = arith.constant 320 : i32
    %add3A_269 = arith.addi %mul3A_267, %add3A_268 : i32
    %dma_wait3A_270 = arith.constant 0 : i32
    %dma_wait3A_271 = tpu.memref_slice %arg19[%add3A_269, %dma_wait3A_270] : memref<10240x128xf32, #tpu.memory_space<vmem_shared>> -> memref<32x128xf32, #tpu.memory_space<vmem_shared>>
    %dma_wait3A_272 = arith.constant 0 : i32
    %dma_wait3A_273 = tpu.memref_slice %arg19[%add3A_269, %dma_wait3A_272] : memref<10240x128xf32, #tpu.memory_space<vmem_shared>> -> memref<32x128xf32, #tpu.memory_space<vmem_shared>>
    tpu.wait_dma2 semaphore(%arg28 : memref<!tpu.dma_semaphore, #tpu.memory_space<semaphore_mem>>) src(%arg18 : memref<32x128xf32, #tpu.memory_space<vmem>>) dst(%dma_wait3A_273 : memref<32x128xf32, #tpu.memory_space<vmem_shared>>)
    %mul3A_274 = arith.constant 640 : i32
    %mul3A_275 = arith.muli %arg1, %mul3A_274 : i32
    %add3A_276 = arith.constant 352 : i32
    %add3A_277 = arith.addi %mul3A_275, %add3A_276 : i32
    %dma_wait3A_278 = arith.constant 0 : i32
    %dma_wait3A_279 = tpu.memref_slice %arg19[%add3A_277, %dma_wait3A_278] : memref<10240x128xf32, #tpu.memory_space<vmem_shared>> -> memref<32x128xf32, #tpu.memory_space<vmem_shared>>
    %dma_wait3A_280 = arith.constant 0 : i32
    %dma_wait3A_281 = tpu.memref_slice %arg19[%add3A_277, %dma_wait3A_280] : memref<10240x128xf32, #tpu.memory_space<vmem_shared>> -> memref<32x128xf32, #tpu.memory_space<vmem_shared>>
    tpu.wait_dma2 semaphore(%arg28 : memref<!tpu.dma_semaphore, #tpu.memory_space<semaphore_mem>>) src(%arg18 : memref<32x128xf32, #tpu.memory_space<vmem>>) dst(%dma_wait3A_281 : memref<32x128xf32, #tpu.memory_space<vmem_shared>>)
    %mul3A_282 = arith.constant 640 : i32
    %mul3A_283 = arith.muli %arg1, %mul3A_282 : i32
    %add3A_284 = arith.constant 384 : i32
    %add3A_285 = arith.addi %mul3A_283, %add3A_284 : i32
    %dma_wait3A_286 = arith.constant 0 : i32
    %dma_wait3A_287 = tpu.memref_slice %arg19[%add3A_285, %dma_wait3A_286] : memref<10240x128xf32, #tpu.memory_space<vmem_shared>> -> memref<32x128xf32, #tpu.memory_space<vmem_shared>>
    %dma_wait3A_288 = arith.constant 0 : i32
    %dma_wait3A_289 = tpu.memref_slice %arg19[%add3A_285, %dma_wait3A_288] : memref<10240x128xf32, #tpu.memory_space<vmem_shared>> -> memref<32x128xf32, #tpu.memory_space<vmem_shared>>
    tpu.wait_dma2 semaphore(%arg28 : memref<!tpu.dma_semaphore, #tpu.memory_space<semaphore_mem>>) src(%arg18 : memref<32x128xf32, #tpu.memory_space<vmem>>) dst(%dma_wait3A_289 : memref<32x128xf32, #tpu.memory_space<vmem_shared>>)
    %mul3A_290 = arith.constant 640 : i32
    %mul3A_291 = arith.muli %arg1, %mul3A_290 : i32
    %add3A_292 = arith.constant 416 : i32
    %add3A_293 = arith.addi %mul3A_291, %add3A_292 : i32
    %dma_wait3A_294 = arith.constant 0 : i32
    %dma_wait3A_295 = tpu.memref_slice %arg19[%add3A_293, %dma_wait3A_294] : memref<10240x128xf32, #tpu.memory_space<vmem_shared>> -> memref<32x128xf32, #tpu.memory_space<vmem_shared>>
    %dma_wait3A_296 = arith.constant 0 : i32
    %dma_wait3A_297 = tpu.memref_slice %arg19[%add3A_293, %dma_wait3A_296] : memref<10240x128xf32, #tpu.memory_space<vmem_shared>> -> memref<32x128xf32, #tpu.memory_space<vmem_shared>>
    tpu.wait_dma2 semaphore(%arg28 : memref<!tpu.dma_semaphore, #tpu.memory_space<semaphore_mem>>) src(%arg18 : memref<32x128xf32, #tpu.memory_space<vmem>>) dst(%dma_wait3A_297 : memref<32x128xf32, #tpu.memory_space<vmem_shared>>)
    %mul3A_298 = arith.constant 640 : i32
    %mul3A_299 = arith.muli %arg1, %mul3A_298 : i32
    %add3A_300 = arith.constant 448 : i32
    %add3A_301 = arith.addi %mul3A_299, %add3A_300 : i32
    %dma_wait3A_302 = arith.constant 0 : i32
    %dma_wait3A_303 = tpu.memref_slice %arg19[%add3A_301, %dma_wait3A_302] : memref<10240x128xf32, #tpu.memory_space<vmem_shared>> -> memref<32x128xf32, #tpu.memory_space<vmem_shared>>
    %dma_wait3A_304 = arith.constant 0 : i32
    %dma_wait3A_305 = tpu.memref_slice %arg19[%add3A_301, %dma_wait3A_304] : memref<10240x128xf32, #tpu.memory_space<vmem_shared>> -> memref<32x128xf32, #tpu.memory_space<vmem_shared>>
    tpu.wait_dma2 semaphore(%arg28 : memref<!tpu.dma_semaphore, #tpu.memory_space<semaphore_mem>>) src(%arg18 : memref<32x128xf32, #tpu.memory_space<vmem>>) dst(%dma_wait3A_305 : memref<32x128xf32, #tpu.memory_space<vmem_shared>>)
    %mul3A_306 = arith.constant 640 : i32
    %mul3A_307 = arith.muli %arg1, %mul3A_306 : i32
    %add3A_308 = arith.constant 480 : i32
    %add3A_309 = arith.addi %mul3A_307, %add3A_308 : i32
    %dma_wait3A_310 = arith.constant 0 : i32
    %dma_wait3A_311 = tpu.memref_slice %arg19[%add3A_309, %dma_wait3A_310] : memref<10240x128xf32, #tpu.memory_space<vmem_shared>> -> memref<32x128xf32, #tpu.memory_space<vmem_shared>>
    %dma_wait3A_312 = arith.constant 0 : i32
    %dma_wait3A_313 = tpu.memref_slice %arg19[%add3A_309, %dma_wait3A_312] : memref<10240x128xf32, #tpu.memory_space<vmem_shared>> -> memref<32x128xf32, #tpu.memory_space<vmem_shared>>
    tpu.wait_dma2 semaphore(%arg28 : memref<!tpu.dma_semaphore, #tpu.memory_space<semaphore_mem>>) src(%arg18 : memref<32x128xf32, #tpu.memory_space<vmem>>) dst(%dma_wait3A_313 : memref<32x128xf32, #tpu.memory_space<vmem_shared>>)
    %mul3A_314 = arith.constant 640 : i32
    %mul3A_315 = arith.muli %arg1, %mul3A_314 : i32
    %add3A_316 = arith.constant 512 : i32
    %add3A_317 = arith.addi %mul3A_315, %add3A_316 : i32
    %dma_wait3A_318 = arith.constant 0 : i32
    %dma_wait3A_319 = tpu.memref_slice %arg19[%add3A_317, %dma_wait3A_318] : memref<10240x128xf32, #tpu.memory_space<vmem_shared>> -> memref<32x128xf32, #tpu.memory_space<vmem_shared>>
    %dma_wait3A_320 = arith.constant 0 : i32
    %dma_wait3A_321 = tpu.memref_slice %arg19[%add3A_317, %dma_wait3A_320] : memref<10240x128xf32, #tpu.memory_space<vmem_shared>> -> memref<32x128xf32, #tpu.memory_space<vmem_shared>>
    tpu.wait_dma2 semaphore(%arg28 : memref<!tpu.dma_semaphore, #tpu.memory_space<semaphore_mem>>) src(%arg18 : memref<32x128xf32, #tpu.memory_space<vmem>>) dst(%dma_wait3A_321 : memref<32x128xf32, #tpu.memory_space<vmem_shared>>)
    %mul3A_322 = arith.constant 640 : i32
    %mul3A_323 = arith.muli %arg1, %mul3A_322 : i32
    %add3A_324 = arith.constant 544 : i32
    %add3A_325 = arith.addi %mul3A_323, %add3A_324 : i32
    %dma_wait3A_326 = arith.constant 0 : i32
    %dma_wait3A_327 = tpu.memref_slice %arg19[%add3A_325, %dma_wait3A_326] : memref<10240x128xf32, #tpu.memory_space<vmem_shared>> -> memref<32x128xf32, #tpu.memory_space<vmem_shared>>
    %dma_wait3A_328 = arith.constant 0 : i32
    %dma_wait3A_329 = tpu.memref_slice %arg19[%add3A_325, %dma_wait3A_328] : memref<10240x128xf32, #tpu.memory_space<vmem_shared>> -> memref<32x128xf32, #tpu.memory_space<vmem_shared>>
    tpu.wait_dma2 semaphore(%arg28 : memref<!tpu.dma_semaphore, #tpu.memory_space<semaphore_mem>>) src(%arg18 : memref<32x128xf32, #tpu.memory_space<vmem>>) dst(%dma_wait3A_329 : memref<32x128xf32, #tpu.memory_space<vmem_shared>>)
    %mul3A_330 = arith.constant 640 : i32
    %mul3A_331 = arith.muli %arg1, %mul3A_330 : i32
    %add3A_332 = arith.constant 576 : i32
    %add3A_333 = arith.addi %mul3A_331, %add3A_332 : i32
    %dma_wait3A_334 = arith.constant 0 : i32
    %dma_wait3A_335 = tpu.memref_slice %arg19[%add3A_333, %dma_wait3A_334] : memref<10240x128xf32, #tpu.memory_space<vmem_shared>> -> memref<32x128xf32, #tpu.memory_space<vmem_shared>>
    %dma_wait3A_336 = arith.constant 0 : i32
    %dma_wait3A_337 = tpu.memref_slice %arg19[%add3A_333, %dma_wait3A_336] : memref<10240x128xf32, #tpu.memory_space<vmem_shared>> -> memref<32x128xf32, #tpu.memory_space<vmem_shared>>
    tpu.wait_dma2 semaphore(%arg28 : memref<!tpu.dma_semaphore, #tpu.memory_space<semaphore_mem>>) src(%arg18 : memref<32x128xf32, #tpu.memory_space<vmem>>) dst(%dma_wait3A_337 : memref<32x128xf32, #tpu.memory_space<vmem_shared>>)
    %mul3A_338 = arith.constant 640 : i32
    %mul3A_339 = arith.muli %arg1, %mul3A_338 : i32
    %add3A_340 = arith.constant 608 : i32
    %add3A_341 = arith.addi %mul3A_339, %add3A_340 : i32
    %dma_wait3A_342 = arith.constant 0 : i32
    %dma_wait3A_343 = tpu.memref_slice %arg19[%add3A_341, %dma_wait3A_342] : memref<10240x128xf32, #tpu.memory_space<vmem_shared>> -> memref<32x128xf32, #tpu.memory_space<vmem_shared>>
    %dma_wait3A_344 = arith.constant 0 : i32
    %dma_wait3A_345 = tpu.memref_slice %arg19[%add3A_341, %dma_wait3A_344] : memref<10240x128xf32, #tpu.memory_space<vmem_shared>> -> memref<32x128xf32, #tpu.memory_space<vmem_shared>>
    tpu.wait_dma2 semaphore(%arg28 : memref<!tpu.dma_semaphore, #tpu.memory_space<semaphore_mem>>) src(%arg18 : memref<32x128xf32, #tpu.memory_space<vmem>>) dst(%dma_wait3A_345 : memref<32x128xf32, #tpu.memory_space<vmem_shared>>)
    %barrier3A = arith.constant 0 : index
    tpu.barrier barrier_id(%barrier3A)
    %scan3A_346 = arith.constant 0 : i32
    %scan3A_347 = arith.constant 30 : i32
    %scan3A_348 = arith.addi %scan3A_346, %scan3A_347 : i32
    %scan3A_349 = arith.constant 1 : i32
    scf.for %scan3A_418 = %scan3A_346 to %scan3A_348 step %scan3A_349  : i32 {
      %mul3A_419 = arith.constant 1 : i32
      %mul3A_420 = arith.muli %scan3A_418, %mul3A_419 : i32
      %add3A_421 = arith.constant 0 : i32
      %add3A_422 = arith.addi %add3A_421, %mul3A_420 : i32
      %mul3A_423 = arith.constant 4 : i32
      %mul3A_424 = arith.muli %mul3A_423, %add3A_422 : i32
      %add3A_425 = arith.constant 0 : i32
      %add3A_426 = arith.addi %mul3A_424, %add3A_425 : i32
      %dma_wait3A_427 = arith.constant 0 : i32
      %dma_wait3A_428 = arith.constant 0 : i32
      %dma_wait3A_429 = tpu.memref_slice %arg2[%dma_wait3A_427, %dma_wait3A_428] : memref<10000x128xf32, #tpu.memory_space<hbm>> -> memref<10000x128xf32, #tpu.memory_space<hbm>>
      tpu.wait_indirect_dma semaphore(%arg20 : memref<!tpu.dma_semaphore, #tpu.memory_space<semaphore_mem>>) src(%dma_wait3A_429 : memref<10000x128xf32, #tpu.memory_space<hbm>>) dst(%arg14 : memref<80x128xf32, #tpu.memory_space<vmem>>)
      %dma_start3A_430 = arith.constant 0 : i32
      %dma_start3A_431 = arith.constant 0 : i32
      %dma_start3A_432 = tpu.memref_slice %arg19[%dma_start3A_430, %dma_start3A_431] : memref<10240x128xf32, #tpu.memory_space<vmem_shared>> -> memref<10240x128xf32, #tpu.memory_space<vmem_shared>>
      tpu.enqueue_indirect_dma source(%arg14 : memref<80x128xf32, #tpu.memory_space<vmem>>) target(%dma_start3A_432 : memref<10240x128xf32, #tpu.memory_space<vmem_shared>>) offsets(%arg10 : memref<80xi32, #tpu.memory_space<vmem>>) semaphore(%arg24 : memref<!tpu.dma_semaphore, #tpu.memory_space<semaphore_mem>>) {add = true}
      %ge3A = arith.constant 1 : i32
      %ge3A_433 = arith.cmpi sge, %add3A_422, %ge3A : i32
      %convert_element_type3A = arith.extui %ge3A_433 : i1 to i32
      %cond3A = arith.constant 0 : i32
      %cond3A_434 = arith.cmpi ne, %convert_element_type3A, %cond3A : i32
      scf.if %cond3A_434 {
        %dma_wait3A_518 = arith.constant 0 : i32
        %dma_wait3A_519 = arith.constant 0 : i32
        %dma_wait3A_520 = tpu.memref_slice %arg19[%dma_wait3A_518, %dma_wait3A_519] : memref<10240x128xf32, #tpu.memory_space<vmem_shared>> -> memref<10240x128xf32, #tpu.memory_space<vmem_shared>>
        tpu.wait_indirect_dma semaphore(%arg27 : memref<!tpu.dma_semaphore, #tpu.memory_space<semaphore_mem>>) src(%arg17 : memref<80x128xf32, #tpu.memory_space<vmem>>) dst(%dma_wait3A_520 : memref<10240x128xf32, #tpu.memory_space<vmem_shared>>)
      } else {
      }
      %add3A_435 = arith.constant 3 : i32
      %add3A_436 = arith.addi %add3A_426, %add3A_435 : i32
      %mul3A_437 = arith.constant 80 : i32
      %mul3A_438 = arith.muli %add3A_436, %mul3A_437 : i32
      %add3A_439 = arith.addi %mul3A_2, %mul3A_438 : i32
      "tpu.region"() ({
        %run_scoped3A = tpu.sem_alloc : memref<!tpu.dma_semaphore, #tpu.memory_space<semaphore_mem>>
        %dma_start3A_518 = tpu.memref_slice %arg3[%add3A_439] : memref<320000xi32, #tpu.memory_space<hbm>> -> memref<80xi32, #tpu.memory_space<hbm>>
        %dma_start3A_519 = tpu.memref_slice %arg3[%add3A_439] : memref<320000xi32, #tpu.memory_space<hbm>> -> memref<80xi32, #tpu.memory_space<hbm>>
        tpu.enqueue_dma source(%dma_start3A_519 : memref<80xi32, #tpu.memory_space<hbm>>) target(%arg9 : memref<80xi32, #tpu.memory_space<vmem>>) target_semaphore(%run_scoped3A : memref<!tpu.dma_semaphore, #tpu.memory_space<semaphore_mem>>)
        %dma_wait3A_520 = tpu.memref_slice %arg3[%add3A_439] : memref<320000xi32, #tpu.memory_space<hbm>> -> memref<80xi32, #tpu.memory_space<hbm>>
        %dma_wait3A_521 = tpu.memref_slice %arg3[%add3A_439] : memref<320000xi32, #tpu.memory_space<hbm>> -> memref<80xi32, #tpu.memory_space<hbm>>
        tpu.wait_dma2 semaphore(%run_scoped3A : memref<!tpu.dma_semaphore, #tpu.memory_space<semaphore_mem>>) src(%dma_wait3A_521 : memref<80xi32, #tpu.memory_space<hbm>>) dst(%arg9 : memref<80xi32, #tpu.memory_space<vmem>>)
        tpu.yield
      }) : () -> ()
      %mul3A_440 = arith.constant 80 : i32
      %mul3A_441 = arith.muli %add3A_436, %mul3A_440 : i32
      %add3A_442 = arith.addi %mul3A_2, %mul3A_441 : i32
      "tpu.region"() ({
        %run_scoped3A = tpu.sem_alloc : memref<!tpu.dma_semaphore, #tpu.memory_space<semaphore_mem>>
        %dma_start3A_518 = tpu.memref_slice %arg4[%add3A_442] : memref<320000xi32, #tpu.memory_space<hbm>> -> memref<80xi32, #tpu.memory_space<hbm>>
        %dma_start3A_519 = tpu.memref_slice %arg4[%add3A_442] : memref<320000xi32, #tpu.memory_space<hbm>> -> memref<80xi32, #tpu.memory_space<hbm>>
        tpu.enqueue_dma source(%dma_start3A_519 : memref<80xi32, #tpu.memory_space<hbm>>) target(%arg13 : memref<80xi32, #tpu.memory_space<vmem>>) target_semaphore(%run_scoped3A : memref<!tpu.dma_semaphore, #tpu.memory_space<semaphore_mem>>)
        %dma_wait3A_520 = tpu.memref_slice %arg4[%add3A_442] : memref<320000xi32, #tpu.memory_space<hbm>> -> memref<80xi32, #tpu.memory_space<hbm>>
        %dma_wait3A_521 = tpu.memref_slice %arg4[%add3A_442] : memref<320000xi32, #tpu.memory_space<hbm>> -> memref<80xi32, #tpu.memory_space<hbm>>
        tpu.wait_dma2 semaphore(%run_scoped3A : memref<!tpu.dma_semaphore, #tpu.memory_space<semaphore_mem>>) src(%dma_wait3A_521 : memref<80xi32, #tpu.memory_space<hbm>>) dst(%arg13 : memref<80xi32, #tpu.memory_space<vmem>>)
        tpu.yield
      }) : () -> ()
      %dma_start3A_443 = arith.constant 0 : i32
      %dma_start3A_444 = arith.constant 0 : i32
      %dma_start3A_445 = tpu.memref_slice %arg2[%dma_start3A_443, %dma_start3A_444] : memref<10000x128xf32, #tpu.memory_space<hbm>> -> memref<10000x128xf32, #tpu.memory_space<hbm>>
      tpu.enqueue_indirect_dma source(%dma_start3A_445 : memref<10000x128xf32, #tpu.memory_space<hbm>>) target(%arg17 : memref<80x128xf32, #tpu.memory_space<vmem>>) offsets(%arg9 : memref<80xi32, #tpu.memory_space<vmem>>) semaphore(%arg23 : memref<!tpu.dma_semaphore, #tpu.memory_space<semaphore_mem>>)
      %mul3A_446 = arith.constant 4 : i32
      %mul3A_447 = arith.muli %mul3A_446, %add3A_422 : i32
      %add3A_448 = arith.constant 1 : i32
      %add3A_449 = arith.addi %mul3A_447, %add3A_448 : i32
      %dma_wait3A_450 = arith.constant 0 : i32
      %dma_wait3A_451 = arith.constant 0 : i32
      %dma_wait3A_452 = tpu.memref_slice %arg2[%dma_wait3A_450, %dma_wait3A_451] : memref<10000x128xf32, #tpu.memory_space<hbm>> -> memref<10000x128xf32, #tpu.memory_space<hbm>>
      tpu.wait_indirect_dma semaphore(%arg21 : memref<!tpu.dma_semaphore, #tpu.memory_space<semaphore_mem>>) src(%dma_wait3A_452 : memref<10000x128xf32, #tpu.memory_space<hbm>>) dst(%arg15 : memref<80x128xf32, #tpu.memory_space<vmem>>)
      %dma_start3A_453 = arith.constant 0 : i32
      %dma_start3A_454 = arith.constant 0 : i32
      %dma_start3A_455 = tpu.memref_slice %arg19[%dma_start3A_453, %dma_start3A_454] : memref<10240x128xf32, #tpu.memory_space<vmem_shared>> -> memref<10240x128xf32, #tpu.memory_space<vmem_shared>>
      tpu.enqueue_indirect_dma source(%arg15 : memref<80x128xf32, #tpu.memory_space<vmem>>) target(%dma_start3A_455 : memref<10240x128xf32, #tpu.memory_space<vmem_shared>>) offsets(%arg11 : memref<80xi32, #tpu.memory_space<vmem>>) semaphore(%arg25 : memref<!tpu.dma_semaphore, #tpu.memory_space<semaphore_mem>>) {add = true}
      %dma_wait3A_456 = arith.constant 0 : i32
      %dma_wait3A_457 = arith.constant 0 : i32
      %dma_wait3A_458 = tpu.memref_slice %arg19[%dma_wait3A_456, %dma_wait3A_457] : memref<10240x128xf32, #tpu.memory_space<vmem_shared>> -> memref<10240x128xf32, #tpu.memory_space<vmem_shared>>
      tpu.wait_indirect_dma semaphore(%arg24 : memref<!tpu.dma_semaphore, #tpu.memory_space<semaphore_mem>>) src(%arg14 : memref<80x128xf32, #tpu.memory_space<vmem>>) dst(%dma_wait3A_458 : memref<10240x128xf32, #tpu.memory_space<vmem_shared>>)
      %add3A_459 = arith.constant 3 : i32
      %add3A_460 = arith.addi %add3A_449, %add3A_459 : i32
      %mul3A_461 = arith.constant 80 : i32
      %mul3A_462 = arith.muli %add3A_460, %mul3A_461 : i32
      %add3A_463 = arith.addi %mul3A_2, %mul3A_462 : i32
      "tpu.region"() ({
        %run_scoped3A = tpu.sem_alloc : memref<!tpu.dma_semaphore, #tpu.memory_space<semaphore_mem>>
        %dma_start3A_518 = tpu.memref_slice %arg3[%add3A_463] : memref<320000xi32, #tpu.memory_space<hbm>> -> memref<80xi32, #tpu.memory_space<hbm>>
        %dma_start3A_519 = tpu.memref_slice %arg3[%add3A_463] : memref<320000xi32, #tpu.memory_space<hbm>> -> memref<80xi32, #tpu.memory_space<hbm>>
        tpu.enqueue_dma source(%dma_start3A_519 : memref<80xi32, #tpu.memory_space<hbm>>) target(%arg6 : memref<80xi32, #tpu.memory_space<vmem>>) target_semaphore(%run_scoped3A : memref<!tpu.dma_semaphore, #tpu.memory_space<semaphore_mem>>)
        %dma_wait3A_520 = tpu.memref_slice %arg3[%add3A_463] : memref<320000xi32, #tpu.memory_space<hbm>> -> memref<80xi32, #tpu.memory_space<hbm>>
        %dma_wait3A_521 = tpu.memref_slice %arg3[%add3A_463] : memref<320000xi32, #tpu.memory_space<hbm>> -> memref<80xi32, #tpu.memory_space<hbm>>
        tpu.wait_dma2 semaphore(%run_scoped3A : memref<!tpu.dma_semaphore, #tpu.memory_space<semaphore_mem>>) src(%dma_wait3A_521 : memref<80xi32, #tpu.memory_space<hbm>>) dst(%arg6 : memref<80xi32, #tpu.memory_space<vmem>>)
        tpu.yield
      }) : () -> ()
      %mul3A_464 = arith.constant 80 : i32
      %mul3A_465 = arith.muli %add3A_460, %mul3A_464 : i32
      %add3A_466 = arith.addi %mul3A_2, %mul3A_465 : i32
      "tpu.region"() ({
        %run_scoped3A = tpu.sem_alloc : memref<!tpu.dma_semaphore, #tpu.memory_space<semaphore_mem>>
        %dma_start3A_518 = tpu.memref_slice %arg4[%add3A_466] : memref<320000xi32, #tpu.memory_space<hbm>> -> memref<80xi32, #tpu.memory_space<hbm>>
        %dma_start3A_519 = tpu.memref_slice %arg4[%add3A_466] : memref<320000xi32, #tpu.memory_space<hbm>> -> memref<80xi32, #tpu.memory_space<hbm>>
        tpu.enqueue_dma source(%dma_start3A_519 : memref<80xi32, #tpu.memory_space<hbm>>) target(%arg10 : memref<80xi32, #tpu.memory_space<vmem>>) target_semaphore(%run_scoped3A : memref<!tpu.dma_semaphore, #tpu.memory_space<semaphore_mem>>)
        %dma_wait3A_520 = tpu.memref_slice %arg4[%add3A_466] : memref<320000xi32, #tpu.memory_space<hbm>> -> memref<80xi32, #tpu.memory_space<hbm>>
        %dma_wait3A_521 = tpu.memref_slice %arg4[%add3A_466] : memref<320000xi32, #tpu.memory_space<hbm>> -> memref<80xi32, #tpu.memory_space<hbm>>
        tpu.wait_dma2 semaphore(%run_scoped3A : memref<!tpu.dma_semaphore, #tpu.memory_space<semaphore_mem>>) src(%dma_wait3A_521 : memref<80xi32, #tpu.memory_space<hbm>>) dst(%arg10 : memref<80xi32, #tpu.memory_space<vmem>>)
        tpu.yield
      }) : () -> ()
      %dma_start3A_467 = arith.constant 0 : i32
      %dma_start3A_468 = arith.constant 0 : i32
      %dma_start3A_469 = tpu.memref_slice %arg2[%dma_start3A_467, %dma_start3A_468] : memref<10000x128xf32, #tpu.memory_space<hbm>> -> memref<10000x128xf32, #tpu.memory_space<hbm>>
      tpu.enqueue_indirect_dma source(%dma_start3A_469 : memref<10000x128xf32, #tpu.memory_space<hbm>>) target(%arg14 : memref<80x128xf32, #tpu.memory_space<vmem>>) offsets(%arg6 : memref<80xi32, #tpu.memory_space<vmem>>) semaphore(%arg20 : memref<!tpu.dma_semaphore, #tpu.memory_space<semaphore_mem>>)
      %mul3A_470 = arith.constant 4 : i32
      %mul3A_471 = arith.muli %mul3A_470, %add3A_422 : i32
      %add3A_472 = arith.constant 2 : i32
      %add3A_473 = arith.addi %mul3A_471, %add3A_472 : i32
      %dma_wait3A_474 = arith.constant 0 : i32
      %dma_wait3A_475 = arith.constant 0 : i32
      %dma_wait3A_476 = tpu.memref_slice %arg2[%dma_wait3A_474, %dma_wait3A_475] : memref<10000x128xf32, #tpu.memory_space<hbm>> -> memref<10000x128xf32, #tpu.memory_space<hbm>>
      tpu.wait_indirect_dma semaphore(%arg22 : memref<!tpu.dma_semaphore, #tpu.memory_space<semaphore_mem>>) src(%dma_wait3A_476 : memref<10000x128xf32, #tpu.memory_space<hbm>>) dst(%arg16 : memref<80x128xf32, #tpu.memory_space<vmem>>)
      %dma_start3A_477 = arith.constant 0 : i32
      %dma_start3A_478 = arith.constant 0 : i32
      %dma_start3A_479 = tpu.memref_slice %arg19[%dma_start3A_477, %dma_start3A_478] : memref<10240x128xf32, #tpu.memory_space<vmem_shared>> -> memref<10240x128xf32, #tpu.memory_space<vmem_shared>>
      tpu.enqueue_indirect_dma source(%arg16 : memref<80x128xf32, #tpu.memory_space<vmem>>) target(%dma_start3A_479 : memref<10240x128xf32, #tpu.memory_space<vmem_shared>>) offsets(%arg12 : memref<80xi32, #tpu.memory_space<vmem>>) semaphore(%arg26 : memref<!tpu.dma_semaphore, #tpu.memory_space<semaphore_mem>>) {add = true}
      %dma_wait3A_480 = arith.constant 0 : i32
      %dma_wait3A_481 = arith.constant 0 : i32
      %dma_wait3A_482 = tpu.memref_slice %arg19[%dma_wait3A_480, %dma_wait3A_481] : memref<10240x128xf32, #tpu.memory_space<vmem_shared>> -> memref<10240x128xf32, #tpu.memory_space<vmem_shared>>
      tpu.wait_indirect_dma semaphore(%arg25 : memref<!tpu.dma_semaphore, #tpu.memory_space<semaphore_mem>>) src(%arg15 : memref<80x128xf32, #tpu.memory_space<vmem>>) dst(%dma_wait3A_482 : memref<10240x128xf32, #tpu.memory_space<vmem_shared>>)
      %add3A_483 = arith.constant 3 : i32
      %add3A_484 = arith.addi %add3A_473, %add3A_483 : i32
      %mul3A_485 = arith.constant 80 : i32
      %mul3A_486 = arith.muli %add3A_484, %mul3A_485 : i32
      %add3A_487 = arith.addi %mul3A_2, %mul3A_486 : i32
      "tpu.region"() ({
        %run_scoped3A = tpu.sem_alloc : memref<!tpu.dma_semaphore, #tpu.memory_space<semaphore_mem>>
        %dma_start3A_518 = tpu.memref_slice %arg3[%add3A_487] : memref<320000xi32, #tpu.memory_space<hbm>> -> memref<80xi32, #tpu.memory_space<hbm>>
        %dma_start3A_519 = tpu.memref_slice %arg3[%add3A_487] : memref<320000xi32, #tpu.memory_space<hbm>> -> memref<80xi32, #tpu.memory_space<hbm>>
        tpu.enqueue_dma source(%dma_start3A_519 : memref<80xi32, #tpu.memory_space<hbm>>) target(%arg7 : memref<80xi32, #tpu.memory_space<vmem>>) target_semaphore(%run_scoped3A : memref<!tpu.dma_semaphore, #tpu.memory_space<semaphore_mem>>)
        %dma_wait3A_520 = tpu.memref_slice %arg3[%add3A_487] : memref<320000xi32, #tpu.memory_space<hbm>> -> memref<80xi32, #tpu.memory_space<hbm>>
        %dma_wait3A_521 = tpu.memref_slice %arg3[%add3A_487] : memref<320000xi32, #tpu.memory_space<hbm>> -> memref<80xi32, #tpu.memory_space<hbm>>
        tpu.wait_dma2 semaphore(%run_scoped3A : memref<!tpu.dma_semaphore, #tpu.memory_space<semaphore_mem>>) src(%dma_wait3A_521 : memref<80xi32, #tpu.memory_space<hbm>>) dst(%arg7 : memref<80xi32, #tpu.memory_space<vmem>>)
        tpu.yield
      }) : () -> ()
      %mul3A_488 = arith.constant 80 : i32
      %mul3A_489 = arith.muli %add3A_484, %mul3A_488 : i32
      %add3A_490 = arith.addi %mul3A_2, %mul3A_489 : i32
      "tpu.region"() ({
        %run_scoped3A = tpu.sem_alloc : memref<!tpu.dma_semaphore, #tpu.memory_space<semaphore_mem>>
        %dma_start3A_518 = tpu.memref_slice %arg4[%add3A_490] : memref<320000xi32, #tpu.memory_space<hbm>> -> memref<80xi32, #tpu.memory_space<hbm>>
        %dma_start3A_519 = tpu.memref_slice %arg4[%add3A_490] : memref<320000xi32, #tpu.memory_space<hbm>> -> memref<80xi32, #tpu.memory_space<hbm>>
        tpu.enqueue_dma source(%dma_start3A_519 : memref<80xi32, #tpu.memory_space<hbm>>) target(%arg11 : memref<80xi32, #tpu.memory_space<vmem>>) target_semaphore(%run_scoped3A : memref<!tpu.dma_semaphore, #tpu.memory_space<semaphore_mem>>)
        %dma_wait3A_520 = tpu.memref_slice %arg4[%add3A_490] : memref<320000xi32, #tpu.memory_space<hbm>> -> memref<80xi32, #tpu.memory_space<hbm>>
        %dma_wait3A_521 = tpu.memref_slice %arg4[%add3A_490] : memref<320000xi32, #tpu.memory_space<hbm>> -> memref<80xi32, #tpu.memory_space<hbm>>
        tpu.wait_dma2 semaphore(%run_scoped3A : memref<!tpu.dma_semaphore, #tpu.memory_space<semaphore_mem>>) src(%dma_wait3A_521 : memref<80xi32, #tpu.memory_space<hbm>>) dst(%arg11 : memref<80xi32, #tpu.memory_space<vmem>>)
        tpu.yield
      }) : () -> ()
      %dma_start3A_491 = arith.constant 0 : i32
      %dma_start3A_492 = arith.constant 0 : i32
      %dma_start3A_493 = tpu.memref_slice %arg2[%dma_start3A_491, %dma_start3A_492] : memref<10000x128xf32, #tpu.memory_space<hbm>> -> memref<10000x128xf32, #tpu.memory_space<hbm>>
      tpu.enqueue_indirect_dma source(%dma_start3A_493 : memref<10000x128xf32, #tpu.memory_space<hbm>>) target(%arg15 : memref<80x128xf32, #tpu.memory_space<vmem>>) offsets(%arg7 : memref<80xi32, #tpu.memory_space<vmem>>) semaphore(%arg21 : memref<!tpu.dma_semaphore, #tpu.memory_space<semaphore_mem>>)
      %mul3A_494 = arith.constant 4 : i32
      %mul3A_495 = arith.muli %mul3A_494, %add3A_422 : i32
      %add3A_496 = arith.constant 3 : i32
      %add3A_497 = arith.addi %mul3A_495, %add3A_496 : i32
      %dma_wait3A_498 = arith.constant 0 : i32
      %dma_wait3A_499 = arith.constant 0 : i32
      %dma_wait3A_500 = tpu.memref_slice %arg2[%dma_wait3A_498, %dma_wait3A_499] : memref<10000x128xf32, #tpu.memory_space<hbm>> -> memref<10000x128xf32, #tpu.memory_space<hbm>>
      tpu.wait_indirect_dma semaphore(%arg23 : memref<!tpu.dma_semaphore, #tpu.memory_space<semaphore_mem>>) src(%dma_wait3A_500 : memref<10000x128xf32, #tpu.memory_space<hbm>>) dst(%arg17 : memref<80x128xf32, #tpu.memory_space<vmem>>)
      %dma_start3A_501 = arith.constant 0 : i32
      %dma_start3A_502 = arith.constant 0 : i32
      %dma_start3A_503 = tpu.memref_slice %arg19[%dma_start3A_501, %dma_start3A_502] : memref<10240x128xf32, #tpu.memory_space<vmem_shared>> -> memref<10240x128xf32, #tpu.memory_space<vmem_shared>>
      tpu.enqueue_indirect_dma source(%arg17 : memref<80x128xf32, #tpu.memory_space<vmem>>) target(%dma_start3A_503 : memref<10240x128xf32, #tpu.memory_space<vmem_shared>>) offsets(%arg13 : memref<80xi32, #tpu.memory_space<vmem>>) semaphore(%arg27 : memref<!tpu.dma_semaphore, #tpu.memory_space<semaphore_mem>>) {add = true}
      %dma_wait3A_504 = arith.constant 0 : i32
      %dma_wait3A_505 = arith.constant 0 : i32
      %dma_wait3A_506 = tpu.memref_slice %arg19[%dma_wait3A_504, %dma_wait3A_505] : memref<10240x128xf32, #tpu.memory_space<vmem_shared>> -> memref<10240x128xf32, #tpu.memory_space<vmem_shared>>
      tpu.wait_indirect_dma semaphore(%arg26 : memref<!tpu.dma_semaphore, #tpu.memory_space<semaphore_mem>>) src(%arg16 : memref<80x128xf32, #tpu.memory_space<vmem>>) dst(%dma_wait3A_506 : memref<10240x128xf32, #tpu.memory_space<vmem_shared>>)
      %add3A_507 = arith.constant 3 : i32
      %add3A_508 = arith.addi %add3A_497, %add3A_507 : i32
      %mul3A_509 = arith.constant 80 : i32
      %mul3A_510 = arith.muli %add3A_508, %mul3A_509 : i32
      %add3A_511 = arith.addi %mul3A_2, %mul3A_510 : i32
      "tpu.region"() ({
        %run_scoped3A = tpu.sem_alloc : memref<!tpu.dma_semaphore, #tpu.memory_space<semaphore_mem>>
        %dma_start3A_518 = tpu.memref_slice %arg3[%add3A_511] : memref<320000xi32, #tpu.memory_space<hbm>> -> memref<80xi32, #tpu.memory_space<hbm>>
        %dma_start3A_519 = tpu.memref_slice %arg3[%add3A_511] : memref<320000xi32, #tpu.memory_space<hbm>> -> memref<80xi32, #tpu.memory_space<hbm>>
        tpu.enqueue_dma source(%dma_start3A_519 : memref<80xi32, #tpu.memory_space<hbm>>) target(%arg8 : memref<80xi32, #tpu.memory_space<vmem>>) target_semaphore(%run_scoped3A : memref<!tpu.dma_semaphore, #tpu.memory_space<semaphore_mem>>)
        %dma_wait3A_520 = tpu.memref_slice %arg3[%add3A_511] : memref<320000xi32, #tpu.memory_space<hbm>> -> memref<80xi32, #tpu.memory_space<hbm>>
        %dma_wait3A_521 = tpu.memref_slice %arg3[%add3A_511] : memref<320000xi32, #tpu.memory_space<hbm>> -> memref<80xi32, #tpu.memory_space<hbm>>
        tpu.wait_dma2 semaphore(%run_scoped3A : memref<!tpu.dma_semaphore, #tpu.memory_space<semaphore_mem>>) src(%dma_wait3A_521 : memref<80xi32, #tpu.memory_space<hbm>>) dst(%arg8 : memref<80xi32, #tpu.memory_space<vmem>>)
        tpu.yield
      }) : () -> ()
      %mul3A_512 = arith.constant 80 : i32
      %mul3A_513 = arith.muli %add3A_508, %mul3A_512 : i32
      %add3A_514 = arith.addi %mul3A_2, %mul3A_513 : i32
      "tpu.region"() ({
        %run_scoped3A = tpu.sem_alloc : memref<!tpu.dma_semaphore, #tpu.memory_space<semaphore_mem>>
        %dma_start3A_518 = tpu.memref_slice %arg4[%add3A_514] : memref<320000xi32, #tpu.memory_space<hbm>> -> memref<80xi32, #tpu.memory_space<hbm>>
        %dma_start3A_519 = tpu.memref_slice %arg4[%add3A_514] : memref<320000xi32, #tpu.memory_space<hbm>> -> memref<80xi32, #tpu.memory_space<hbm>>
        tpu.enqueue_dma source(%dma_start3A_519 : memref<80xi32, #tpu.memory_space<hbm>>) target(%arg12 : memref<80xi32, #tpu.memory_space<vmem>>) target_semaphore(%run_scoped3A : memref<!tpu.dma_semaphore, #tpu.memory_space<semaphore_mem>>)
        %dma_wait3A_520 = tpu.memref_slice %arg4[%add3A_514] : memref<320000xi32, #tpu.memory_space<hbm>> -> memref<80xi32, #tpu.memory_space<hbm>>
        %dma_wait3A_521 = tpu.memref_slice %arg4[%add3A_514] : memref<320000xi32, #tpu.memory_space<hbm>> -> memref<80xi32, #tpu.memory_space<hbm>>
        tpu.wait_dma2 semaphore(%run_scoped3A : memref<!tpu.dma_semaphore, #tpu.memory_space<semaphore_mem>>) src(%dma_wait3A_521 : memref<80xi32, #tpu.memory_space<hbm>>) dst(%arg12 : memref<80xi32, #tpu.memory_space<vmem>>)
        tpu.yield
      }) : () -> ()
      %dma_start3A_515 = arith.constant 0 : i32
      %dma_start3A_516 = arith.constant 0 : i32
      %dma_start3A_517 = tpu.memref_slice %arg2[%dma_start3A_515, %dma_start3A_516] : memref<10000x128xf32, #tpu.memory_space<hbm>> -> memref<10000x128xf32, #tpu.memory_space<hbm>>
      tpu.enqueue_indirect_dma source(%dma_start3A_517 : memref<10000x128xf32, #tpu.memory_space<hbm>>) target(%arg16 : memref<80x128xf32, #tpu.memory_space<vmem>>) offsets(%arg8 : memref<80xi32, #tpu.memory_space<vmem>>) semaphore(%arg22 : memref<!tpu.dma_semaphore, #tpu.memory_space<semaphore_mem>>)
    }
    %scan3A_350 = arith.constant 30 : i32
    %dma_wait3A_351 = arith.constant 0 : i32
    %dma_wait3A_352 = arith.constant 0 : i32
    %dma_wait3A_353 = tpu.memref_slice %arg2[%dma_wait3A_351, %dma_wait3A_352] : memref<10000x128xf32, #tpu.memory_space<hbm>> -> memref<10000x128xf32, #tpu.memory_space<hbm>>
    tpu.wait_indirect_dma semaphore(%arg20 : memref<!tpu.dma_semaphore, #tpu.memory_space<semaphore_mem>>) src(%dma_wait3A_353 : memref<10000x128xf32, #tpu.memory_space<hbm>>) dst(%arg14 : memref<80x128xf32, #tpu.memory_space<vmem>>)
    %dma_start3A_354 = arith.constant 0 : i32
    %dma_start3A_355 = arith.constant 0 : i32
    %dma_start3A_356 = tpu.memref_slice %arg19[%dma_start3A_354, %dma_start3A_355] : memref<10240x128xf32, #tpu.memory_space<vmem_shared>> -> memref<10240x128xf32, #tpu.memory_space<vmem_shared>>
    tpu.enqueue_indirect_dma source(%arg14 : memref<80x128xf32, #tpu.memory_space<vmem>>) target(%dma_start3A_356 : memref<10240x128xf32, #tpu.memory_space<vmem_shared>>) offsets(%arg10 : memref<80xi32, #tpu.memory_space<vmem>>) semaphore(%arg24 : memref<!tpu.dma_semaphore, #tpu.memory_space<semaphore_mem>>) {add = true}
    %dma_wait3A_357 = arith.constant 0 : i32
    %dma_wait3A_358 = arith.constant 0 : i32
    %dma_wait3A_359 = tpu.memref_slice %arg19[%dma_wait3A_357, %dma_wait3A_358] : memref<10240x128xf32, #tpu.memory_space<vmem_shared>> -> memref<10240x128xf32, #tpu.memory_space<vmem_shared>>
    tpu.wait_indirect_dma semaphore(%arg27 : memref<!tpu.dma_semaphore, #tpu.memory_space<semaphore_mem>>) src(%arg17 : memref<80x128xf32, #tpu.memory_space<vmem>>) dst(%dma_wait3A_359 : memref<10240x128xf32, #tpu.memory_space<vmem_shared>>)
    %add3A_360 = arith.constant 9840 : i32
    %add3A_361 = arith.addi %mul3A_2, %add3A_360 : i32
    "tpu.region"() ({
      %run_scoped3A = tpu.sem_alloc : memref<!tpu.dma_semaphore, #tpu.memory_space<semaphore_mem>>
      %dma_start3A_418 = tpu.memref_slice %arg3[%add3A_361] : memref<320000xi32, #tpu.memory_space<hbm>> -> memref<80xi32, #tpu.memory_space<hbm>>
      %dma_start3A_419 = tpu.memref_slice %arg3[%add3A_361] : memref<320000xi32, #tpu.memory_space<hbm>> -> memref<80xi32, #tpu.memory_space<hbm>>
      tpu.enqueue_dma source(%dma_start3A_419 : memref<80xi32, #tpu.memory_space<hbm>>) target(%arg9 : memref<80xi32, #tpu.memory_space<vmem>>) target_semaphore(%run_scoped3A : memref<!tpu.dma_semaphore, #tpu.memory_space<semaphore_mem>>)
      %dma_wait3A_420 = tpu.memref_slice %arg3[%add3A_361] : memref<320000xi32, #tpu.memory_space<hbm>> -> memref<80xi32, #tpu.memory_space<hbm>>
      %dma_wait3A_421 = tpu.memref_slice %arg3[%add3A_361] : memref<320000xi32, #tpu.memory_space<hbm>> -> memref<80xi32, #tpu.memory_space<hbm>>
      tpu.wait_dma2 semaphore(%run_scoped3A : memref<!tpu.dma_semaphore, #tpu.memory_space<semaphore_mem>>) src(%dma_wait3A_421 : memref<80xi32, #tpu.memory_space<hbm>>) dst(%arg9 : memref<80xi32, #tpu.memory_space<vmem>>)
      tpu.yield
    }) : () -> ()
    %add3A_362 = arith.constant 9840 : i32
    %add3A_363 = arith.addi %mul3A_2, %add3A_362 : i32
    "tpu.region"() ({
      %run_scoped3A = tpu.sem_alloc : memref<!tpu.dma_semaphore, #tpu.memory_space<semaphore_mem>>
      %dma_start3A_418 = tpu.memref_slice %arg4[%add3A_363] : memref<320000xi32, #tpu.memory_space<hbm>> -> memref<80xi32, #tpu.memory_space<hbm>>
      %dma_start3A_419 = tpu.memref_slice %arg4[%add3A_363] : memref<320000xi32, #tpu.memory_space<hbm>> -> memref<80xi32, #tpu.memory_space<hbm>>
      tpu.enqueue_dma source(%dma_start3A_419 : memref<80xi32, #tpu.memory_space<hbm>>) target(%arg13 : memref<80xi32, #tpu.memory_space<vmem>>) target_semaphore(%run_scoped3A : memref<!tpu.dma_semaphore, #tpu.memory_space<semaphore_mem>>)
      %dma_wait3A_420 = tpu.memref_slice %arg4[%add3A_363] : memref<320000xi32, #tpu.memory_space<hbm>> -> memref<80xi32, #tpu.memory_space<hbm>>
      %dma_wait3A_421 = tpu.memref_slice %arg4[%add3A_363] : memref<320000xi32, #tpu.memory_space<hbm>> -> memref<80xi32, #tpu.memory_space<hbm>>
      tpu.wait_dma2 semaphore(%run_scoped3A : memref<!tpu.dma_semaphore, #tpu.memory_space<semaphore_mem>>) src(%dma_wait3A_421 : memref<80xi32, #tpu.memory_space<hbm>>) dst(%arg13 : memref<80xi32, #tpu.memory_space<vmem>>)
      tpu.yield
    }) : () -> ()
    %dma_start3A_364 = arith.constant 0 : i32
    %dma_start3A_365 = arith.constant 0 : i32
    %dma_start3A_366 = tpu.memref_slice %arg2[%dma_start3A_364, %dma_start3A_365] : memref<10000x128xf32, #tpu.memory_space<hbm>> -> memref<10000x128xf32, #tpu.memory_space<hbm>>
    tpu.enqueue_indirect_dma source(%dma_start3A_366 : memref<10000x128xf32, #tpu.memory_space<hbm>>) target(%arg17 : memref<80x128xf32, #tpu.memory_space<vmem>>) offsets(%arg9 : memref<80xi32, #tpu.memory_space<vmem>>) semaphore(%arg23 : memref<!tpu.dma_semaphore, #tpu.memory_space<semaphore_mem>>)
    %dma_wait3A_367 = arith.constant 0 : i32
    %dma_wait3A_368 = arith.constant 0 : i32
    %dma_wait3A_369 = tpu.memref_slice %arg2[%dma_wait3A_367, %dma_wait3A_368] : memref<10000x128xf32, #tpu.memory_space<hbm>> -> memref<10000x128xf32, #tpu.memory_space<hbm>>
    tpu.wait_indirect_dma semaphore(%arg21 : memref<!tpu.dma_semaphore, #tpu.memory_space<semaphore_mem>>) src(%dma_wait3A_369 : memref<10000x128xf32, #tpu.memory_space<hbm>>) dst(%arg15 : memref<80x128xf32, #tpu.memory_space<vmem>>)
    %dma_start3A_370 = arith.constant 0 : i32
    %dma_start3A_371 = arith.constant 0 : i32
    %dma_start3A_372 = tpu.memref_slice %arg19[%dma_start3A_370, %dma_start3A_371] : memref<10240x128xf32, #tpu.memory_space<vmem_shared>> -> memref<10240x128xf32, #tpu.memory_space<vmem_shared>>
    tpu.enqueue_indirect_dma source(%arg15 : memref<80x128xf32, #tpu.memory_space<vmem>>) target(%dma_start3A_372 : memref<10240x128xf32, #tpu.memory_space<vmem_shared>>) offsets(%arg11 : memref<80xi32, #tpu.memory_space<vmem>>) semaphore(%arg25 : memref<!tpu.dma_semaphore, #tpu.memory_space<semaphore_mem>>) {add = true}
    %dma_wait3A_373 = arith.constant 0 : i32
    %dma_wait3A_374 = arith.constant 0 : i32
    %dma_wait3A_375 = tpu.memref_slice %arg19[%dma_wait3A_373, %dma_wait3A_374] : memref<10240x128xf32, #tpu.memory_space<vmem_shared>> -> memref<10240x128xf32, #tpu.memory_space<vmem_shared>>
    tpu.wait_indirect_dma semaphore(%arg24 : memref<!tpu.dma_semaphore, #tpu.memory_space<semaphore_mem>>) src(%arg14 : memref<80x128xf32, #tpu.memory_space<vmem>>) dst(%dma_wait3A_375 : memref<10240x128xf32, #tpu.memory_space<vmem_shared>>)
    %add3A_376 = arith.constant 9920 : i32
    %add3A_377 = arith.addi %mul3A_2, %add3A_376 : i32
    "tpu.region"() ({
      %run_scoped3A = tpu.sem_alloc : memref<!tpu.dma_semaphore, #tpu.memory_space<semaphore_mem>>
      %dma_start3A_418 = tpu.memref_slice %arg3[%add3A_377] : memref<320000xi32, #tpu.memory_space<hbm>> -> memref<80xi32, #tpu.memory_space<hbm>>
      %dma_start3A_419 = tpu.memref_slice %arg3[%add3A_377] : memref<320000xi32, #tpu.memory_space<hbm>> -> memref<80xi32, #tpu.memory_space<hbm>>
      tpu.enqueue_dma source(%dma_start3A_419 : memref<80xi32, #tpu.memory_space<hbm>>) target(%arg6 : memref<80xi32, #tpu.memory_space<vmem>>) target_semaphore(%run_scoped3A : memref<!tpu.dma_semaphore, #tpu.memory_space<semaphore_mem>>)
      %dma_wait3A_420 = tpu.memref_slice %arg3[%add3A_377] : memref<320000xi32, #tpu.memory_space<hbm>> -> memref<80xi32, #tpu.memory_space<hbm>>
      %dma_wait3A_421 = tpu.memref_slice %arg3[%add3A_377] : memref<320000xi32, #tpu.memory_space<hbm>> -> memref<80xi32, #tpu.memory_space<hbm>>
      tpu.wait_dma2 semaphore(%run_scoped3A : memref<!tpu.dma_semaphore, #tpu.memory_space<semaphore_mem>>) src(%dma_wait3A_421 : memref<80xi32, #tpu.memory_space<hbm>>) dst(%arg6 : memref<80xi32, #tpu.memory_space<vmem>>)
      tpu.yield
    }) : () -> ()
    %add3A_378 = arith.constant 9920 : i32
    %add3A_379 = arith.addi %mul3A_2, %add3A_378 : i32
    "tpu.region"() ({
      %run_scoped3A = tpu.sem_alloc : memref<!tpu.dma_semaphore, #tpu.memory_space<semaphore_mem>>
      %dma_start3A_418 = tpu.memref_slice %arg4[%add3A_379] : memref<320000xi32, #tpu.memory_space<hbm>> -> memref<80xi32, #tpu.memory_space<hbm>>
      %dma_start3A_419 = tpu.memref_slice %arg4[%add3A_379] : memref<320000xi32, #tpu.memory_space<hbm>> -> memref<80xi32, #tpu.memory_space<hbm>>
      tpu.enqueue_dma source(%dma_start3A_419 : memref<80xi32, #tpu.memory_space<hbm>>) target(%arg10 : memref<80xi32, #tpu.memory_space<vmem>>) target_semaphore(%run_scoped3A : memref<!tpu.dma_semaphore, #tpu.memory_space<semaphore_mem>>)
      %dma_wait3A_420 = tpu.memref_slice %arg4[%add3A_379] : memref<320000xi32, #tpu.memory_space<hbm>> -> memref<80xi32, #tpu.memory_space<hbm>>
      %dma_wait3A_421 = tpu.memref_slice %arg4[%add3A_379] : memref<320000xi32, #tpu.memory_space<hbm>> -> memref<80xi32, #tpu.memory_space<hbm>>
      tpu.wait_dma2 semaphore(%run_scoped3A : memref<!tpu.dma_semaphore, #tpu.memory_space<semaphore_mem>>) src(%dma_wait3A_421 : memref<80xi32, #tpu.memory_space<hbm>>) dst(%arg10 : memref<80xi32, #tpu.memory_space<vmem>>)
      tpu.yield
    }) : () -> ()
    %dma_start3A_380 = arith.constant 0 : i32
    %dma_start3A_381 = arith.constant 0 : i32
    %dma_start3A_382 = tpu.memref_slice %arg2[%dma_start3A_380, %dma_start3A_381] : memref<10000x128xf32, #tpu.memory_space<hbm>> -> memref<10000x128xf32, #tpu.memory_space<hbm>>
    tpu.enqueue_indirect_dma source(%dma_start3A_382 : memref<10000x128xf32, #tpu.memory_space<hbm>>) target(%arg14 : memref<80x128xf32, #tpu.memory_space<vmem>>) offsets(%arg6 : memref<80xi32, #tpu.memory_space<vmem>>) semaphore(%arg20 : memref<!tpu.dma_semaphore, #tpu.memory_space<semaphore_mem>>)
    %dma_wait3A_383 = arith.constant 0 : i32
    %dma_wait3A_384 = arith.constant 0 : i32
    %dma_wait3A_385 = tpu.memref_slice %arg2[%dma_wait3A_383, %dma_wait3A_384] : memref<10000x128xf32, #tpu.memory_space<hbm>> -> memref<10000x128xf32, #tpu.memory_space<hbm>>
    tpu.wait_indirect_dma semaphore(%arg22 : memref<!tpu.dma_semaphore, #tpu.memory_space<semaphore_mem>>) src(%dma_wait3A_385 : memref<10000x128xf32, #tpu.memory_space<hbm>>) dst(%arg16 : memref<80x128xf32, #tpu.memory_space<vmem>>)
    %dma_start3A_386 = arith.constant 0 : i32
    %dma_start3A_387 = arith.constant 0 : i32
    %dma_start3A_388 = tpu.memref_slice %arg19[%dma_start3A_386, %dma_start3A_387] : memref<10240x128xf32, #tpu.memory_space<vmem_shared>> -> memref<10240x128xf32, #tpu.memory_space<vmem_shared>>
    tpu.enqueue_indirect_dma source(%arg16 : memref<80x128xf32, #tpu.memory_space<vmem>>) target(%dma_start3A_388 : memref<10240x128xf32, #tpu.memory_space<vmem_shared>>) offsets(%arg12 : memref<80xi32, #tpu.memory_space<vmem>>) semaphore(%arg26 : memref<!tpu.dma_semaphore, #tpu.memory_space<semaphore_mem>>) {add = true}
    %dma_wait3A_389 = arith.constant 0 : i32
    %dma_wait3A_390 = arith.constant 0 : i32
    %dma_wait3A_391 = tpu.memref_slice %arg19[%dma_wait3A_389, %dma_wait3A_390] : memref<10240x128xf32, #tpu.memory_space<vmem_shared>> -> memref<10240x128xf32, #tpu.memory_space<vmem_shared>>
    tpu.wait_indirect_dma semaphore(%arg25 : memref<!tpu.dma_semaphore, #tpu.memory_space<semaphore_mem>>) src(%arg15 : memref<80x128xf32, #tpu.memory_space<vmem>>) dst(%dma_wait3A_391 : memref<10240x128xf32, #tpu.memory_space<vmem_shared>>)
    %dma_wait3A_392 = arith.constant 0 : i32
    %dma_wait3A_393 = arith.constant 0 : i32
    %dma_wait3A_394 = tpu.memref_slice %arg2[%dma_wait3A_392, %dma_wait3A_393] : memref<10000x128xf32, #tpu.memory_space<hbm>> -> memref<10000x128xf32, #tpu.memory_space<hbm>>
    tpu.wait_indirect_dma semaphore(%arg23 : memref<!tpu.dma_semaphore, #tpu.memory_space<semaphore_mem>>) src(%dma_wait3A_394 : memref<10000x128xf32, #tpu.memory_space<hbm>>) dst(%arg17 : memref<80x128xf32, #tpu.memory_space<vmem>>)
    %dma_start3A_395 = arith.constant 0 : i32
    %dma_start3A_396 = arith.constant 0 : i32
    %dma_start3A_397 = tpu.memref_slice %arg19[%dma_start3A_395, %dma_start3A_396] : memref<10240x128xf32, #tpu.memory_space<vmem_shared>> -> memref<10240x128xf32, #tpu.memory_space<vmem_shared>>
    tpu.enqueue_indirect_dma source(%arg17 : memref<80x128xf32, #tpu.memory_space<vmem>>) target(%dma_start3A_397 : memref<10240x128xf32, #tpu.memory_space<vmem_shared>>) offsets(%arg13 : memref<80xi32, #tpu.memory_space<vmem>>) semaphore(%arg27 : memref<!tpu.dma_semaphore, #tpu.memory_space<semaphore_mem>>) {add = true}
    %dma_wait3A_398 = arith.constant 0 : i32
    %dma_wait3A_399 = arith.constant 0 : i32
    %dma_wait3A_400 = tpu.memref_slice %arg19[%dma_wait3A_398, %dma_wait3A_399] : memref<10240x128xf32, #tpu.memory_space<vmem_shared>> -> memref<10240x128xf32, #tpu.memory_space<vmem_shared>>
    tpu.wait_indirect_dma semaphore(%arg26 : memref<!tpu.dma_semaphore, #tpu.memory_space<semaphore_mem>>) src(%arg16 : memref<80x128xf32, #tpu.memory_space<vmem>>) dst(%dma_wait3A_400 : memref<10240x128xf32, #tpu.memory_space<vmem_shared>>)
    %dma_wait3A_401 = arith.constant 0 : i32
    %dma_wait3A_402 = arith.constant 0 : i32
    %dma_wait3A_403 = tpu.memref_slice %arg2[%dma_wait3A_401, %dma_wait3A_402] : memref<10000x128xf32, #tpu.memory_space<hbm>> -> memref<10000x128xf32, #tpu.memory_space<hbm>>
    tpu.wait_indirect_dma semaphore(%arg20 : memref<!tpu.dma_semaphore, #tpu.memory_space<semaphore_mem>>) src(%dma_wait3A_403 : memref<10000x128xf32, #tpu.memory_space<hbm>>) dst(%arg14 : memref<80x128xf32, #tpu.memory_space<vmem>>)
    %dma_start3A_404 = arith.constant 0 : i32
    %dma_start3A_405 = arith.constant 0 : i32
    %dma_start3A_406 = tpu.memref_slice %arg19[%dma_start3A_404, %dma_start3A_405] : memref<10240x128xf32, #tpu.memory_space<vmem_shared>> -> memref<10240x128xf32, #tpu.memory_space<vmem_shared>>
    tpu.enqueue_indirect_dma source(%arg14 : memref<80x128xf32, #tpu.memory_space<vmem>>) target(%dma_start3A_406 : memref<10240x128xf32, #tpu.memory_space<vmem_shared>>) offsets(%arg10 : memref<80xi32, #tpu.memory_space<vmem>>) semaphore(%arg24 : memref<!tpu.dma_semaphore, #tpu.memory_space<semaphore_mem>>) {add = true}
    %dma_wait3A_407 = arith.constant 0 : i32
    %dma_wait3A_408 = arith.constant 0 : i32
    %dma_wait3A_409 = tpu.memref_slice %arg19[%dma_wait3A_407, %dma_wait3A_408] : memref<10240x128xf32, #tpu.memory_space<vmem_shared>> -> memref<10240x128xf32, #tpu.memory_space<vmem_shared>>
    tpu.wait_indirect_dma semaphore(%arg27 : memref<!tpu.dma_semaphore, #tpu.memory_space<semaphore_mem>>) src(%arg17 : memref<80x128xf32, #tpu.memory_space<vmem>>) dst(%dma_wait3A_409 : memref<10240x128xf32, #tpu.memory_space<vmem_shared>>)
    %dma_wait3A_410 = arith.constant 0 : i32
    %dma_wait3A_411 = arith.constant 0 : i32
    %dma_wait3A_412 = tpu.memref_slice %arg19[%dma_wait3A_410, %dma_wait3A_411] : memref<10240x128xf32, #tpu.memory_space<vmem_shared>> -> memref<10240x128xf32, #tpu.memory_space<vmem_shared>>
    tpu.wait_indirect_dma semaphore(%arg24 : memref<!tpu.dma_semaphore, #tpu.memory_space<semaphore_mem>>) src(%arg14 : memref<80x128xf32, #tpu.memory_space<vmem>>) dst(%dma_wait3A_412 : memref<10240x128xf32, #tpu.memory_space<vmem_shared>>)
    %barrier3A_413 = arith.constant 0 : index
    tpu.barrier barrier_id(%barrier3A_413)
    %mul3A_414 = arith.constant 640 : i32
    %mul3A_415 = arith.muli %arg1, %mul3A_414 : i32
    %mul3A_416 = arith.constant 640 : i32
    %mul3A_417 = arith.muli %arg1, %mul3A_416 : i32
    "tpu.region"() ({
      %run_scoped3A = tpu.sem_alloc : memref<!tpu.dma_semaphore, #tpu.memory_space<semaphore_mem>>
      %dma_start3A_418 = arith.constant 0 : i32
      %dma_start3A_419 = tpu.memref_slice %arg5[%arg0, %mul3A_417, %dma_start3A_418] : memref<2x10240x128xf32, #tpu.memory_space<hbm>> -> memref<1x640x128xf32, #tpu.memory_space<hbm>>
      %dma_start3A_420 = tpu.memref_squeeze %dma_start3A_419 : memref<1x640x128xf32, #tpu.memory_space<hbm>> -> memref<640x128xf32, #tpu.memory_space<hbm>>
      %dma_start3A_421 = arith.constant 0 : i32
      %dma_start3A_422 = tpu.memref_slice %arg19[%mul3A_415, %dma_start3A_421] : memref<10240x128xf32, #tpu.memory_space<vmem_shared>> -> memref<640x128xf32, #tpu.memory_space<vmem_shared>>
      tpu.enqueue_dma source(%dma_start3A_422 : memref<640x128xf32, #tpu.memory_space<vmem_shared>>) target(%dma_start3A_420 : memref<640x128xf32, #tpu.memory_space<hbm>>) target_semaphore(%run_scoped3A : memref<!tpu.dma_semaphore, #tpu.memory_space<semaphore_mem>>)
      %dma_wait3A_423 = arith.constant 0 : i32
      %dma_wait3A_424 = tpu.memref_slice %arg5[%arg0, %mul3A_417, %dma_wait3A_423] : memref<2x10240x128xf32, #tpu.memory_space<hbm>> -> memref<1x640x128xf32, #tpu.memory_space<hbm>>
      %dma_wait3A_425 = tpu.memref_squeeze %dma_wait3A_424 : memref<1x640x128xf32, #tpu.memory_space<hbm>> -> memref<640x128xf32, #tpu.memory_space<hbm>>
      %dma_wait3A_426 = arith.constant 0 : i32
      %dma_wait3A_427 = tpu.memref_slice %arg19[%mul3A_415, %dma_wait3A_426] : memref<10240x128xf32, #tpu.memory_space<vmem_shared>> -> memref<640x128xf32, #tpu.memory_space<vmem_shared>>
      tpu.wait_dma2 semaphore(%run_scoped3A : memref<!tpu.dma_semaphore, #tpu.memory_space<semaphore_mem>>) src(%dma_wait3A_427 : memref<640x128xf32, #tpu.memory_space<vmem_shared>>) dst(%dma_wait3A_425 : memref<640x128xf32, #tpu.memory_space<hbm>>)
      tpu.yield
    }) : () -> ()
    return
  }
}

#map = affine_map<(d0, d1) -> (0)>
module attributes {stable_mosaic.version = 14 : i64} {
  func.func @_deg_partials(%arg0: i32, %arg1: i32, %arg2: memref<320000xi32, #tpu.memory_space<hbm>>, %arg3: memref<327680xf32, #tpu.memory_space<hbm>>, %arg4: memref<10240xf32, #tpu.memory_space<vmem>>, %arg5: memref<10000xi32, #tpu.memory_space<vmem>>, %arg6: memref<!tpu.dma_semaphore, #tpu.memory_space<semaphore_mem>>) attributes {dimension_semantics = [#tpu.dimension_semantics<core_parallel>, #tpu.dimension_semantics<subcore_parallel>], iteration_bounds = array<i64: 2, 16>, scalar_prefetch = 0 : i64, scratch_operands = 3 : i64, tpu.core_type = #tpu.core_type<sc_vector_subcore>, window_params = [{transform_indices = #map}, {transform_indices = #map}]} {
    %mul3A = arith.constant 2 : i32
    %mul3A_0 = arith.muli %arg1, %mul3A : i32
    %add3A = arith.addi %mul3A_0, %arg0 : i32
    %mul3A_1 = arith.constant 10000 : i32
    %mul3A_2 = arith.muli %add3A, %mul3A_1 : i32
    %dma_start3A = tpu.memref_slice %arg2[%mul3A_2] : memref<320000xi32, #tpu.memory_space<hbm>> -> memref<10000xi32, #tpu.memory_space<hbm>>
    %dma_start3A_3 = tpu.memref_slice %arg2[%mul3A_2] : memref<320000xi32, #tpu.memory_space<hbm>> -> memref<10000xi32, #tpu.memory_space<hbm>>
    tpu.enqueue_dma source(%dma_start3A_3 : memref<10000xi32, #tpu.memory_space<hbm>>) target(%arg5 : memref<10000xi32, #tpu.memory_space<vmem>>) target_semaphore(%arg6 : memref<!tpu.dma_semaphore, #tpu.memory_space<semaphore_mem>>)
    %scan3A = arith.constant 0 : i32
    %scan3A_4 = arith.constant 640 : i32
    %scan3A_5 = arith.addi %scan3A, %scan3A_4 : i32
    %scan3A_6 = arith.constant 1 : i32
    scf.for %scan3A_17 = %scan3A to %scan3A_5 step %scan3A_6  : i32 {
      %mul3A_18 = arith.constant 1 : i32
      %mul3A_19 = arith.muli %scan3A_17, %mul3A_18 : i32
      %add3A_20 = arith.constant 0 : i32
      %add3A_21 = arith.addi %add3A_20, %mul3A_19 : i32
      %broadcast_in_dim3A_22 = arith.constant 0.000000e+00 : f32
      %broadcast_in_dim3A_23 = vector.broadcast %broadcast_in_dim3A_22 : f32 to vector<16xf32>
      %mul3A_24 = arith.constant 16 : i32
      %mul3A_25 = arith.muli %add3A_21, %mul3A_24 : i32
      %swap3A = arith.index_cast %mul3A_25 : i32 to index
      %swap3A_26 = tpu.vector_load %arg4[%swap3A] {strides = array<i32>} : memref<10240xf32, #tpu.memory_space<vmem>>, vector<16xf32>,
      tpu.vector_store %arg4[%swap3A], %broadcast_in_dim3A_23 {strides = array<i32>} : memref<10240xf32, #tpu.memory_space<vmem>>, vector<16xf32>,
    }
    %scan3A_7 = arith.constant 640 : i32
    %dma_wait3A = tpu.memref_slice %arg2[%mul3A_2] : memref<320000xi32, #tpu.memory_space<hbm>> -> memref<10000xi32, #tpu.memory_space<hbm>>
    %dma_wait3A_8 = tpu.memref_slice %arg2[%mul3A_2] : memref<320000xi32, #tpu.memory_space<hbm>> -> memref<10000xi32, #tpu.memory_space<hbm>>
    tpu.wait_dma2 semaphore(%arg6 : memref<!tpu.dma_semaphore, #tpu.memory_space<semaphore_mem>>) src(%dma_wait3A_8 : memref<10000xi32, #tpu.memory_space<hbm>>) dst(%arg5 : memref<10000xi32, #tpu.memory_space<vmem>>)
    %broadcast_in_dim3A = arith.constant 1.000000e+00 : f32
    %broadcast_in_dim3A_9 = vector.broadcast %broadcast_in_dim3A : f32 to vector<16xf32>
    %scan3A_10 = arith.constant 0 : i32
    %scan3A_11 = arith.constant 125 : i32
    %scan3A_12 = arith.addi %scan3A_10, %scan3A_11 : i32
    %scan3A_13 = arith.constant 1 : i32
    scf.for %scan3A_17 = %scan3A_10 to %scan3A_12 step %scan3A_13  : i32 {
      %mul3A_18 = arith.constant 1 : i32
      %mul3A_19 = arith.muli %scan3A_17, %mul3A_18 : i32
      %add3A_20 = arith.constant 0 : i32
      %add3A_21 = arith.addi %add3A_20, %mul3A_19 : i32
      %mul3A_22 = arith.constant 80 : i32
      %mul3A_23 = arith.muli %add3A_21, %mul3A_22 : i32
      %add3A_24 = arith.constant 0 : i32
      %add3A_25 = arith.addi %mul3A_23, %add3A_24 : i32
      %get3A = arith.index_cast %add3A_25 : i32 to index
      %get3A_26 = tpu.vector_load %arg5[%get3A] {strides = array<i32>} : memref<10000xi32, #tpu.memory_space<vmem>>, vector<16xi32>,
      tpu.vector_store_idx %arg4[%get3A_26], %broadcast_in_dim3A_9 {add = true} : memref<10240xf32, #tpu.memory_space<vmem>>[vector<16xi32>], vector<16xf32>,
      %mul3A_27 = arith.constant 80 : i32
      %mul3A_28 = arith.muli %add3A_21, %mul3A_27 : i32
      %add3A_29 = arith.constant 16 : i32
      %add3A_30 = arith.addi %mul3A_28, %add3A_29 : i32
      %get3A_31 = arith.index_cast %add3A_30 : i32 to index
      %get3A_32 = tpu.vector_load %arg5[%get3A_31] {strides = array<i32>} : memref<10000xi32, #tpu.memory_space<vmem>>, vector<16xi32>,
      tpu.vector_store_idx %arg4[%get3A_32], %broadcast_in_dim3A_9 {add = true} : memref<10240xf32, #tpu.memory_space<vmem>>[vector<16xi32>], vector<16xf32>,
      %mul3A_33 = arith.constant 80 : i32
      %mul3A_34 = arith.muli %add3A_21, %mul3A_33 : i32
      %add3A_35 = arith.constant 32 : i32
      %add3A_36 = arith.addi %mul3A_34, %add3A_35 : i32
      %get3A_37 = arith.index_cast %add3A_36 : i32 to index
      %get3A_38 = tpu.vector_load %arg5[%get3A_37] {strides = array<i32>} : memref<10000xi32, #tpu.memory_space<vmem>>, vector<16xi32>,
      tpu.vector_store_idx %arg4[%get3A_38], %broadcast_in_dim3A_9 {add = true} : memref<10240xf32, #tpu.memory_space<vmem>>[vector<16xi32>], vector<16xf32>,
      %mul3A_39 = arith.constant 80 : i32
      %mul3A_40 = arith.muli %add3A_21, %mul3A_39 : i32
      %add3A_41 = arith.constant 48 : i32
      %add3A_42 = arith.addi %mul3A_40, %add3A_41 : i32
      %get3A_43 = arith.index_cast %add3A_42 : i32 to index
      %get3A_44 = tpu.vector_load %arg5[%get3A_43] {strides = array<i32>} : memref<10000xi32, #tpu.memory_space<vmem>>, vector<16xi32>,
      tpu.vector_store_idx %arg4[%get3A_44], %broadcast_in_dim3A_9 {add = true} : memref<10240xf32, #tpu.memory_space<vmem>>[vector<16xi32>], vector<16xf32>,
      %mul3A_45 = arith.constant 80 : i32
      %mul3A_46 = arith.muli %add3A_21, %mul3A_45 : i32
      %add3A_47 = arith.constant 64 : i32
      %add3A_48 = arith.addi %mul3A_46, %add3A_47 : i32
      %get3A_49 = arith.index_cast %add3A_48 : i32 to index
      %get3A_50 = tpu.vector_load %arg5[%get3A_49] {strides = array<i32>} : memref<10000xi32, #tpu.memory_space<vmem>>, vector<16xi32>,
      tpu.vector_store_idx %arg4[%get3A_50], %broadcast_in_dim3A_9 {add = true} : memref<10240xf32, #tpu.memory_space<vmem>>[vector<16xi32>], vector<16xf32>,
    }
    %scan3A_14 = arith.constant 125 : i32
    %mul3A_15 = arith.constant 10240 : i32
    %mul3A_16 = arith.muli %add3A, %mul3A_15 : i32
    "tpu.region"() ({
      %run_scoped3A = tpu.sem_alloc : memref<!tpu.dma_semaphore, #tpu.memory_space<semaphore_mem>>
      %dma_start3A_17 = tpu.memref_slice %arg3[%mul3A_16] : memref<327680xf32, #tpu.memory_space<hbm>> -> memref<10240xf32, #tpu.memory_space<hbm>>
      %dma_start3A_18 = tpu.memref_slice %arg3[%mul3A_16] : memref<327680xf32, #tpu.memory_space<hbm>> -> memref<10240xf32, #tpu.memory_space<hbm>>
      tpu.enqueue_dma source(%arg4 : memref<10240xf32, #tpu.memory_space<vmem>>) target(%dma_start3A_18 : memref<10240xf32, #tpu.memory_space<hbm>>) target_semaphore(%run_scoped3A : memref<!tpu.dma_semaphore, #tpu.memory_space<semaphore_mem>>)
      %dma_wait3A_19 = tpu.memref_slice %arg3[%mul3A_16] : memref<327680xf32, #tpu.memory_space<hbm>> -> memref<10240xf32, #tpu.memory_space<hbm>>
      %dma_wait3A_20 = tpu.memref_slice %arg3[%mul3A_16] : memref<327680xf32, #tpu.memory_space<hbm>> -> memref<10240xf32, #tpu.memory_space<hbm>>
      tpu.wait_dma2 semaphore(%run_scoped3A : memref<!tpu.dma_semaphore, #tpu.memory_space<semaphore_mem>>) src(%arg4 : memref<10240xf32, #tpu.memory_space<vmem>>) dst(%dma_wait3A_20 : memref<10240xf32, #tpu.memory_space<hbm>>)
      tpu.yield
    }) : () -> ()
    return
  }
}

#map = affine_map<(d0, d1) -> (0, 0)>
#map1 = affine_map<(d0, d1) -> (0)>
#map2 = affine_map<(d0, d1) -> (0, 0, 0)>
module attributes {stable_mosaic.version = 14 : i64} {
  func.func @_agg_partials(%arg0: i32, %arg1: i32, %arg2: memref<10000x128xf32, #tpu.memory_space<hbm>>, %arg3: memref<320000xi32, #tpu.memory_space<hbm>>, %arg4: memref<320000xi32, #tpu.memory_space<hbm>>, %arg5: memref<2x10240x128xf32, #tpu.memory_space<hbm>>, %arg6: memref<80xi32, #tpu.memory_space<vmem>>, %arg7: memref<80xi32, #tpu.memory_space<vmem>>, %arg8: memref<80xi32, #tpu.memory_space<vmem>>, %arg9: memref<80xi32, #tpu.memory_space<vmem>>, %arg10: memref<80xi32, #tpu.memory_space<vmem>>, %arg11: memref<80xi32, #tpu.memory_space<vmem>>, %arg12: memref<80xi32, #tpu.memory_space<vmem>>, %arg13: memref<80xi32, #tpu.memory_space<vmem>>, %arg14: memref<80x128xf32, #tpu.memory_space<vmem>>, %arg15: memref<80x128xf32, #tpu.memory_space<vmem>>, %arg16: memref<80x128xf32, #tpu.memory_space<vmem>>, %arg17: memref<80x128xf32, #tpu.memory_space<vmem>>, %arg18: memref<32x128xf32, #tpu.memory_space<vmem>>, %arg19: memref<10240x128xf32, #tpu.memory_space<vmem_shared>>, %arg20: memref<!tpu.dma_semaphore, #tpu.memory_space<semaphore_mem>>, %arg21: memref<!tpu.dma_semaphore, #tpu.memory_space<semaphore_mem>>, %arg22: memref<!tpu.dma_semaphore, #tpu.memory_space<semaphore_mem>>, %arg23: memref<!tpu.dma_semaphore, #tpu.memory_space<semaphore_mem>>, %arg24: memref<!tpu.dma_semaphore, #tpu.memory_space<semaphore_mem>>, %arg25: memref<!tpu.dma_semaphore, #tpu.memory_space<semaphore_mem>>, %arg26: memref<!tpu.dma_semaphore, #tpu.memory_space<semaphore_mem>>, %arg27: memref<!tpu.dma_semaphore, #tpu.memory_space<semaphore_mem>>, %arg28: memref<!tpu.dma_semaphore, #tpu.memory_space<semaphore_mem>>) attributes {dimension_semantics = [#tpu.dimension_semantics<core_parallel>, #tpu.dimension_semantics<subcore_parallel>], iteration_bounds = array<i64: 2, 16>, scalar_prefetch = 0 : i64, scratch_operands = 23 : i64, tpu.core_type = #tpu.core_type<sc_vector_subcore>, window_params = [{transform_indices = #map}, {transform_indices = #map1}, {transform_indices = #map1}, {transform_indices = #map2}]} {
    %mul3A = arith.constant 2 : i32
    %mul3A_0 = arith.muli %arg1, %mul3A : i32
    %add3A = arith.addi %mul3A_0, %arg0 : i32
    %mul3A_1 = arith.constant 10000 : i32
    %mul3A_2 = arith.muli %add3A, %mul3A_1 : i32
    %scan3A = arith.constant 0 : i32
    %scan3A_3 = arith.constant 32 : i32
    %scan3A_4 = arith.addi %scan3A, %scan3A_3 : i32
    %scan3A_5 = arith.constant 1 : i32
    scf.for %scan3A_418 = %scan3A to %scan3A_4 step %scan3A_5  : i32 {
      %mul3A_419 = arith.constant 1 : i32
      %mul3A_420 = arith.muli %scan3A_418, %mul3A_419 : i32
      %add3A_421 = arith.constant 0 : i32
      %add3A_422 = arith.addi %add3A_421, %mul3A_420 : i32
      %scan3A_423 = arith.constant 0 : i32
      %scan3A_424 = arith.constant 8 : i32
      %scan3A_425 = arith.addi %scan3A_423, %scan3A_424 : i32
      %scan3A_426 = arith.constant 1 : i32
      scf.for %scan3A_428 = %scan3A_423 to %scan3A_425 step %scan3A_426  : i32 {
        %mul3A_429 = arith.constant 1 : i32
        %mul3A_430 = arith.muli %scan3A_428, %mul3A_429 : i32
        %add3A_431 = arith.constant 0 : i32
        %add3A_432 = arith.addi %add3A_431, %mul3A_430 : i32
        %broadcast_in_dim3A = arith.constant 0.000000e+00 : f32
        %broadcast_in_dim3A_433 = vector.broadcast %broadcast_in_dim3A : f32 to vector<16xf32>
        %mul3A_434 = arith.constant 16 : i32
        %mul3A_435 = arith.muli %add3A_432, %mul3A_434 : i32
        %swap3A = arith.index_cast %add3A_422 : i32 to index
        %swap3A_436 = arith.index_cast %mul3A_435 : i32 to index
        %swap3A_437 = tpu.vector_load %arg18[%swap3A, %swap3A_436] {strides = array<i32>} : memref<32x128xf32, #tpu.memory_space<vmem>>, vector<1x16xf32>,
        %swap3A_438 = vector.shape_cast %swap3A_437 : vector<1x16xf32> to vector<16xf32>
        %swap3A_439 = vector.shape_cast %broadcast_in_dim3A_433 : vector<16xf32> to vector<1x16xf32>
        tpu.vector_store %arg18[%swap3A, %swap3A_436], %swap3A_439 {strides = array<i32>} : memref<32x128xf32, #tpu.memory_space<vmem>>, vector<1x16xf32>,
      }
      %scan3A_427 = arith.constant 8 : i32
    }
    %scan3A_6 = arith.constant 32 : i32
    %mul3A_7 = arith.constant 640 : i32
    %mul3A_8 = arith.muli %arg1, %mul3A_7 : i32
    %add3A_9 = arith.constant 0 : i32
    %add3A_10 = arith.addi %mul3A_8, %add3A_9 : i32
    %dma_start3A = arith.constant 0 : i32
    %dma_start3A_11 = tpu.memref_slice %arg19[%add3A_10, %dma_start3A] : memref<10240x128xf32, #tpu.memory_space<vmem_shared>> -> memref<32x128xf32, #tpu.memory_space<vmem_shared>>
    %dma_start3A_12 = arith.constant 0 : i32
    %dma_start3A_13 = tpu.memref_slice %arg19[%add3A_10, %dma_start3A_12] : memref<10240x128xf32, #tpu.memory_space<vmem_shared>> -> memref<32x128xf32, #tpu.memory_space<vmem_shared>>
    tpu.enqueue_dma source(%arg18 : memref<32x128xf32, #tpu.memory_space<vmem>>) target(%dma_start3A_13 : memref<32x128xf32, #tpu.memory_space<vmem_shared>>) target_semaphore(%arg28 : memref<!tpu.dma_semaphore, #tpu.memory_space<semaphore_mem>>)
    %mul3A_14 = arith.constant 640 : i32
    %mul3A_15 = arith.muli %arg1, %mul3A_14 : i32
    %add3A_16 = arith.constant 32 : i32
    %add3A_17 = arith.addi %mul3A_15, %add3A_16 : i32
    %dma_start3A_18 = arith.constant 0 : i32
    %dma_start3A_19 = tpu.memref_slice %arg19[%add3A_17, %dma_start3A_18] : memref<10240x128xf32, #tpu.memory_space<vmem_shared>> -> memref<32x128xf32, #tpu.memory_space<vmem_shared>>
    %dma_start3A_20 = arith.constant 0 : i32
    %dma_start3A_21 = tpu.memref_slice %arg19[%add3A_17, %dma_start3A_20] : memref<10240x128xf32, #tpu.memory_space<vmem_shared>> -> memref<32x128xf32, #tpu.memory_space<vmem_shared>>
    tpu.enqueue_dma source(%arg18 : memref<32x128xf32, #tpu.memory_space<vmem>>) target(%dma_start3A_21 : memref<32x128xf32, #tpu.memory_space<vmem_shared>>) target_semaphore(%arg28 : memref<!tpu.dma_semaphore, #tpu.memory_space<semaphore_mem>>)
    %mul3A_22 = arith.constant 640 : i32
    %mul3A_23 = arith.muli %arg1, %mul3A_22 : i32
    %add3A_24 = arith.constant 64 : i32
    %add3A_25 = arith.addi %mul3A_23, %add3A_24 : i32
    %dma_start3A_26 = arith.constant 0 : i32
    %dma_start3A_27 = tpu.memref_slice %arg19[%add3A_25, %dma_start3A_26] : memref<10240x128xf32, #tpu.memory_space<vmem_shared>> -> memref<32x128xf32, #tpu.memory_space<vmem_shared>>
    %dma_start3A_28 = arith.constant 0 : i32
    %dma_start3A_29 = tpu.memref_slice %arg19[%add3A_25, %dma_start3A_28] : memref<10240x128xf32, #tpu.memory_space<vmem_shared>> -> memref<32x128xf32, #tpu.memory_space<vmem_shared>>
    tpu.enqueue_dma source(%arg18 : memref<32x128xf32, #tpu.memory_space<vmem>>) target(%dma_start3A_29 : memref<32x128xf32, #tpu.memory_space<vmem_shared>>) target_semaphore(%arg28 : memref<!tpu.dma_semaphore, #tpu.memory_space<semaphore_mem>>)
    %mul3A_30 = arith.constant 640 : i32
    %mul3A_31 = arith.muli %arg1, %mul3A_30 : i32
    %add3A_32 = arith.constant 96 : i32
    %add3A_33 = arith.addi %mul3A_31, %add3A_32 : i32
    %dma_start3A_34 = arith.constant 0 : i32
    %dma_start3A_35 = tpu.memref_slice %arg19[%add3A_33, %dma_start3A_34] : memref<10240x128xf32, #tpu.memory_space<vmem_shared>> -> memref<32x128xf32, #tpu.memory_space<vmem_shared>>
    %dma_start3A_36 = arith.constant 0 : i32
    %dma_start3A_37 = tpu.memref_slice %arg19[%add3A_33, %dma_start3A_36] : memref<10240x128xf32, #tpu.memory_space<vmem_shared>> -> memref<32x128xf32, #tpu.memory_space<vmem_shared>>
    tpu.enqueue_dma source(%arg18 : memref<32x128xf32, #tpu.memory_space<vmem>>) target(%dma_start3A_37 : memref<32x128xf32, #tpu.memory_space<vmem_shared>>) target_semaphore(%arg28 : memref<!tpu.dma_semaphore, #tpu.memory_space<semaphore_mem>>)
    %mul3A_38 = arith.constant 640 : i32
    %mul3A_39 = arith.muli %arg1, %mul3A_38 : i32
    %add3A_40 = arith.constant 128 : i32
    %add3A_41 = arith.addi %mul3A_39, %add3A_40 : i32
    %dma_start3A_42 = arith.constant 0 : i32
    %dma_start3A_43 = tpu.memref_slice %arg19[%add3A_41, %dma_start3A_42] : memref<10240x128xf32, #tpu.memory_space<vmem_shared>> -> memref<32x128xf32, #tpu.memory_space<vmem_shared>>
    %dma_start3A_44 = arith.constant 0 : i32
    %dma_start3A_45 = tpu.memref_slice %arg19[%add3A_41, %dma_start3A_44] : memref<10240x128xf32, #tpu.memory_space<vmem_shared>> -> memref<32x128xf32, #tpu.memory_space<vmem_shared>>
    tpu.enqueue_dma source(%arg18 : memref<32x128xf32, #tpu.memory_space<vmem>>) target(%dma_start3A_45 : memref<32x128xf32, #tpu.memory_space<vmem_shared>>) target_semaphore(%arg28 : memref<!tpu.dma_semaphore, #tpu.memory_space<semaphore_mem>>)
    %mul3A_46 = arith.constant 640 : i32
    %mul3A_47 = arith.muli %arg1, %mul3A_46 : i32
    %add3A_48 = arith.constant 160 : i32
    %add3A_49 = arith.addi %mul3A_47, %add3A_48 : i32
    %dma_start3A_50 = arith.constant 0 : i32
    %dma_start3A_51 = tpu.memref_slice %arg19[%add3A_49, %dma_start3A_50] : memref<10240x128xf32, #tpu.memory_space<vmem_shared>> -> memref<32x128xf32, #tpu.memory_space<vmem_shared>>
    %dma_start3A_52 = arith.constant 0 : i32
    %dma_start3A_53 = tpu.memref_slice %arg19[%add3A_49, %dma_start3A_52] : memref<10240x128xf32, #tpu.memory_space<vmem_shared>> -> memref<32x128xf32, #tpu.memory_space<vmem_shared>>
    tpu.enqueue_dma source(%arg18 : memref<32x128xf32, #tpu.memory_space<vmem>>) target(%dma_start3A_53 : memref<32x128xf32, #tpu.memory_space<vmem_shared>>) target_semaphore(%arg28 : memref<!tpu.dma_semaphore, #tpu.memory_space<semaphore_mem>>)
    %mul3A_54 = arith.constant 640 : i32
    %mul3A_55 = arith.muli %arg1, %mul3A_54 : i32
    %add3A_56 = arith.constant 192 : i32
    %add3A_57 = arith.addi %mul3A_55, %add3A_56 : i32
    %dma_start3A_58 = arith.constant 0 : i32
    %dma_start3A_59 = tpu.memref_slice %arg19[%add3A_57, %dma_start3A_58] : memref<10240x128xf32, #tpu.memory_space<vmem_shared>> -> memref<32x128xf32, #tpu.memory_space<vmem_shared>>
    %dma_start3A_60 = arith.constant 0 : i32
    %dma_start3A_61 = tpu.memref_slice %arg19[%add3A_57, %dma_start3A_60] : memref<10240x128xf32, #tpu.memory_space<vmem_shared>> -> memref<32x128xf32, #tpu.memory_space<vmem_shared>>
    tpu.enqueue_dma source(%arg18 : memref<32x128xf32, #tpu.memory_space<vmem>>) target(%dma_start3A_61 : memref<32x128xf32, #tpu.memory_space<vmem_shared>>) target_semaphore(%arg28 : memref<!tpu.dma_semaphore, #tpu.memory_space<semaphore_mem>>)
    %mul3A_62 = arith.constant 640 : i32
    %mul3A_63 = arith.muli %arg1, %mul3A_62 : i32
    %add3A_64 = arith.constant 224 : i32
    %add3A_65 = arith.addi %mul3A_63, %add3A_64 : i32
    %dma_start3A_66 = arith.constant 0 : i32
    %dma_start3A_67 = tpu.memref_slice %arg19[%add3A_65, %dma_start3A_66] : memref<10240x128xf32, #tpu.memory_space<vmem_shared>> -> memref<32x128xf32, #tpu.memory_space<vmem_shared>>
    %dma_start3A_68 = arith.constant 0 : i32
    %dma_start3A_69 = tpu.memref_slice %arg19[%add3A_65, %dma_start3A_68] : memref<10240x128xf32, #tpu.memory_space<vmem_shared>> -> memref<32x128xf32, #tpu.memory_space<vmem_shared>>
    tpu.enqueue_dma source(%arg18 : memref<32x128xf32, #tpu.memory_space<vmem>>) target(%dma_start3A_69 : memref<32x128xf32, #tpu.memory_space<vmem_shared>>) target_semaphore(%arg28 : memref<!tpu.dma_semaphore, #tpu.memory_space<semaphore_mem>>)
    %mul3A_70 = arith.constant 640 : i32
    %mul3A_71 = arith.muli %arg1, %mul3A_70 : i32
    %add3A_72 = arith.constant 256 : i32
    %add3A_73 = arith.addi %mul3A_71, %add3A_72 : i32
    %dma_start3A_74 = arith.constant 0 : i32
    %dma_start3A_75 = tpu.memref_slice %arg19[%add3A_73, %dma_start3A_74] : memref<10240x128xf32, #tpu.memory_space<vmem_shared>> -> memref<32x128xf32, #tpu.memory_space<vmem_shared>>
    %dma_start3A_76 = arith.constant 0 : i32
    %dma_start3A_77 = tpu.memref_slice %arg19[%add3A_73, %dma_start3A_76] : memref<10240x128xf32, #tpu.memory_space<vmem_shared>> -> memref<32x128xf32, #tpu.memory_space<vmem_shared>>
    tpu.enqueue_dma source(%arg18 : memref<32x128xf32, #tpu.memory_space<vmem>>) target(%dma_start3A_77 : memref<32x128xf32, #tpu.memory_space<vmem_shared>>) target_semaphore(%arg28 : memref<!tpu.dma_semaphore, #tpu.memory_space<semaphore_mem>>)
    %mul3A_78 = arith.constant 640 : i32
    %mul3A_79 = arith.muli %arg1, %mul3A_78 : i32
    %add3A_80 = arith.constant 288 : i32
    %add3A_81 = arith.addi %mul3A_79, %add3A_80 : i32
    %dma_start3A_82 = arith.constant 0 : i32
    %dma_start3A_83 = tpu.memref_slice %arg19[%add3A_81, %dma_start3A_82] : memref<10240x128xf32, #tpu.memory_space<vmem_shared>> -> memref<32x128xf32, #tpu.memory_space<vmem_shared>>
    %dma_start3A_84 = arith.constant 0 : i32
    %dma_start3A_85 = tpu.memref_slice %arg19[%add3A_81, %dma_start3A_84] : memref<10240x128xf32, #tpu.memory_space<vmem_shared>> -> memref<32x128xf32, #tpu.memory_space<vmem_shared>>
    tpu.enqueue_dma source(%arg18 : memref<32x128xf32, #tpu.memory_space<vmem>>) target(%dma_start3A_85 : memref<32x128xf32, #tpu.memory_space<vmem_shared>>) target_semaphore(%arg28 : memref<!tpu.dma_semaphore, #tpu.memory_space<semaphore_mem>>)
    %mul3A_86 = arith.constant 640 : i32
    %mul3A_87 = arith.muli %arg1, %mul3A_86 : i32
    %add3A_88 = arith.constant 320 : i32
    %add3A_89 = arith.addi %mul3A_87, %add3A_88 : i32
    %dma_start3A_90 = arith.constant 0 : i32
    %dma_start3A_91 = tpu.memref_slice %arg19[%add3A_89, %dma_start3A_90] : memref<10240x128xf32, #tpu.memory_space<vmem_shared>> -> memref<32x128xf32, #tpu.memory_space<vmem_shared>>
    %dma_start3A_92 = arith.constant 0 : i32
    %dma_start3A_93 = tpu.memref_slice %arg19[%add3A_89, %dma_start3A_92] : memref<10240x128xf32, #tpu.memory_space<vmem_shared>> -> memref<32x128xf32, #tpu.memory_space<vmem_shared>>
    tpu.enqueue_dma source(%arg18 : memref<32x128xf32, #tpu.memory_space<vmem>>) target(%dma_start3A_93 : memref<32x128xf32, #tpu.memory_space<vmem_shared>>) target_semaphore(%arg28 : memref<!tpu.dma_semaphore, #tpu.memory_space<semaphore_mem>>)
    %mul3A_94 = arith.constant 640 : i32
    %mul3A_95 = arith.muli %arg1, %mul3A_94 : i32
    %add3A_96 = arith.constant 352 : i32
    %add3A_97 = arith.addi %mul3A_95, %add3A_96 : i32
    %dma_start3A_98 = arith.constant 0 : i32
    %dma_start3A_99 = tpu.memref_slice %arg19[%add3A_97, %dma_start3A_98] : memref<10240x128xf32, #tpu.memory_space<vmem_shared>> -> memref<32x128xf32, #tpu.memory_space<vmem_shared>>
    %dma_start3A_100 = arith.constant 0 : i32
    %dma_start3A_101 = tpu.memref_slice %arg19[%add3A_97, %dma_start3A_100] : memref<10240x128xf32, #tpu.memory_space<vmem_shared>> -> memref<32x128xf32, #tpu.memory_space<vmem_shared>>
    tpu.enqueue_dma source(%arg18 : memref<32x128xf32, #tpu.memory_space<vmem>>) target(%dma_start3A_101 : memref<32x128xf32, #tpu.memory_space<vmem_shared>>) target_semaphore(%arg28 : memref<!tpu.dma_semaphore, #tpu.memory_space<semaphore_mem>>)
    %mul3A_102 = arith.constant 640 : i32
    %mul3A_103 = arith.muli %arg1, %mul3A_102 : i32
    %add3A_104 = arith.constant 384 : i32
    %add3A_105 = arith.addi %mul3A_103, %add3A_104 : i32
    %dma_start3A_106 = arith.constant 0 : i32
    %dma_start3A_107 = tpu.memref_slice %arg19[%add3A_105, %dma_start3A_106] : memref<10240x128xf32, #tpu.memory_space<vmem_shared>> -> memref<32x128xf32, #tpu.memory_space<vmem_shared>>
    %dma_start3A_108 = arith.constant 0 : i32
    %dma_start3A_109 = tpu.memref_slice %arg19[%add3A_105, %dma_start3A_108] : memref<10240x128xf32, #tpu.memory_space<vmem_shared>> -> memref<32x128xf32, #tpu.memory_space<vmem_shared>>
    tpu.enqueue_dma source(%arg18 : memref<32x128xf32, #tpu.memory_space<vmem>>) target(%dma_start3A_109 : memref<32x128xf32, #tpu.memory_space<vmem_shared>>) target_semaphore(%arg28 : memref<!tpu.dma_semaphore, #tpu.memory_space<semaphore_mem>>)
    %mul3A_110 = arith.constant 640 : i32
    %mul3A_111 = arith.muli %arg1, %mul3A_110 : i32
    %add3A_112 = arith.constant 416 : i32
    %add3A_113 = arith.addi %mul3A_111, %add3A_112 : i32
    %dma_start3A_114 = arith.constant 0 : i32
    %dma_start3A_115 = tpu.memref_slice %arg19[%add3A_113, %dma_start3A_114] : memref<10240x128xf32, #tpu.memory_space<vmem_shared>> -> memref<32x128xf32, #tpu.memory_space<vmem_shared>>
    %dma_start3A_116 = arith.constant 0 : i32
    %dma_start3A_117 = tpu.memref_slice %arg19[%add3A_113, %dma_start3A_116] : memref<10240x128xf32, #tpu.memory_space<vmem_shared>> -> memref<32x128xf32, #tpu.memory_space<vmem_shared>>
    tpu.enqueue_dma source(%arg18 : memref<32x128xf32, #tpu.memory_space<vmem>>) target(%dma_start3A_117 : memref<32x128xf32, #tpu.memory_space<vmem_shared>>) target_semaphore(%arg28 : memref<!tpu.dma_semaphore, #tpu.memory_space<semaphore_mem>>)
    %mul3A_118 = arith.constant 640 : i32
    %mul3A_119 = arith.muli %arg1, %mul3A_118 : i32
    %add3A_120 = arith.constant 448 : i32
    %add3A_121 = arith.addi %mul3A_119, %add3A_120 : i32
    %dma_start3A_122 = arith.constant 0 : i32
    %dma_start3A_123 = tpu.memref_slice %arg19[%add3A_121, %dma_start3A_122] : memref<10240x128xf32, #tpu.memory_space<vmem_shared>> -> memref<32x128xf32, #tpu.memory_space<vmem_shared>>
    %dma_start3A_124 = arith.constant 0 : i32
    %dma_start3A_125 = tpu.memref_slice %arg19[%add3A_121, %dma_start3A_124] : memref<10240x128xf32, #tpu.memory_space<vmem_shared>> -> memref<32x128xf32, #tpu.memory_space<vmem_shared>>
    tpu.enqueue_dma source(%arg18 : memref<32x128xf32, #tpu.memory_space<vmem>>) target(%dma_start3A_125 : memref<32x128xf32, #tpu.memory_space<vmem_shared>>) target_semaphore(%arg28 : memref<!tpu.dma_semaphore, #tpu.memory_space<semaphore_mem>>)
    %mul3A_126 = arith.constant 640 : i32
    %mul3A_127 = arith.muli %arg1, %mul3A_126 : i32
    %add3A_128 = arith.constant 480 : i32
    %add3A_129 = arith.addi %mul3A_127, %add3A_128 : i32
    %dma_start3A_130 = arith.constant 0 : i32
    %dma_start3A_131 = tpu.memref_slice %arg19[%add3A_129, %dma_start3A_130] : memref<10240x128xf32, #tpu.memory_space<vmem_shared>> -> memref<32x128xf32, #tpu.memory_space<vmem_shared>>
    %dma_start3A_132 = arith.constant 0 : i32
    %dma_start3A_133 = tpu.memref_slice %arg19[%add3A_129, %dma_start3A_132] : memref<10240x128xf32, #tpu.memory_space<vmem_shared>> -> memref<32x128xf32, #tpu.memory_space<vmem_shared>>
    tpu.enqueue_dma source(%arg18 : memref<32x128xf32, #tpu.memory_space<vmem>>) target(%dma_start3A_133 : memref<32x128xf32, #tpu.memory_space<vmem_shared>>) target_semaphore(%arg28 : memref<!tpu.dma_semaphore, #tpu.memory_space<semaphore_mem>>)
    %mul3A_134 = arith.constant 640 : i32
    %mul3A_135 = arith.muli %arg1, %mul3A_134 : i32
    %add3A_136 = arith.constant 512 : i32
    %add3A_137 = arith.addi %mul3A_135, %add3A_136 : i32
    %dma_start3A_138 = arith.constant 0 : i32
    %dma_start3A_139 = tpu.memref_slice %arg19[%add3A_137, %dma_start3A_138] : memref<10240x128xf32, #tpu.memory_space<vmem_shared>> -> memref<32x128xf32, #tpu.memory_space<vmem_shared>>
    %dma_start3A_140 = arith.constant 0 : i32
    %dma_start3A_141 = tpu.memref_slice %arg19[%add3A_137, %dma_start3A_140] : memref<10240x128xf32, #tpu.memory_space<vmem_shared>> -> memref<32x128xf32, #tpu.memory_space<vmem_shared>>
    tpu.enqueue_dma source(%arg18 : memref<32x128xf32, #tpu.memory_space<vmem>>) target(%dma_start3A_141 : memref<32x128xf32, #tpu.memory_space<vmem_shared>>) target_semaphore(%arg28 : memref<!tpu.dma_semaphore, #tpu.memory_space<semaphore_mem>>)
    %mul3A_142 = arith.constant 640 : i32
    %mul3A_143 = arith.muli %arg1, %mul3A_142 : i32
    %add3A_144 = arith.constant 544 : i32
    %add3A_145 = arith.addi %mul3A_143, %add3A_144 : i32
    %dma_start3A_146 = arith.constant 0 : i32
    %dma_start3A_147 = tpu.memref_slice %arg19[%add3A_145, %dma_start3A_146] : memref<10240x128xf32, #tpu.memory_space<vmem_shared>> -> memref<32x128xf32, #tpu.memory_space<vmem_shared>>
    %dma_start3A_148 = arith.constant 0 : i32
    %dma_start3A_149 = tpu.memref_slice %arg19[%add3A_145, %dma_start3A_148] : memref<10240x128xf32, #tpu.memory_space<vmem_shared>> -> memref<32x128xf32, #tpu.memory_space<vmem_shared>>
    tpu.enqueue_dma source(%arg18 : memref<32x128xf32, #tpu.memory_space<vmem>>) target(%dma_start3A_149 : memref<32x128xf32, #tpu.memory_space<vmem_shared>>) target_semaphore(%arg28 : memref<!tpu.dma_semaphore, #tpu.memory_space<semaphore_mem>>)
    %mul3A_150 = arith.constant 640 : i32
    %mul3A_151 = arith.muli %arg1, %mul3A_150 : i32
    %add3A_152 = arith.constant 576 : i32
    %add3A_153 = arith.addi %mul3A_151, %add3A_152 : i32
    %dma_start3A_154 = arith.constant 0 : i32
    %dma_start3A_155 = tpu.memref_slice %arg19[%add3A_153, %dma_start3A_154] : memref<10240x128xf32, #tpu.memory_space<vmem_shared>> -> memref<32x128xf32, #tpu.memory_space<vmem_shared>>
    %dma_start3A_156 = arith.constant 0 : i32
    %dma_start3A_157 = tpu.memref_slice %arg19[%add3A_153, %dma_start3A_156] : memref<10240x128xf32, #tpu.memory_space<vmem_shared>> -> memref<32x128xf32, #tpu.memory_space<vmem_shared>>
    tpu.enqueue_dma source(%arg18 : memref<32x128xf32, #tpu.memory_space<vmem>>) target(%dma_start3A_157 : memref<32x128xf32, #tpu.memory_space<vmem_shared>>) target_semaphore(%arg28 : memref<!tpu.dma_semaphore, #tpu.memory_space<semaphore_mem>>)
    %mul3A_158 = arith.constant 640 : i32
    %mul3A_159 = arith.muli %arg1, %mul3A_158 : i32
    %add3A_160 = arith.constant 608 : i32
    %add3A_161 = arith.addi %mul3A_159, %add3A_160 : i32
    %dma_start3A_162 = arith.constant 0 : i32
    %dma_start3A_163 = tpu.memref_slice %arg19[%add3A_161, %dma_start3A_162] : memref<10240x128xf32, #tpu.memory_space<vmem_shared>> -> memref<32x128xf32, #tpu.memory_space<vmem_shared>>
    %dma_start3A_164 = arith.constant 0 : i32
    %dma_start3A_165 = tpu.memref_slice %arg19[%add3A_161, %dma_start3A_164] : memref<10240x128xf32, #tpu.memory_space<vmem_shared>> -> memref<32x128xf32, #tpu.memory_space<vmem_shared>>
    tpu.enqueue_dma source(%arg18 : memref<32x128xf32, #tpu.memory_space<vmem>>) target(%dma_start3A_165 : memref<32x128xf32, #tpu.memory_space<vmem_shared>>) target_semaphore(%arg28 : memref<!tpu.dma_semaphore, #tpu.memory_space<semaphore_mem>>)
    %add3A_166 = arith.constant 0 : i32
    %add3A_167 = arith.addi %mul3A_2, %add3A_166 : i32
    "tpu.region"() ({
      %run_scoped3A = tpu.sem_alloc : memref<!tpu.dma_semaphore, #tpu.memory_space<semaphore_mem>>
      %dma_start3A_418 = tpu.memref_slice %arg3[%add3A_167] : memref<320000xi32, #tpu.memory_space<hbm>> -> memref<80xi32, #tpu.memory_space<hbm>>
      %dma_start3A_419 = tpu.memref_slice %arg3[%add3A_167] : memref<320000xi32, #tpu.memory_space<hbm>> -> memref<80xi32, #tpu.memory_space<hbm>>
      tpu.enqueue_dma source(%dma_start3A_419 : memref<80xi32, #tpu.memory_space<hbm>>) target(%arg6 : memref<80xi32, #tpu.memory_space<vmem>>) target_semaphore(%run_scoped3A : memref<!tpu.dma_semaphore, #tpu.memory_space<semaphore_mem>>)
      %dma_wait3A_420 = tpu.memref_slice %arg3[%add3A_167] : memref<320000xi32, #tpu.memory_space<hbm>> -> memref<80xi32, #tpu.memory_space<hbm>>
      %dma_wait3A_421 = tpu.memref_slice %arg3[%add3A_167] : memref<320000xi32, #tpu.memory_space<hbm>> -> memref<80xi32, #tpu.memory_space<hbm>>
      tpu.wait_dma2 semaphore(%run_scoped3A : memref<!tpu.dma_semaphore, #tpu.memory_space<semaphore_mem>>) src(%dma_wait3A_421 : memref<80xi32, #tpu.memory_space<hbm>>) dst(%arg6 : memref<80xi32, #tpu.memory_space<vmem>>)
      tpu.yield
    }) : () -> ()
    %add3A_168 = arith.constant 0 : i32
    %add3A_169 = arith.addi %mul3A_2, %add3A_168 : i32
    "tpu.region"() ({
      %run_scoped3A = tpu.sem_alloc : memref<!tpu.dma_semaphore, #tpu.memory_space<semaphore_mem>>
      %dma_start3A_418 = tpu.memref_slice %arg4[%add3A_169] : memref<320000xi32, #tpu.memory_space<hbm>> -> memref<80xi32, #tpu.memory_space<hbm>>
      %dma_start3A_419 = tpu.memref_slice %arg4[%add3A_169] : memref<320000xi32, #tpu.memory_space<hbm>> -> memref<80xi32, #tpu.memory_space<hbm>>
      tpu.enqueue_dma source(%dma_start3A_419 : memref<80xi32, #tpu.memory_space<hbm>>) target(%arg10 : memref<80xi32, #tpu.memory_space<vmem>>) target_semaphore(%run_scoped3A : memref<!tpu.dma_semaphore, #tpu.memory_space<semaphore_mem>>)
      %dma_wait3A_420 = tpu.memref_slice %arg4[%add3A_169] : memref<320000xi32, #tpu.memory_space<hbm>> -> memref<80xi32, #tpu.memory_space<hbm>>
      %dma_wait3A_421 = tpu.memref_slice %arg4[%add3A_169] : memref<320000xi32, #tpu.memory_space<hbm>> -> memref<80xi32, #tpu.memory_space<hbm>>
      tpu.wait_dma2 semaphore(%run_scoped3A : memref<!tpu.dma_semaphore, #tpu.memory_space<semaphore_mem>>) src(%dma_wait3A_421 : memref<80xi32, #tpu.memory_space<hbm>>) dst(%arg10 : memref<80xi32, #tpu.memory_space<vmem>>)
      tpu.yield
    }) : () -> ()
    %dma_start3A_170 = arith.constant 0 : i32
    %dma_start3A_171 = arith.constant 0 : i32
    %dma_start3A_172 = tpu.memref_slice %arg2[%dma_start3A_170, %dma_start3A_171] : memref<10000x128xf32, #tpu.memory_space<hbm>> -> memref<10000x128xf32, #tpu.memory_space<hbm>>
    tpu.enqueue_indirect_dma source(%dma_start3A_172 : memref<10000x128xf32, #tpu.memory_space<hbm>>) target(%arg14 : memref<80x128xf32, #tpu.memory_space<vmem>>) offsets(%arg6 : memref<80xi32, #tpu.memory_space<vmem>>) semaphore(%arg20 : memref<!tpu.dma_semaphore, #tpu.memory_space<semaphore_mem>>)
    %add3A_173 = arith.constant 80 : i32
    %add3A_174 = arith.addi %mul3A_2, %add3A_173 : i32
    "tpu.region"() ({
      %run_scoped3A = tpu.sem_alloc : memref<!tpu.dma_semaphore, #tpu.memory_space<semaphore_mem>>
      %dma_start3A_418 = tpu.memref_slice %arg3[%add3A_174] : memref<320000xi32, #tpu.memory_space<hbm>> -> memref<80xi32, #tpu.memory_space<hbm>>
      %dma_start3A_419 = tpu.memref_slice %arg3[%add3A_174] : memref<320000xi32, #tpu.memory_space<hbm>> -> memref<80xi32, #tpu.memory_space<hbm>>
      tpu.enqueue_dma source(%dma_start3A_419 : memref<80xi32, #tpu.memory_space<hbm>>) target(%arg7 : memref<80xi32, #tpu.memory_space<vmem>>) target_semaphore(%run_scoped3A : memref<!tpu.dma_semaphore, #tpu.memory_space<semaphore_mem>>)
      %dma_wait3A_420 = tpu.memref_slice %arg3[%add3A_174] : memref<320000xi32, #tpu.memory_space<hbm>> -> memref<80xi32, #tpu.memory_space<hbm>>
      %dma_wait3A_421 = tpu.memref_slice %arg3[%add3A_174] : memref<320000xi32, #tpu.memory_space<hbm>> -> memref<80xi32, #tpu.memory_space<hbm>>
      tpu.wait_dma2 semaphore(%run_scoped3A : memref<!tpu.dma_semaphore, #tpu.memory_space<semaphore_mem>>) src(%dma_wait3A_421 : memref<80xi32, #tpu.memory_space<hbm>>) dst(%arg7 : memref<80xi32, #tpu.memory_space<vmem>>)
      tpu.yield
    }) : () -> ()
    %add3A_175 = arith.constant 80 : i32
    %add3A_176 = arith.addi %mul3A_2, %add3A_175 : i32
    "tpu.region"() ({
      %run_scoped3A = tpu.sem_alloc : memref<!tpu.dma_semaphore, #tpu.memory_space<semaphore_mem>>
      %dma_start3A_418 = tpu.memref_slice %arg4[%add3A_176] : memref<320000xi32, #tpu.memory_space<hbm>> -> memref<80xi32, #tpu.memory_space<hbm>>
      %dma_start3A_419 = tpu.memref_slice %arg4[%add3A_176] : memref<320000xi32, #tpu.memory_space<hbm>> -> memref<80xi32, #tpu.memory_space<hbm>>
      tpu.enqueue_dma source(%dma_start3A_419 : memref<80xi32, #tpu.memory_space<hbm>>) target(%arg11 : memref<80xi32, #tpu.memory_space<vmem>>) target_semaphore(%run_scoped3A : memref<!tpu.dma_semaphore, #tpu.memory_space<semaphore_mem>>)
      %dma_wait3A_420 = tpu.memref_slice %arg4[%add3A_176] : memref<320000xi32, #tpu.memory_space<hbm>> -> memref<80xi32, #tpu.memory_space<hbm>>
      %dma_wait3A_421 = tpu.memref_slice %arg4[%add3A_176] : memref<320000xi32, #tpu.memory_space<hbm>> -> memref<80xi32, #tpu.memory_space<hbm>>
      tpu.wait_dma2 semaphore(%run_scoped3A : memref<!tpu.dma_semaphore, #tpu.memory_space<semaphore_mem>>) src(%dma_wait3A_421 : memref<80xi32, #tpu.memory_space<hbm>>) dst(%arg11 : memref<80xi32, #tpu.memory_space<vmem>>)
      tpu.yield
    }) : () -> ()
    %dma_start3A_177 = arith.constant 0 : i32
    %dma_start3A_178 = arith.constant 0 : i32
    %dma_start3A_179 = tpu.memref_slice %arg2[%dma_start3A_177, %dma_start3A_178] : memref<10000x128xf32, #tpu.memory_space<hbm>> -> memref<10000x128xf32, #tpu.memory_space<hbm>>
    tpu.enqueue_indirect_dma source(%dma_start3A_179 : memref<10000x128xf32, #tpu.memory_space<hbm>>) target(%arg15 : memref<80x128xf32, #tpu.memory_space<vmem>>) offsets(%arg7 : memref<80xi32, #tpu.memory_space<vmem>>) semaphore(%arg21 : memref<!tpu.dma_semaphore, #tpu.memory_space<semaphore_mem>>)
    %add3A_180 = arith.constant 160 : i32
    %add3A_181 = arith.addi %mul3A_2, %add3A_180 : i32
    "tpu.region"() ({
      %run_scoped3A = tpu.sem_alloc : memref<!tpu.dma_semaphore, #tpu.memory_space<semaphore_mem>>
      %dma_start3A_418 = tpu.memref_slice %arg3[%add3A_181] : memref<320000xi32, #tpu.memory_space<hbm>> -> memref<80xi32, #tpu.memory_space<hbm>>
      %dma_start3A_419 = tpu.memref_slice %arg3[%add3A_181] : memref<320000xi32, #tpu.memory_space<hbm>> -> memref<80xi32, #tpu.memory_space<hbm>>
      tpu.enqueue_dma source(%dma_start3A_419 : memref<80xi32, #tpu.memory_space<hbm>>) target(%arg8 : memref<80xi32, #tpu.memory_space<vmem>>) target_semaphore(%run_scoped3A : memref<!tpu.dma_semaphore, #tpu.memory_space<semaphore_mem>>)
      %dma_wait3A_420 = tpu.memref_slice %arg3[%add3A_181] : memref<320000xi32, #tpu.memory_space<hbm>> -> memref<80xi32, #tpu.memory_space<hbm>>
      %dma_wait3A_421 = tpu.memref_slice %arg3[%add3A_181] : memref<320000xi32, #tpu.memory_space<hbm>> -> memref<80xi32, #tpu.memory_space<hbm>>
      tpu.wait_dma2 semaphore(%run_scoped3A : memref<!tpu.dma_semaphore, #tpu.memory_space<semaphore_mem>>) src(%dma_wait3A_421 : memref<80xi32, #tpu.memory_space<hbm>>) dst(%arg8 : memref<80xi32, #tpu.memory_space<vmem>>)
      tpu.yield
    }) : () -> ()
    %add3A_182 = arith.constant 160 : i32
    %add3A_183 = arith.addi %mul3A_2, %add3A_182 : i32
    "tpu.region"() ({
      %run_scoped3A = tpu.sem_alloc : memref<!tpu.dma_semaphore, #tpu.memory_space<semaphore_mem>>
      %dma_start3A_418 = tpu.memref_slice %arg4[%add3A_183] : memref<320000xi32, #tpu.memory_space<hbm>> -> memref<80xi32, #tpu.memory_space<hbm>>
      %dma_start3A_419 = tpu.memref_slice %arg4[%add3A_183] : memref<320000xi32, #tpu.memory_space<hbm>> -> memref<80xi32, #tpu.memory_space<hbm>>
      tpu.enqueue_dma source(%dma_start3A_419 : memref<80xi32, #tpu.memory_space<hbm>>) target(%arg12 : memref<80xi32, #tpu.memory_space<vmem>>) target_semaphore(%run_scoped3A : memref<!tpu.dma_semaphore, #tpu.memory_space<semaphore_mem>>)
      %dma_wait3A_420 = tpu.memref_slice %arg4[%add3A_183] : memref<320000xi32, #tpu.memory_space<hbm>> -> memref<80xi32, #tpu.memory_space<hbm>>
      %dma_wait3A_421 = tpu.memref_slice %arg4[%add3A_183] : memref<320000xi32, #tpu.memory_space<hbm>> -> memref<80xi32, #tpu.memory_space<hbm>>
      tpu.wait_dma2 semaphore(%run_scoped3A : memref<!tpu.dma_semaphore, #tpu.memory_space<semaphore_mem>>) src(%dma_wait3A_421 : memref<80xi32, #tpu.memory_space<hbm>>) dst(%arg12 : memref<80xi32, #tpu.memory_space<vmem>>)
      tpu.yield
    }) : () -> ()
    %dma_start3A_184 = arith.constant 0 : i32
    %dma_start3A_185 = arith.constant 0 : i32
    %dma_start3A_186 = tpu.memref_slice %arg2[%dma_start3A_184, %dma_start3A_185] : memref<10000x128xf32, #tpu.memory_space<hbm>> -> memref<10000x128xf32, #tpu.memory_space<hbm>>
    tpu.enqueue_indirect_dma source(%dma_start3A_186 : memref<10000x128xf32, #tpu.memory_space<hbm>>) target(%arg16 : memref<80x128xf32, #tpu.memory_space<vmem>>) offsets(%arg8 : memref<80xi32, #tpu.memory_space<vmem>>) semaphore(%arg22 : memref<!tpu.dma_semaphore, #tpu.memory_space<semaphore_mem>>)
    %mul3A_187 = arith.constant 640 : i32
    %mul3A_188 = arith.muli %arg1, %mul3A_187 : i32
    %add3A_189 = arith.constant 0 : i32
    %add3A_190 = arith.addi %mul3A_188, %add3A_189 : i32
    %dma_wait3A = arith.constant 0 : i32
    %dma_wait3A_191 = tpu.memref_slice %arg19[%add3A_190, %dma_wait3A] : memref<10240x128xf32, #tpu.memory_space<vmem_shared>> -> memref<32x128xf32, #tpu.memory_space<vmem_shared>>
    %dma_wait3A_192 = arith.constant 0 : i32
    %dma_wait3A_193 = tpu.memref_slice %arg19[%add3A_190, %dma_wait3A_192] : memref<10240x128xf32, #tpu.memory_space<vmem_shared>> -> memref<32x128xf32, #tpu.memory_space<vmem_shared>>
    tpu.wait_dma2 semaphore(%arg28 : memref<!tpu.dma_semaphore, #tpu.memory_space<semaphore_mem>>) src(%arg18 : memref<32x128xf32, #tpu.memory_space<vmem>>) dst(%dma_wait3A_193 : memref<32x128xf32, #tpu.memory_space<vmem_shared>>)
    %mul3A_194 = arith.constant 640 : i32
    %mul3A_195 = arith.muli %arg1, %mul3A_194 : i32
    %add3A_196 = arith.constant 32 : i32
    %add3A_197 = arith.addi %mul3A_195, %add3A_196 : i32
    %dma_wait3A_198 = arith.constant 0 : i32
    %dma_wait3A_199 = tpu.memref_slice %arg19[%add3A_197, %dma_wait3A_198] : memref<10240x128xf32, #tpu.memory_space<vmem_shared>> -> memref<32x128xf32, #tpu.memory_space<vmem_shared>>
    %dma_wait3A_200 = arith.constant 0 : i32
    %dma_wait3A_201 = tpu.memref_slice %arg19[%add3A_197, %dma_wait3A_200] : memref<10240x128xf32, #tpu.memory_space<vmem_shared>> -> memref<32x128xf32, #tpu.memory_space<vmem_shared>>
    tpu.wait_dma2 semaphore(%arg28 : memref<!tpu.dma_semaphore, #tpu.memory_space<semaphore_mem>>) src(%arg18 : memref<32x128xf32, #tpu.memory_space<vmem>>) dst(%dma_wait3A_201 : memref<32x128xf32, #tpu.memory_space<vmem_shared>>)
    %mul3A_202 = arith.constant 640 : i32
    %mul3A_203 = arith.muli %arg1, %mul3A_202 : i32
    %add3A_204 = arith.constant 64 : i32
    %add3A_205 = arith.addi %mul3A_203, %add3A_204 : i32
    %dma_wait3A_206 = arith.constant 0 : i32
    %dma_wait3A_207 = tpu.memref_slice %arg19[%add3A_205, %dma_wait3A_206] : memref<10240x128xf32, #tpu.memory_space<vmem_shared>> -> memref<32x128xf32, #tpu.memory_space<vmem_shared>>
    %dma_wait3A_208 = arith.constant 0 : i32
    %dma_wait3A_209 = tpu.memref_slice %arg19[%add3A_205, %dma_wait3A_208] : memref<10240x128xf32, #tpu.memory_space<vmem_shared>> -> memref<32x128xf32, #tpu.memory_space<vmem_shared>>
    tpu.wait_dma2 semaphore(%arg28 : memref<!tpu.dma_semaphore, #tpu.memory_space<semaphore_mem>>) src(%arg18 : memref<32x128xf32, #tpu.memory_space<vmem>>) dst(%dma_wait3A_209 : memref<32x128xf32, #tpu.memory_space<vmem_shared>>)
    %mul3A_210 = arith.constant 640 : i32
    %mul3A_211 = arith.muli %arg1, %mul3A_210 : i32
    %add3A_212 = arith.constant 96 : i32
    %add3A_213 = arith.addi %mul3A_211, %add3A_212 : i32
    %dma_wait3A_214 = arith.constant 0 : i32
    %dma_wait3A_215 = tpu.memref_slice %arg19[%add3A_213, %dma_wait3A_214] : memref<10240x128xf32, #tpu.memory_space<vmem_shared>> -> memref<32x128xf32, #tpu.memory_space<vmem_shared>>
    %dma_wait3A_216 = arith.constant 0 : i32
    %dma_wait3A_217 = tpu.memref_slice %arg19[%add3A_213, %dma_wait3A_216] : memref<10240x128xf32, #tpu.memory_space<vmem_shared>> -> memref<32x128xf32, #tpu.memory_space<vmem_shared>>
    tpu.wait_dma2 semaphore(%arg28 : memref<!tpu.dma_semaphore, #tpu.memory_space<semaphore_mem>>) src(%arg18 : memref<32x128xf32, #tpu.memory_space<vmem>>) dst(%dma_wait3A_217 : memref<32x128xf32, #tpu.memory_space<vmem_shared>>)
    %mul3A_218 = arith.constant 640 : i32
    %mul3A_219 = arith.muli %arg1, %mul3A_218 : i32
    %add3A_220 = arith.constant 128 : i32
    %add3A_221 = arith.addi %mul3A_219, %add3A_220 : i32
    %dma_wait3A_222 = arith.constant 0 : i32
    %dma_wait3A_223 = tpu.memref_slice %arg19[%add3A_221, %dma_wait3A_222] : memref<10240x128xf32, #tpu.memory_space<vmem_shared>> -> memref<32x128xf32, #tpu.memory_space<vmem_shared>>
    %dma_wait3A_224 = arith.constant 0 : i32
    %dma_wait3A_225 = tpu.memref_slice %arg19[%add3A_221, %dma_wait3A_224] : memref<10240x128xf32, #tpu.memory_space<vmem_shared>> -> memref<32x128xf32, #tpu.memory_space<vmem_shared>>
    tpu.wait_dma2 semaphore(%arg28 : memref<!tpu.dma_semaphore, #tpu.memory_space<semaphore_mem>>) src(%arg18 : memref<32x128xf32, #tpu.memory_space<vmem>>) dst(%dma_wait3A_225 : memref<32x128xf32, #tpu.memory_space<vmem_shared>>)
    %mul3A_226 = arith.constant 640 : i32
    %mul3A_227 = arith.muli %arg1, %mul3A_226 : i32
    %add3A_228 = arith.constant 160 : i32
    %add3A_229 = arith.addi %mul3A_227, %add3A_228 : i32
    %dma_wait3A_230 = arith.constant 0 : i32
    %dma_wait3A_231 = tpu.memref_slice %arg19[%add3A_229, %dma_wait3A_230] : memref<10240x128xf32, #tpu.memory_space<vmem_shared>> -> memref<32x128xf32, #tpu.memory_space<vmem_shared>>
    %dma_wait3A_232 = arith.constant 0 : i32
    %dma_wait3A_233 = tpu.memref_slice %arg19[%add3A_229, %dma_wait3A_232] : memref<10240x128xf32, #tpu.memory_space<vmem_shared>> -> memref<32x128xf32, #tpu.memory_space<vmem_shared>>
    tpu.wait_dma2 semaphore(%arg28 : memref<!tpu.dma_semaphore, #tpu.memory_space<semaphore_mem>>) src(%arg18 : memref<32x128xf32, #tpu.memory_space<vmem>>) dst(%dma_wait3A_233 : memref<32x128xf32, #tpu.memory_space<vmem_shared>>)
    %mul3A_234 = arith.constant 640 : i32
    %mul3A_235 = arith.muli %arg1, %mul3A_234 : i32
    %add3A_236 = arith.constant 192 : i32
    %add3A_237 = arith.addi %mul3A_235, %add3A_236 : i32
    %dma_wait3A_238 = arith.constant 0 : i32
    %dma_wait3A_239 = tpu.memref_slice %arg19[%add3A_237, %dma_wait3A_238] : memref<10240x128xf32, #tpu.memory_space<vmem_shared>> -> memref<32x128xf32, #tpu.memory_space<vmem_shared>>
    %dma_wait3A_240 = arith.constant 0 : i32
    %dma_wait3A_241 = tpu.memref_slice %arg19[%add3A_237, %dma_wait3A_240] : memref<10240x128xf32, #tpu.memory_space<vmem_shared>> -> memref<32x128xf32, #tpu.memory_space<vmem_shared>>
    tpu.wait_dma2 semaphore(%arg28 : memref<!tpu.dma_semaphore, #tpu.memory_space<semaphore_mem>>) src(%arg18 : memref<32x128xf32, #tpu.memory_space<vmem>>) dst(%dma_wait3A_241 : memref<32x128xf32, #tpu.memory_space<vmem_shared>>)
    %mul3A_242 = arith.constant 640 : i32
    %mul3A_243 = arith.muli %arg1, %mul3A_242 : i32
    %add3A_244 = arith.constant 224 : i32
    %add3A_245 = arith.addi %mul3A_243, %add3A_244 : i32
    %dma_wait3A_246 = arith.constant 0 : i32
    %dma_wait3A_247 = tpu.memref_slice %arg19[%add3A_245, %dma_wait3A_246] : memref<10240x128xf32, #tpu.memory_space<vmem_shared>> -> memref<32x128xf32, #tpu.memory_space<vmem_shared>>
    %dma_wait3A_248 = arith.constant 0 : i32
    %dma_wait3A_249 = tpu.memref_slice %arg19[%add3A_245, %dma_wait3A_248] : memref<10240x128xf32, #tpu.memory_space<vmem_shared>> -> memref<32x128xf32, #tpu.memory_space<vmem_shared>>
    tpu.wait_dma2 semaphore(%arg28 : memref<!tpu.dma_semaphore, #tpu.memory_space<semaphore_mem>>) src(%arg18 : memref<32x128xf32, #tpu.memory_space<vmem>>) dst(%dma_wait3A_249 : memref<32x128xf32, #tpu.memory_space<vmem_shared>>)
    %mul3A_250 = arith.constant 640 : i32
    %mul3A_251 = arith.muli %arg1, %mul3A_250 : i32
    %add3A_252 = arith.constant 256 : i32
    %add3A_253 = arith.addi %mul3A_251, %add3A_252 : i32
    %dma_wait3A_254 = arith.constant 0 : i32
    %dma_wait3A_255 = tpu.memref_slice %arg19[%add3A_253, %dma_wait3A_254] : memref<10240x128xf32, #tpu.memory_space<vmem_shared>> -> memref<32x128xf32, #tpu.memory_space<vmem_shared>>
    %dma_wait3A_256 = arith.constant 0 : i32
    %dma_wait3A_257 = tpu.memref_slice %arg19[%add3A_253, %dma_wait3A_256] : memref<10240x128xf32, #tpu.memory_space<vmem_shared>> -> memref<32x128xf32, #tpu.memory_space<vmem_shared>>
    tpu.wait_dma2 semaphore(%arg28 : memref<!tpu.dma_semaphore, #tpu.memory_space<semaphore_mem>>) src(%arg18 : memref<32x128xf32, #tpu.memory_space<vmem>>) dst(%dma_wait3A_257 : memref<32x128xf32, #tpu.memory_space<vmem_shared>>)
    %mul3A_258 = arith.constant 640 : i32
    %mul3A_259 = arith.muli %arg1, %mul3A_258 : i32
    %add3A_260 = arith.constant 288 : i32
    %add3A_261 = arith.addi %mul3A_259, %add3A_260 : i32
    %dma_wait3A_262 = arith.constant 0 : i32
    %dma_wait3A_263 = tpu.memref_slice %arg19[%add3A_261, %dma_wait3A_262] : memref<10240x128xf32, #tpu.memory_space<vmem_shared>> -> memref<32x128xf32, #tpu.memory_space<vmem_shared>>
    %dma_wait3A_264 = arith.constant 0 : i32
    %dma_wait3A_265 = tpu.memref_slice %arg19[%add3A_261, %dma_wait3A_264] : memref<10240x128xf32, #tpu.memory_space<vmem_shared>> -> memref<32x128xf32, #tpu.memory_space<vmem_shared>>
    tpu.wait_dma2 semaphore(%arg28 : memref<!tpu.dma_semaphore, #tpu.memory_space<semaphore_mem>>) src(%arg18 : memref<32x128xf32, #tpu.memory_space<vmem>>) dst(%dma_wait3A_265 : memref<32x128xf32, #tpu.memory_space<vmem_shared>>)
    %mul3A_266 = arith.constant 640 : i32
    %mul3A_267 = arith.muli %arg1, %mul3A_266 : i32
    %add3A_268 = arith.constant 320 : i32
    %add3A_269 = arith.addi %mul3A_267, %add3A_268 : i32
    %dma_wait3A_270 = arith.constant 0 : i32
    %dma_wait3A_271 = tpu.memref_slice %arg19[%add3A_269, %dma_wait3A_270] : memref<10240x128xf32, #tpu.memory_space<vmem_shared>> -> memref<32x128xf32, #tpu.memory_space<vmem_shared>>
    %dma_wait3A_272 = arith.constant 0 : i32
    %dma_wait3A_273 = tpu.memref_slice %arg19[%add3A_269, %dma_wait3A_272] : memref<10240x128xf32, #tpu.memory_space<vmem_shared>> -> memref<32x128xf32, #tpu.memory_space<vmem_shared>>
    tpu.wait_dma2 semaphore(%arg28 : memref<!tpu.dma_semaphore, #tpu.memory_space<semaphore_mem>>) src(%arg18 : memref<32x128xf32, #tpu.memory_space<vmem>>) dst(%dma_wait3A_273 : memref<32x128xf32, #tpu.memory_space<vmem_shared>>)
    %mul3A_274 = arith.constant 640 : i32
    %mul3A_275 = arith.muli %arg1, %mul3A_274 : i32
    %add3A_276 = arith.constant 352 : i32
    %add3A_277 = arith.addi %mul3A_275, %add3A_276 : i32
    %dma_wait3A_278 = arith.constant 0 : i32
    %dma_wait3A_279 = tpu.memref_slice %arg19[%add3A_277, %dma_wait3A_278] : memref<10240x128xf32, #tpu.memory_space<vmem_shared>> -> memref<32x128xf32, #tpu.memory_space<vmem_shared>>
    %dma_wait3A_280 = arith.constant 0 : i32
    %dma_wait3A_281 = tpu.memref_slice %arg19[%add3A_277, %dma_wait3A_280] : memref<10240x128xf32, #tpu.memory_space<vmem_shared>> -> memref<32x128xf32, #tpu.memory_space<vmem_shared>>
    tpu.wait_dma2 semaphore(%arg28 : memref<!tpu.dma_semaphore, #tpu.memory_space<semaphore_mem>>) src(%arg18 : memref<32x128xf32, #tpu.memory_space<vmem>>) dst(%dma_wait3A_281 : memref<32x128xf32, #tpu.memory_space<vmem_shared>>)
    %mul3A_282 = arith.constant 640 : i32
    %mul3A_283 = arith.muli %arg1, %mul3A_282 : i32
    %add3A_284 = arith.constant 384 : i32
    %add3A_285 = arith.addi %mul3A_283, %add3A_284 : i32
    %dma_wait3A_286 = arith.constant 0 : i32
    %dma_wait3A_287 = tpu.memref_slice %arg19[%add3A_285, %dma_wait3A_286] : memref<10240x128xf32, #tpu.memory_space<vmem_shared>> -> memref<32x128xf32, #tpu.memory_space<vmem_shared>>
    %dma_wait3A_288 = arith.constant 0 : i32
    %dma_wait3A_289 = tpu.memref_slice %arg19[%add3A_285, %dma_wait3A_288] : memref<10240x128xf32, #tpu.memory_space<vmem_shared>> -> memref<32x128xf32, #tpu.memory_space<vmem_shared>>
    tpu.wait_dma2 semaphore(%arg28 : memref<!tpu.dma_semaphore, #tpu.memory_space<semaphore_mem>>) src(%arg18 : memref<32x128xf32, #tpu.memory_space<vmem>>) dst(%dma_wait3A_289 : memref<32x128xf32, #tpu.memory_space<vmem_shared>>)
    %mul3A_290 = arith.constant 640 : i32
    %mul3A_291 = arith.muli %arg1, %mul3A_290 : i32
    %add3A_292 = arith.constant 416 : i32
    %add3A_293 = arith.addi %mul3A_291, %add3A_292 : i32
    %dma_wait3A_294 = arith.constant 0 : i32
    %dma_wait3A_295 = tpu.memref_slice %arg19[%add3A_293, %dma_wait3A_294] : memref<10240x128xf32, #tpu.memory_space<vmem_shared>> -> memref<32x128xf32, #tpu.memory_space<vmem_shared>>
    %dma_wait3A_296 = arith.constant 0 : i32
    %dma_wait3A_297 = tpu.memref_slice %arg19[%add3A_293, %dma_wait3A_296] : memref<10240x128xf32, #tpu.memory_space<vmem_shared>> -> memref<32x128xf32, #tpu.memory_space<vmem_shared>>
    tpu.wait_dma2 semaphore(%arg28 : memref<!tpu.dma_semaphore, #tpu.memory_space<semaphore_mem>>) src(%arg18 : memref<32x128xf32, #tpu.memory_space<vmem>>) dst(%dma_wait3A_297 : memref<32x128xf32, #tpu.memory_space<vmem_shared>>)
    %mul3A_298 = arith.constant 640 : i32
    %mul3A_299 = arith.muli %arg1, %mul3A_298 : i32
    %add3A_300 = arith.constant 448 : i32
    %add3A_301 = arith.addi %mul3A_299, %add3A_300 : i32
    %dma_wait3A_302 = arith.constant 0 : i32
    %dma_wait3A_303 = tpu.memref_slice %arg19[%add3A_301, %dma_wait3A_302] : memref<10240x128xf32, #tpu.memory_space<vmem_shared>> -> memref<32x128xf32, #tpu.memory_space<vmem_shared>>
    %dma_wait3A_304 = arith.constant 0 : i32
    %dma_wait3A_305 = tpu.memref_slice %arg19[%add3A_301, %dma_wait3A_304] : memref<10240x128xf32, #tpu.memory_space<vmem_shared>> -> memref<32x128xf32, #tpu.memory_space<vmem_shared>>
    tpu.wait_dma2 semaphore(%arg28 : memref<!tpu.dma_semaphore, #tpu.memory_space<semaphore_mem>>) src(%arg18 : memref<32x128xf32, #tpu.memory_space<vmem>>) dst(%dma_wait3A_305 : memref<32x128xf32, #tpu.memory_space<vmem_shared>>)
    %mul3A_306 = arith.constant 640 : i32
    %mul3A_307 = arith.muli %arg1, %mul3A_306 : i32
    %add3A_308 = arith.constant 480 : i32
    %add3A_309 = arith.addi %mul3A_307, %add3A_308 : i32
    %dma_wait3A_310 = arith.constant 0 : i32
    %dma_wait3A_311 = tpu.memref_slice %arg19[%add3A_309, %dma_wait3A_310] : memref<10240x128xf32, #tpu.memory_space<vmem_shared>> -> memref<32x128xf32, #tpu.memory_space<vmem_shared>>
    %dma_wait3A_312 = arith.constant 0 : i32
    %dma_wait3A_313 = tpu.memref_slice %arg19[%add3A_309, %dma_wait3A_312] : memref<10240x128xf32, #tpu.memory_space<vmem_shared>> -> memref<32x128xf32, #tpu.memory_space<vmem_shared>>
    tpu.wait_dma2 semaphore(%arg28 : memref<!tpu.dma_semaphore, #tpu.memory_space<semaphore_mem>>) src(%arg18 : memref<32x128xf32, #tpu.memory_space<vmem>>) dst(%dma_wait3A_313 : memref<32x128xf32, #tpu.memory_space<vmem_shared>>)
    %mul3A_314 = arith.constant 640 : i32
    %mul3A_315 = arith.muli %arg1, %mul3A_314 : i32
    %add3A_316 = arith.constant 512 : i32
    %add3A_317 = arith.addi %mul3A_315, %add3A_316 : i32
    %dma_wait3A_318 = arith.constant 0 : i32
    %dma_wait3A_319 = tpu.memref_slice %arg19[%add3A_317, %dma_wait3A_318] : memref<10240x128xf32, #tpu.memory_space<vmem_shared>> -> memref<32x128xf32, #tpu.memory_space<vmem_shared>>
    %dma_wait3A_320 = arith.constant 0 : i32
    %dma_wait3A_321 = tpu.memref_slice %arg19[%add3A_317, %dma_wait3A_320] : memref<10240x128xf32, #tpu.memory_space<vmem_shared>> -> memref<32x128xf32, #tpu.memory_space<vmem_shared>>
    tpu.wait_dma2 semaphore(%arg28 : memref<!tpu.dma_semaphore, #tpu.memory_space<semaphore_mem>>) src(%arg18 : memref<32x128xf32, #tpu.memory_space<vmem>>) dst(%dma_wait3A_321 : memref<32x128xf32, #tpu.memory_space<vmem_shared>>)
    %mul3A_322 = arith.constant 640 : i32
    %mul3A_323 = arith.muli %arg1, %mul3A_322 : i32
    %add3A_324 = arith.constant 544 : i32
    %add3A_325 = arith.addi %mul3A_323, %add3A_324 : i32
    %dma_wait3A_326 = arith.constant 0 : i32
    %dma_wait3A_327 = tpu.memref_slice %arg19[%add3A_325, %dma_wait3A_326] : memref<10240x128xf32, #tpu.memory_space<vmem_shared>> -> memref<32x128xf32, #tpu.memory_space<vmem_shared>>
    %dma_wait3A_328 = arith.constant 0 : i32
    %dma_wait3A_329 = tpu.memref_slice %arg19[%add3A_325, %dma_wait3A_328] : memref<10240x128xf32, #tpu.memory_space<vmem_shared>> -> memref<32x128xf32, #tpu.memory_space<vmem_shared>>
    tpu.wait_dma2 semaphore(%arg28 : memref<!tpu.dma_semaphore, #tpu.memory_space<semaphore_mem>>) src(%arg18 : memref<32x128xf32, #tpu.memory_space<vmem>>) dst(%dma_wait3A_329 : memref<32x128xf32, #tpu.memory_space<vmem_shared>>)
    %mul3A_330 = arith.constant 640 : i32
    %mul3A_331 = arith.muli %arg1, %mul3A_330 : i32
    %add3A_332 = arith.constant 576 : i32
    %add3A_333 = arith.addi %mul3A_331, %add3A_332 : i32
    %dma_wait3A_334 = arith.constant 0 : i32
    %dma_wait3A_335 = tpu.memref_slice %arg19[%add3A_333, %dma_wait3A_334] : memref<10240x128xf32, #tpu.memory_space<vmem_shared>> -> memref<32x128xf32, #tpu.memory_space<vmem_shared>>
    %dma_wait3A_336 = arith.constant 0 : i32
    %dma_wait3A_337 = tpu.memref_slice %arg19[%add3A_333, %dma_wait3A_336] : memref<10240x128xf32, #tpu.memory_space<vmem_shared>> -> memref<32x128xf32, #tpu.memory_space<vmem_shared>>
    tpu.wait_dma2 semaphore(%arg28 : memref<!tpu.dma_semaphore, #tpu.memory_space<semaphore_mem>>) src(%arg18 : memref<32x128xf32, #tpu.memory_space<vmem>>) dst(%dma_wait3A_337 : memref<32x128xf32, #tpu.memory_space<vmem_shared>>)
    %mul3A_338 = arith.constant 640 : i32
    %mul3A_339 = arith.muli %arg1, %mul3A_338 : i32
    %add3A_340 = arith.constant 608 : i32
    %add3A_341 = arith.addi %mul3A_339, %add3A_340 : i32
    %dma_wait3A_342 = arith.constant 0 : i32
    %dma_wait3A_343 = tpu.memref_slice %arg19[%add3A_341, %dma_wait3A_342] : memref<10240x128xf32, #tpu.memory_space<vmem_shared>> -> memref<32x128xf32, #tpu.memory_space<vmem_shared>>
    %dma_wait3A_344 = arith.constant 0 : i32
    %dma_wait3A_345 = tpu.memref_slice %arg19[%add3A_341, %dma_wait3A_344] : memref<10240x128xf32, #tpu.memory_space<vmem_shared>> -> memref<32x128xf32, #tpu.memory_space<vmem_shared>>
    tpu.wait_dma2 semaphore(%arg28 : memref<!tpu.dma_semaphore, #tpu.memory_space<semaphore_mem>>) src(%arg18 : memref<32x128xf32, #tpu.memory_space<vmem>>) dst(%dma_wait3A_345 : memref<32x128xf32, #tpu.memory_space<vmem_shared>>)
    %barrier3A = arith.constant 0 : index
    tpu.barrier barrier_id(%barrier3A)
    %scan3A_346 = arith.constant 0 : i32
    %scan3A_347 = arith.constant 30 : i32
    %scan3A_348 = arith.addi %scan3A_346, %scan3A_347 : i32
    %scan3A_349 = arith.constant 1 : i32
    scf.for %scan3A_418 = %scan3A_346 to %scan3A_348 step %scan3A_349  : i32 {
      %mul3A_419 = arith.constant 1 : i32
      %mul3A_420 = arith.muli %scan3A_418, %mul3A_419 : i32
      %add3A_421 = arith.constant 0 : i32
      %add3A_422 = arith.addi %add3A_421, %mul3A_420 : i32
      %mul3A_423 = arith.constant 4 : i32
      %mul3A_424 = arith.muli %mul3A_423, %add3A_422 : i32
      %add3A_425 = arith.constant 0 : i32
      %add3A_426 = arith.addi %mul3A_424, %add3A_425 : i32
      %dma_wait3A_427 = arith.constant 0 : i32
      %dma_wait3A_428 = arith.constant 0 : i32
      %dma_wait3A_429 = tpu.memref_slice %arg2[%dma_wait3A_427, %dma_wait3A_428] : memref<10000x128xf32, #tpu.memory_space<hbm>> -> memref<10000x128xf32, #tpu.memory_space<hbm>>
      tpu.wait_indirect_dma semaphore(%arg20 : memref<!tpu.dma_semaphore, #tpu.memory_space<semaphore_mem>>) src(%dma_wait3A_429 : memref<10000x128xf32, #tpu.memory_space<hbm>>) dst(%arg14 : memref<80x128xf32, #tpu.memory_space<vmem>>)
      %dma_start3A_430 = arith.constant 0 : i32
      %dma_start3A_431 = arith.constant 0 : i32
      %dma_start3A_432 = tpu.memref_slice %arg19[%dma_start3A_430, %dma_start3A_431] : memref<10240x128xf32, #tpu.memory_space<vmem_shared>> -> memref<10240x128xf32, #tpu.memory_space<vmem_shared>>
      tpu.enqueue_indirect_dma source(%arg14 : memref<80x128xf32, #tpu.memory_space<vmem>>) target(%dma_start3A_432 : memref<10240x128xf32, #tpu.memory_space<vmem_shared>>) offsets(%arg10 : memref<80xi32, #tpu.memory_space<vmem>>) semaphore(%arg24 : memref<!tpu.dma_semaphore, #tpu.memory_space<semaphore_mem>>) {add = true}
      %ge3A = arith.constant 1 : i32
      %ge3A_433 = arith.cmpi sge, %add3A_422, %ge3A : i32
      %convert_element_type3A = arith.extui %ge3A_433 : i1 to i32
      %cond3A = arith.constant 0 : i32
      %cond3A_434 = arith.cmpi ne, %convert_element_type3A, %cond3A : i32
      scf.if %cond3A_434 {
        %dma_wait3A_518 = arith.constant 0 : i32
        %dma_wait3A_519 = arith.constant 0 : i32
        %dma_wait3A_520 = tpu.memref_slice %arg19[%dma_wait3A_518, %dma_wait3A_519] : memref<10240x128xf32, #tpu.memory_space<vmem_shared>> -> memref<10240x128xf32, #tpu.memory_space<vmem_shared>>
        tpu.wait_indirect_dma semaphore(%arg27 : memref<!tpu.dma_semaphore, #tpu.memory_space<semaphore_mem>>) src(%arg17 : memref<80x128xf32, #tpu.memory_space<vmem>>) dst(%dma_wait3A_520 : memref<10240x128xf32, #tpu.memory_space<vmem_shared>>)
      } else {
      }
      %add3A_435 = arith.constant 3 : i32
      %add3A_436 = arith.addi %add3A_426, %add3A_435 : i32
      %mul3A_437 = arith.constant 80 : i32
      %mul3A_438 = arith.muli %add3A_436, %mul3A_437 : i32
      %add3A_439 = arith.addi %mul3A_2, %mul3A_438 : i32
      "tpu.region"() ({
        %run_scoped3A = tpu.sem_alloc : memref<!tpu.dma_semaphore, #tpu.memory_space<semaphore_mem>>
        %dma_start3A_518 = tpu.memref_slice %arg3[%add3A_439] : memref<320000xi32, #tpu.memory_space<hbm>> -> memref<80xi32, #tpu.memory_space<hbm>>
        %dma_start3A_519 = tpu.memref_slice %arg3[%add3A_439] : memref<320000xi32, #tpu.memory_space<hbm>> -> memref<80xi32, #tpu.memory_space<hbm>>
        tpu.enqueue_dma source(%dma_start3A_519 : memref<80xi32, #tpu.memory_space<hbm>>) target(%arg9 : memref<80xi32, #tpu.memory_space<vmem>>) target_semaphore(%run_scoped3A : memref<!tpu.dma_semaphore, #tpu.memory_space<semaphore_mem>>)
        %dma_wait3A_520 = tpu.memref_slice %arg3[%add3A_439] : memref<320000xi32, #tpu.memory_space<hbm>> -> memref<80xi32, #tpu.memory_space<hbm>>
        %dma_wait3A_521 = tpu.memref_slice %arg3[%add3A_439] : memref<320000xi32, #tpu.memory_space<hbm>> -> memref<80xi32, #tpu.memory_space<hbm>>
        tpu.wait_dma2 semaphore(%run_scoped3A : memref<!tpu.dma_semaphore, #tpu.memory_space<semaphore_mem>>) src(%dma_wait3A_521 : memref<80xi32, #tpu.memory_space<hbm>>) dst(%arg9 : memref<80xi32, #tpu.memory_space<vmem>>)
        tpu.yield
      }) : () -> ()
      %mul3A_440 = arith.constant 80 : i32
      %mul3A_441 = arith.muli %add3A_436, %mul3A_440 : i32
      %add3A_442 = arith.addi %mul3A_2, %mul3A_441 : i32
      "tpu.region"() ({
        %run_scoped3A = tpu.sem_alloc : memref<!tpu.dma_semaphore, #tpu.memory_space<semaphore_mem>>
        %dma_start3A_518 = tpu.memref_slice %arg4[%add3A_442] : memref<320000xi32, #tpu.memory_space<hbm>> -> memref<80xi32, #tpu.memory_space<hbm>>
        %dma_start3A_519 = tpu.memref_slice %arg4[%add3A_442] : memref<320000xi32, #tpu.memory_space<hbm>> -> memref<80xi32, #tpu.memory_space<hbm>>
        tpu.enqueue_dma source(%dma_start3A_519 : memref<80xi32, #tpu.memory_space<hbm>>) target(%arg13 : memref<80xi32, #tpu.memory_space<vmem>>) target_semaphore(%run_scoped3A : memref<!tpu.dma_semaphore, #tpu.memory_space<semaphore_mem>>)
        %dma_wait3A_520 = tpu.memref_slice %arg4[%add3A_442] : memref<320000xi32, #tpu.memory_space<hbm>> -> memref<80xi32, #tpu.memory_space<hbm>>
        %dma_wait3A_521 = tpu.memref_slice %arg4[%add3A_442] : memref<320000xi32, #tpu.memory_space<hbm>> -> memref<80xi32, #tpu.memory_space<hbm>>
        tpu.wait_dma2 semaphore(%run_scoped3A : memref<!tpu.dma_semaphore, #tpu.memory_space<semaphore_mem>>) src(%dma_wait3A_521 : memref<80xi32, #tpu.memory_space<hbm>>) dst(%arg13 : memref<80xi32, #tpu.memory_space<vmem>>)
        tpu.yield
      }) : () -> ()
      %dma_start3A_443 = arith.constant 0 : i32
      %dma_start3A_444 = arith.constant 0 : i32
      %dma_start3A_445 = tpu.memref_slice %arg2[%dma_start3A_443, %dma_start3A_444] : memref<10000x128xf32, #tpu.memory_space<hbm>> -> memref<10000x128xf32, #tpu.memory_space<hbm>>
      tpu.enqueue_indirect_dma source(%dma_start3A_445 : memref<10000x128xf32, #tpu.memory_space<hbm>>) target(%arg17 : memref<80x128xf32, #tpu.memory_space<vmem>>) offsets(%arg9 : memref<80xi32, #tpu.memory_space<vmem>>) semaphore(%arg23 : memref<!tpu.dma_semaphore, #tpu.memory_space<semaphore_mem>>)
      %mul3A_446 = arith.constant 4 : i32
      %mul3A_447 = arith.muli %mul3A_446, %add3A_422 : i32
      %add3A_448 = arith.constant 1 : i32
      %add3A_449 = arith.addi %mul3A_447, %add3A_448 : i32
      %dma_wait3A_450 = arith.constant 0 : i32
      %dma_wait3A_451 = arith.constant 0 : i32
      %dma_wait3A_452 = tpu.memref_slice %arg2[%dma_wait3A_450, %dma_wait3A_451] : memref<10000x128xf32, #tpu.memory_space<hbm>> -> memref<10000x128xf32, #tpu.memory_space<hbm>>
      tpu.wait_indirect_dma semaphore(%arg21 : memref<!tpu.dma_semaphore, #tpu.memory_space<semaphore_mem>>) src(%dma_wait3A_452 : memref<10000x128xf32, #tpu.memory_space<hbm>>) dst(%arg15 : memref<80x128xf32, #tpu.memory_space<vmem>>)
      %dma_start3A_453 = arith.constant 0 : i32
      %dma_start3A_454 = arith.constant 0 : i32
      %dma_start3A_455 = tpu.memref_slice %arg19[%dma_start3A_453, %dma_start3A_454] : memref<10240x128xf32, #tpu.memory_space<vmem_shared>> -> memref<10240x128xf32, #tpu.memory_space<vmem_shared>>
      tpu.enqueue_indirect_dma source(%arg15 : memref<80x128xf32, #tpu.memory_space<vmem>>) target(%dma_start3A_455 : memref<10240x128xf32, #tpu.memory_space<vmem_shared>>) offsets(%arg11 : memref<80xi32, #tpu.memory_space<vmem>>) semaphore(%arg25 : memref<!tpu.dma_semaphore, #tpu.memory_space<semaphore_mem>>) {add = true}
      %dma_wait3A_456 = arith.constant 0 : i32
      %dma_wait3A_457 = arith.constant 0 : i32
      %dma_wait3A_458 = tpu.memref_slice %arg19[%dma_wait3A_456, %dma_wait3A_457] : memref<10240x128xf32, #tpu.memory_space<vmem_shared>> -> memref<10240x128xf32, #tpu.memory_space<vmem_shared>>
      tpu.wait_indirect_dma semaphore(%arg24 : memref<!tpu.dma_semaphore, #tpu.memory_space<semaphore_mem>>) src(%arg14 : memref<80x128xf32, #tpu.memory_space<vmem>>) dst(%dma_wait3A_458 : memref<10240x128xf32, #tpu.memory_space<vmem_shared>>)
      %add3A_459 = arith.constant 3 : i32
      %add3A_460 = arith.addi %add3A_449, %add3A_459 : i32
      %mul3A_461 = arith.constant 80 : i32
      %mul3A_462 = arith.muli %add3A_460, %mul3A_461 : i32
      %add3A_463 = arith.addi %mul3A_2, %mul3A_462 : i32
      "tpu.region"() ({
        %run_scoped3A = tpu.sem_alloc : memref<!tpu.dma_semaphore, #tpu.memory_space<semaphore_mem>>
        %dma_start3A_518 = tpu.memref_slice %arg3[%add3A_463] : memref<320000xi32, #tpu.memory_space<hbm>> -> memref<80xi32, #tpu.memory_space<hbm>>
        %dma_start3A_519 = tpu.memref_slice %arg3[%add3A_463] : memref<320000xi32, #tpu.memory_space<hbm>> -> memref<80xi32, #tpu.memory_space<hbm>>
        tpu.enqueue_dma source(%dma_start3A_519 : memref<80xi32, #tpu.memory_space<hbm>>) target(%arg6 : memref<80xi32, #tpu.memory_space<vmem>>) target_semaphore(%run_scoped3A : memref<!tpu.dma_semaphore, #tpu.memory_space<semaphore_mem>>)
        %dma_wait3A_520 = tpu.memref_slice %arg3[%add3A_463] : memref<320000xi32, #tpu.memory_space<hbm>> -> memref<80xi32, #tpu.memory_space<hbm>>
        %dma_wait3A_521 = tpu.memref_slice %arg3[%add3A_463] : memref<320000xi32, #tpu.memory_space<hbm>> -> memref<80xi32, #tpu.memory_space<hbm>>
        tpu.wait_dma2 semaphore(%run_scoped3A : memref<!tpu.dma_semaphore, #tpu.memory_space<semaphore_mem>>) src(%dma_wait3A_521 : memref<80xi32, #tpu.memory_space<hbm>>) dst(%arg6 : memref<80xi32, #tpu.memory_space<vmem>>)
        tpu.yield
      }) : () -> ()
      %mul3A_464 = arith.constant 80 : i32
      %mul3A_465 = arith.muli %add3A_460, %mul3A_464 : i32
      %add3A_466 = arith.addi %mul3A_2, %mul3A_465 : i32
      "tpu.region"() ({
        %run_scoped3A = tpu.sem_alloc : memref<!tpu.dma_semaphore, #tpu.memory_space<semaphore_mem>>
        %dma_start3A_518 = tpu.memref_slice %arg4[%add3A_466] : memref<320000xi32, #tpu.memory_space<hbm>> -> memref<80xi32, #tpu.memory_space<hbm>>
        %dma_start3A_519 = tpu.memref_slice %arg4[%add3A_466] : memref<320000xi32, #tpu.memory_space<hbm>> -> memref<80xi32, #tpu.memory_space<hbm>>
        tpu.enqueue_dma source(%dma_start3A_519 : memref<80xi32, #tpu.memory_space<hbm>>) target(%arg10 : memref<80xi32, #tpu.memory_space<vmem>>) target_semaphore(%run_scoped3A : memref<!tpu.dma_semaphore, #tpu.memory_space<semaphore_mem>>)
        %dma_wait3A_520 = tpu.memref_slice %arg4[%add3A_466] : memref<320000xi32, #tpu.memory_space<hbm>> -> memref<80xi32, #tpu.memory_space<hbm>>
        %dma_wait3A_521 = tpu.memref_slice %arg4[%add3A_466] : memref<320000xi32, #tpu.memory_space<hbm>> -> memref<80xi32, #tpu.memory_space<hbm>>
        tpu.wait_dma2 semaphore(%run_scoped3A : memref<!tpu.dma_semaphore, #tpu.memory_space<semaphore_mem>>) src(%dma_wait3A_521 : memref<80xi32, #tpu.memory_space<hbm>>) dst(%arg10 : memref<80xi32, #tpu.memory_space<vmem>>)
        tpu.yield
      }) : () -> ()
      %dma_start3A_467 = arith.constant 0 : i32
      %dma_start3A_468 = arith.constant 0 : i32
      %dma_start3A_469 = tpu.memref_slice %arg2[%dma_start3A_467, %dma_start3A_468] : memref<10000x128xf32, #tpu.memory_space<hbm>> -> memref<10000x128xf32, #tpu.memory_space<hbm>>
      tpu.enqueue_indirect_dma source(%dma_start3A_469 : memref<10000x128xf32, #tpu.memory_space<hbm>>) target(%arg14 : memref<80x128xf32, #tpu.memory_space<vmem>>) offsets(%arg6 : memref<80xi32, #tpu.memory_space<vmem>>) semaphore(%arg20 : memref<!tpu.dma_semaphore, #tpu.memory_space<semaphore_mem>>)
      %mul3A_470 = arith.constant 4 : i32
      %mul3A_471 = arith.muli %mul3A_470, %add3A_422 : i32
      %add3A_472 = arith.constant 2 : i32
      %add3A_473 = arith.addi %mul3A_471, %add3A_472 : i32
      %dma_wait3A_474 = arith.constant 0 : i32
      %dma_wait3A_475 = arith.constant 0 : i32
      %dma_wait3A_476 = tpu.memref_slice %arg2[%dma_wait3A_474, %dma_wait3A_475] : memref<10000x128xf32, #tpu.memory_space<hbm>> -> memref<10000x128xf32, #tpu.memory_space<hbm>>
      tpu.wait_indirect_dma semaphore(%arg22 : memref<!tpu.dma_semaphore, #tpu.memory_space<semaphore_mem>>) src(%dma_wait3A_476 : memref<10000x128xf32, #tpu.memory_space<hbm>>) dst(%arg16 : memref<80x128xf32, #tpu.memory_space<vmem>>)
      %dma_start3A_477 = arith.constant 0 : i32
      %dma_start3A_478 = arith.constant 0 : i32
      %dma_start3A_479 = tpu.memref_slice %arg19[%dma_start3A_477, %dma_start3A_478] : memref<10240x128xf32, #tpu.memory_space<vmem_shared>> -> memref<10240x128xf32, #tpu.memory_space<vmem_shared>>
      tpu.enqueue_indirect_dma source(%arg16 : memref<80x128xf32, #tpu.memory_space<vmem>>) target(%dma_start3A_479 : memref<10240x128xf32, #tpu.memory_space<vmem_shared>>) offsets(%arg12 : memref<80xi32, #tpu.memory_space<vmem>>) semaphore(%arg26 : memref<!tpu.dma_semaphore, #tpu.memory_space<semaphore_mem>>) {add = true}
      %dma_wait3A_480 = arith.constant 0 : i32
      %dma_wait3A_481 = arith.constant 0 : i32
      %dma_wait3A_482 = tpu.memref_slice %arg19[%dma_wait3A_480, %dma_wait3A_481] : memref<10240x128xf32, #tpu.memory_space<vmem_shared>> -> memref<10240x128xf32, #tpu.memory_space<vmem_shared>>
      tpu.wait_indirect_dma semaphore(%arg25 : memref<!tpu.dma_semaphore, #tpu.memory_space<semaphore_mem>>) src(%arg15 : memref<80x128xf32, #tpu.memory_space<vmem>>) dst(%dma_wait3A_482 : memref<10240x128xf32, #tpu.memory_space<vmem_shared>>)
      %add3A_483 = arith.constant 3 : i32
      %add3A_484 = arith.addi %add3A_473, %add3A_483 : i32
      %mul3A_485 = arith.constant 80 : i32
      %mul3A_486 = arith.muli %add3A_484, %mul3A_485 : i32
      %add3A_487 = arith.addi %mul3A_2, %mul3A_486 : i32
      "tpu.region"() ({
        %run_scoped3A = tpu.sem_alloc : memref<!tpu.dma_semaphore, #tpu.memory_space<semaphore_mem>>
        %dma_start3A_518 = tpu.memref_slice %arg3[%add3A_487] : memref<320000xi32, #tpu.memory_space<hbm>> -> memref<80xi32, #tpu.memory_space<hbm>>
        %dma_start3A_519 = tpu.memref_slice %arg3[%add3A_487] : memref<320000xi32, #tpu.memory_space<hbm>> -> memref<80xi32, #tpu.memory_space<hbm>>
        tpu.enqueue_dma source(%dma_start3A_519 : memref<80xi32, #tpu.memory_space<hbm>>) target(%arg7 : memref<80xi32, #tpu.memory_space<vmem>>) target_semaphore(%run_scoped3A : memref<!tpu.dma_semaphore, #tpu.memory_space<semaphore_mem>>)
        %dma_wait3A_520 = tpu.memref_slice %arg3[%add3A_487] : memref<320000xi32, #tpu.memory_space<hbm>> -> memref<80xi32, #tpu.memory_space<hbm>>
        %dma_wait3A_521 = tpu.memref_slice %arg3[%add3A_487] : memref<320000xi32, #tpu.memory_space<hbm>> -> memref<80xi32, #tpu.memory_space<hbm>>
        tpu.wait_dma2 semaphore(%run_scoped3A : memref<!tpu.dma_semaphore, #tpu.memory_space<semaphore_mem>>) src(%dma_wait3A_521 : memref<80xi32, #tpu.memory_space<hbm>>) dst(%arg7 : memref<80xi32, #tpu.memory_space<vmem>>)
        tpu.yield
      }) : () -> ()
      %mul3A_488 = arith.constant 80 : i32
      %mul3A_489 = arith.muli %add3A_484, %mul3A_488 : i32
      %add3A_490 = arith.addi %mul3A_2, %mul3A_489 : i32
      "tpu.region"() ({
        %run_scoped3A = tpu.sem_alloc : memref<!tpu.dma_semaphore, #tpu.memory_space<semaphore_mem>>
        %dma_start3A_518 = tpu.memref_slice %arg4[%add3A_490] : memref<320000xi32, #tpu.memory_space<hbm>> -> memref<80xi32, #tpu.memory_space<hbm>>
        %dma_start3A_519 = tpu.memref_slice %arg4[%add3A_490] : memref<320000xi32, #tpu.memory_space<hbm>> -> memref<80xi32, #tpu.memory_space<hbm>>
        tpu.enqueue_dma source(%dma_start3A_519 : memref<80xi32, #tpu.memory_space<hbm>>) target(%arg11 : memref<80xi32, #tpu.memory_space<vmem>>) target_semaphore(%run_scoped3A : memref<!tpu.dma_semaphore, #tpu.memory_space<semaphore_mem>>)
        %dma_wait3A_520 = tpu.memref_slice %arg4[%add3A_490] : memref<320000xi32, #tpu.memory_space<hbm>> -> memref<80xi32, #tpu.memory_space<hbm>>
        %dma_wait3A_521 = tpu.memref_slice %arg4[%add3A_490] : memref<320000xi32, #tpu.memory_space<hbm>> -> memref<80xi32, #tpu.memory_space<hbm>>
        tpu.wait_dma2 semaphore(%run_scoped3A : memref<!tpu.dma_semaphore, #tpu.memory_space<semaphore_mem>>) src(%dma_wait3A_521 : memref<80xi32, #tpu.memory_space<hbm>>) dst(%arg11 : memref<80xi32, #tpu.memory_space<vmem>>)
        tpu.yield
      }) : () -> ()
      %dma_start3A_491 = arith.constant 0 : i32
      %dma_start3A_492 = arith.constant 0 : i32
      %dma_start3A_493 = tpu.memref_slice %arg2[%dma_start3A_491, %dma_start3A_492] : memref<10000x128xf32, #tpu.memory_space<hbm>> -> memref<10000x128xf32, #tpu.memory_space<hbm>>
      tpu.enqueue_indirect_dma source(%dma_start3A_493 : memref<10000x128xf32, #tpu.memory_space<hbm>>) target(%arg15 : memref<80x128xf32, #tpu.memory_space<vmem>>) offsets(%arg7 : memref<80xi32, #tpu.memory_space<vmem>>) semaphore(%arg21 : memref<!tpu.dma_semaphore, #tpu.memory_space<semaphore_mem>>)
      %mul3A_494 = arith.constant 4 : i32
      %mul3A_495 = arith.muli %mul3A_494, %add3A_422 : i32
      %add3A_496 = arith.constant 3 : i32
      %add3A_497 = arith.addi %mul3A_495, %add3A_496 : i32
      %dma_wait3A_498 = arith.constant 0 : i32
      %dma_wait3A_499 = arith.constant 0 : i32
      %dma_wait3A_500 = tpu.memref_slice %arg2[%dma_wait3A_498, %dma_wait3A_499] : memref<10000x128xf32, #tpu.memory_space<hbm>> -> memref<10000x128xf32, #tpu.memory_space<hbm>>
      tpu.wait_indirect_dma semaphore(%arg23 : memref<!tpu.dma_semaphore, #tpu.memory_space<semaphore_mem>>) src(%dma_wait3A_500 : memref<10000x128xf32, #tpu.memory_space<hbm>>) dst(%arg17 : memref<80x128xf32, #tpu.memory_space<vmem>>)
      %dma_start3A_501 = arith.constant 0 : i32
      %dma_start3A_502 = arith.constant 0 : i32
      %dma_start3A_503 = tpu.memref_slice %arg19[%dma_start3A_501, %dma_start3A_502] : memref<10240x128xf32, #tpu.memory_space<vmem_shared>> -> memref<10240x128xf32, #tpu.memory_space<vmem_shared>>
      tpu.enqueue_indirect_dma source(%arg17 : memref<80x128xf32, #tpu.memory_space<vmem>>) target(%dma_start3A_503 : memref<10240x128xf32, #tpu.memory_space<vmem_shared>>) offsets(%arg13 : memref<80xi32, #tpu.memory_space<vmem>>) semaphore(%arg27 : memref<!tpu.dma_semaphore, #tpu.memory_space<semaphore_mem>>) {add = true}
      %dma_wait3A_504 = arith.constant 0 : i32
      %dma_wait3A_505 = arith.constant 0 : i32
      %dma_wait3A_506 = tpu.memref_slice %arg19[%dma_wait3A_504, %dma_wait3A_505] : memref<10240x128xf32, #tpu.memory_space<vmem_shared>> -> memref<10240x128xf32, #tpu.memory_space<vmem_shared>>
      tpu.wait_indirect_dma semaphore(%arg26 : memref<!tpu.dma_semaphore, #tpu.memory_space<semaphore_mem>>) src(%arg16 : memref<80x128xf32, #tpu.memory_space<vmem>>) dst(%dma_wait3A_506 : memref<10240x128xf32, #tpu.memory_space<vmem_shared>>)
      %add3A_507 = arith.constant 3 : i32
      %add3A_508 = arith.addi %add3A_497, %add3A_507 : i32
      %mul3A_509 = arith.constant 80 : i32
      %mul3A_510 = arith.muli %add3A_508, %mul3A_509 : i32
      %add3A_511 = arith.addi %mul3A_2, %mul3A_510 : i32
      "tpu.region"() ({
        %run_scoped3A = tpu.sem_alloc : memref<!tpu.dma_semaphore, #tpu.memory_space<semaphore_mem>>
        %dma_start3A_518 = tpu.memref_slice %arg3[%add3A_511] : memref<320000xi32, #tpu.memory_space<hbm>> -> memref<80xi32, #tpu.memory_space<hbm>>
        %dma_start3A_519 = tpu.memref_slice %arg3[%add3A_511] : memref<320000xi32, #tpu.memory_space<hbm>> -> memref<80xi32, #tpu.memory_space<hbm>>
        tpu.enqueue_dma source(%dma_start3A_519 : memref<80xi32, #tpu.memory_space<hbm>>) target(%arg8 : memref<80xi32, #tpu.memory_space<vmem>>) target_semaphore(%run_scoped3A : memref<!tpu.dma_semaphore, #tpu.memory_space<semaphore_mem>>)
        %dma_wait3A_520 = tpu.memref_slice %arg3[%add3A_511] : memref<320000xi32, #tpu.memory_space<hbm>> -> memref<80xi32, #tpu.memory_space<hbm>>
        %dma_wait3A_521 = tpu.memref_slice %arg3[%add3A_511] : memref<320000xi32, #tpu.memory_space<hbm>> -> memref<80xi32, #tpu.memory_space<hbm>>
        tpu.wait_dma2 semaphore(%run_scoped3A : memref<!tpu.dma_semaphore, #tpu.memory_space<semaphore_mem>>) src(%dma_wait3A_521 : memref<80xi32, #tpu.memory_space<hbm>>) dst(%arg8 : memref<80xi32, #tpu.memory_space<vmem>>)
        tpu.yield
      }) : () -> ()
      %mul3A_512 = arith.constant 80 : i32
      %mul3A_513 = arith.muli %add3A_508, %mul3A_512 : i32
      %add3A_514 = arith.addi %mul3A_2, %mul3A_513 : i32
      "tpu.region"() ({
        %run_scoped3A = tpu.sem_alloc : memref<!tpu.dma_semaphore, #tpu.memory_space<semaphore_mem>>
        %dma_start3A_518 = tpu.memref_slice %arg4[%add3A_514] : memref<320000xi32, #tpu.memory_space<hbm>> -> memref<80xi32, #tpu.memory_space<hbm>>
        %dma_start3A_519 = tpu.memref_slice %arg4[%add3A_514] : memref<320000xi32, #tpu.memory_space<hbm>> -> memref<80xi32, #tpu.memory_space<hbm>>
        tpu.enqueue_dma source(%dma_start3A_519 : memref<80xi32, #tpu.memory_space<hbm>>) target(%arg12 : memref<80xi32, #tpu.memory_space<vmem>>) target_semaphore(%run_scoped3A : memref<!tpu.dma_semaphore, #tpu.memory_space<semaphore_mem>>)
        %dma_wait3A_520 = tpu.memref_slice %arg4[%add3A_514] : memref<320000xi32, #tpu.memory_space<hbm>> -> memref<80xi32, #tpu.memory_space<hbm>>
        %dma_wait3A_521 = tpu.memref_slice %arg4[%add3A_514] : memref<320000xi32, #tpu.memory_space<hbm>> -> memref<80xi32, #tpu.memory_space<hbm>>
        tpu.wait_dma2 semaphore(%run_scoped3A : memref<!tpu.dma_semaphore, #tpu.memory_space<semaphore_mem>>) src(%dma_wait3A_521 : memref<80xi32, #tpu.memory_space<hbm>>) dst(%arg12 : memref<80xi32, #tpu.memory_space<vmem>>)
        tpu.yield
      }) : () -> ()
      %dma_start3A_515 = arith.constant 0 : i32
      %dma_start3A_516 = arith.constant 0 : i32
      %dma_start3A_517 = tpu.memref_slice %arg2[%dma_start3A_515, %dma_start3A_516] : memref<10000x128xf32, #tpu.memory_space<hbm>> -> memref<10000x128xf32, #tpu.memory_space<hbm>>
      tpu.enqueue_indirect_dma source(%dma_start3A_517 : memref<10000x128xf32, #tpu.memory_space<hbm>>) target(%arg16 : memref<80x128xf32, #tpu.memory_space<vmem>>) offsets(%arg8 : memref<80xi32, #tpu.memory_space<vmem>>) semaphore(%arg22 : memref<!tpu.dma_semaphore, #tpu.memory_space<semaphore_mem>>)
    }
    %scan3A_350 = arith.constant 30 : i32
    %dma_wait3A_351 = arith.constant 0 : i32
    %dma_wait3A_352 = arith.constant 0 : i32
    %dma_wait3A_353 = tpu.memref_slice %arg2[%dma_wait3A_351, %dma_wait3A_352] : memref<10000x128xf32, #tpu.memory_space<hbm>> -> memref<10000x128xf32, #tpu.memory_space<hbm>>
    tpu.wait_indirect_dma semaphore(%arg20 : memref<!tpu.dma_semaphore, #tpu.memory_space<semaphore_mem>>) src(%dma_wait3A_353 : memref<10000x128xf32, #tpu.memory_space<hbm>>) dst(%arg14 : memref<80x128xf32, #tpu.memory_space<vmem>>)
    %dma_start3A_354 = arith.constant 0 : i32
    %dma_start3A_355 = arith.constant 0 : i32
    %dma_start3A_356 = tpu.memref_slice %arg19[%dma_start3A_354, %dma_start3A_355] : memref<10240x128xf32, #tpu.memory_space<vmem_shared>> -> memref<10240x128xf32, #tpu.memory_space<vmem_shared>>
    tpu.enqueue_indirect_dma source(%arg14 : memref<80x128xf32, #tpu.memory_space<vmem>>) target(%dma_start3A_356 : memref<10240x128xf32, #tpu.memory_space<vmem_shared>>) offsets(%arg10 : memref<80xi32, #tpu.memory_space<vmem>>) semaphore(%arg24 : memref<!tpu.dma_semaphore, #tpu.memory_space<semaphore_mem>>) {add = true}
    %dma_wait3A_357 = arith.constant 0 : i32
    %dma_wait3A_358 = arith.constant 0 : i32
    %dma_wait3A_359 = tpu.memref_slice %arg19[%dma_wait3A_357, %dma_wait3A_358] : memref<10240x128xf32, #tpu.memory_space<vmem_shared>> -> memref<10240x128xf32, #tpu.memory_space<vmem_shared>>
    tpu.wait_indirect_dma semaphore(%arg27 : memref<!tpu.dma_semaphore, #tpu.memory_space<semaphore_mem>>) src(%arg17 : memref<80x128xf32, #tpu.memory_space<vmem>>) dst(%dma_wait3A_359 : memref<10240x128xf32, #tpu.memory_space<vmem_shared>>)
    %add3A_360 = arith.constant 9840 : i32
    %add3A_361 = arith.addi %mul3A_2, %add3A_360 : i32
    "tpu.region"() ({
      %run_scoped3A = tpu.sem_alloc : memref<!tpu.dma_semaphore, #tpu.memory_space<semaphore_mem>>
      %dma_start3A_418 = tpu.memref_slice %arg3[%add3A_361] : memref<320000xi32, #tpu.memory_space<hbm>> -> memref<80xi32, #tpu.memory_space<hbm>>
      %dma_start3A_419 = tpu.memref_slice %arg3[%add3A_361] : memref<320000xi32, #tpu.memory_space<hbm>> -> memref<80xi32, #tpu.memory_space<hbm>>
      tpu.enqueue_dma source(%dma_start3A_419 : memref<80xi32, #tpu.memory_space<hbm>>) target(%arg9 : memref<80xi32, #tpu.memory_space<vmem>>) target_semaphore(%run_scoped3A : memref<!tpu.dma_semaphore, #tpu.memory_space<semaphore_mem>>)
      %dma_wait3A_420 = tpu.memref_slice %arg3[%add3A_361] : memref<320000xi32, #tpu.memory_space<hbm>> -> memref<80xi32, #tpu.memory_space<hbm>>
      %dma_wait3A_421 = tpu.memref_slice %arg3[%add3A_361] : memref<320000xi32, #tpu.memory_space<hbm>> -> memref<80xi32, #tpu.memory_space<hbm>>
      tpu.wait_dma2 semaphore(%run_scoped3A : memref<!tpu.dma_semaphore, #tpu.memory_space<semaphore_mem>>) src(%dma_wait3A_421 : memref<80xi32, #tpu.memory_space<hbm>>) dst(%arg9 : memref<80xi32, #tpu.memory_space<vmem>>)
      tpu.yield
    }) : () -> ()
    %add3A_362 = arith.constant 9840 : i32
    %add3A_363 = arith.addi %mul3A_2, %add3A_362 : i32
    "tpu.region"() ({
      %run_scoped3A = tpu.sem_alloc : memref<!tpu.dma_semaphore, #tpu.memory_space<semaphore_mem>>
      %dma_start3A_418 = tpu.memref_slice %arg4[%add3A_363] : memref<320000xi32, #tpu.memory_space<hbm>> -> memref<80xi32, #tpu.memory_space<hbm>>
      %dma_start3A_419 = tpu.memref_slice %arg4[%add3A_363] : memref<320000xi32, #tpu.memory_space<hbm>> -> memref<80xi32, #tpu.memory_space<hbm>>
      tpu.enqueue_dma source(%dma_start3A_419 : memref<80xi32, #tpu.memory_space<hbm>>) target(%arg13 : memref<80xi32, #tpu.memory_space<vmem>>) target_semaphore(%run_scoped3A : memref<!tpu.dma_semaphore, #tpu.memory_space<semaphore_mem>>)
      %dma_wait3A_420 = tpu.memref_slice %arg4[%add3A_363] : memref<320000xi32, #tpu.memory_space<hbm>> -> memref<80xi32, #tpu.memory_space<hbm>>
      %dma_wait3A_421 = tpu.memref_slice %arg4[%add3A_363] : memref<320000xi32, #tpu.memory_space<hbm>> -> memref<80xi32, #tpu.memory_space<hbm>>
      tpu.wait_dma2 semaphore(%run_scoped3A : memref<!tpu.dma_semaphore, #tpu.memory_space<semaphore_mem>>) src(%dma_wait3A_421 : memref<80xi32, #tpu.memory_space<hbm>>) dst(%arg13 : memref<80xi32, #tpu.memory_space<vmem>>)
      tpu.yield
    }) : () -> ()
    %dma_start3A_364 = arith.constant 0 : i32
    %dma_start3A_365 = arith.constant 0 : i32
    %dma_start3A_366 = tpu.memref_slice %arg2[%dma_start3A_364, %dma_start3A_365] : memref<10000x128xf32, #tpu.memory_space<hbm>> -> memref<10000x128xf32, #tpu.memory_space<hbm>>
    tpu.enqueue_indirect_dma source(%dma_start3A_366 : memref<10000x128xf32, #tpu.memory_space<hbm>>) target(%arg17 : memref<80x128xf32, #tpu.memory_space<vmem>>) offsets(%arg9 : memref<80xi32, #tpu.memory_space<vmem>>) semaphore(%arg23 : memref<!tpu.dma_semaphore, #tpu.memory_space<semaphore_mem>>)
    %dma_wait3A_367 = arith.constant 0 : i32
    %dma_wait3A_368 = arith.constant 0 : i32
    %dma_wait3A_369 = tpu.memref_slice %arg2[%dma_wait3A_367, %dma_wait3A_368] : memref<10000x128xf32, #tpu.memory_space<hbm>> -> memref<10000x128xf32, #tpu.memory_space<hbm>>
    tpu.wait_indirect_dma semaphore(%arg21 : memref<!tpu.dma_semaphore, #tpu.memory_space<semaphore_mem>>) src(%dma_wait3A_369 : memref<10000x128xf32, #tpu.memory_space<hbm>>) dst(%arg15 : memref<80x128xf32, #tpu.memory_space<vmem>>)
    %dma_start3A_370 = arith.constant 0 : i32
    %dma_start3A_371 = arith.constant 0 : i32
    %dma_start3A_372 = tpu.memref_slice %arg19[%dma_start3A_370, %dma_start3A_371] : memref<10240x128xf32, #tpu.memory_space<vmem_shared>> -> memref<10240x128xf32, #tpu.memory_space<vmem_shared>>
    tpu.enqueue_indirect_dma source(%arg15 : memref<80x128xf32, #tpu.memory_space<vmem>>) target(%dma_start3A_372 : memref<10240x128xf32, #tpu.memory_space<vmem_shared>>) offsets(%arg11 : memref<80xi32, #tpu.memory_space<vmem>>) semaphore(%arg25 : memref<!tpu.dma_semaphore, #tpu.memory_space<semaphore_mem>>) {add = true}
    %dma_wait3A_373 = arith.constant 0 : i32
    %dma_wait3A_374 = arith.constant 0 : i32
    %dma_wait3A_375 = tpu.memref_slice %arg19[%dma_wait3A_373, %dma_wait3A_374] : memref<10240x128xf32, #tpu.memory_space<vmem_shared>> -> memref<10240x128xf32, #tpu.memory_space<vmem_shared>>
    tpu.wait_indirect_dma semaphore(%arg24 : memref<!tpu.dma_semaphore, #tpu.memory_space<semaphore_mem>>) src(%arg14 : memref<80x128xf32, #tpu.memory_space<vmem>>) dst(%dma_wait3A_375 : memref<10240x128xf32, #tpu.memory_space<vmem_shared>>)
    %add3A_376 = arith.constant 9920 : i32
    %add3A_377 = arith.addi %mul3A_2, %add3A_376 : i32
    "tpu.region"() ({
      %run_scoped3A = tpu.sem_alloc : memref<!tpu.dma_semaphore, #tpu.memory_space<semaphore_mem>>
      %dma_start3A_418 = tpu.memref_slice %arg3[%add3A_377] : memref<320000xi32, #tpu.memory_space<hbm>> -> memref<80xi32, #tpu.memory_space<hbm>>
      %dma_start3A_419 = tpu.memref_slice %arg3[%add3A_377] : memref<320000xi32, #tpu.memory_space<hbm>> -> memref<80xi32, #tpu.memory_space<hbm>>
      tpu.enqueue_dma source(%dma_start3A_419 : memref<80xi32, #tpu.memory_space<hbm>>) target(%arg6 : memref<80xi32, #tpu.memory_space<vmem>>) target_semaphore(%run_scoped3A : memref<!tpu.dma_semaphore, #tpu.memory_space<semaphore_mem>>)
      %dma_wait3A_420 = tpu.memref_slice %arg3[%add3A_377] : memref<320000xi32, #tpu.memory_space<hbm>> -> memref<80xi32, #tpu.memory_space<hbm>>
      %dma_wait3A_421 = tpu.memref_slice %arg3[%add3A_377] : memref<320000xi32, #tpu.memory_space<hbm>> -> memref<80xi32, #tpu.memory_space<hbm>>
      tpu.wait_dma2 semaphore(%run_scoped3A : memref<!tpu.dma_semaphore, #tpu.memory_space<semaphore_mem>>) src(%dma_wait3A_421 : memref<80xi32, #tpu.memory_space<hbm>>) dst(%arg6 : memref<80xi32, #tpu.memory_space<vmem>>)
      tpu.yield
    }) : () -> ()
    %add3A_378 = arith.constant 9920 : i32
    %add3A_379 = arith.addi %mul3A_2, %add3A_378 : i32
    "tpu.region"() ({
      %run_scoped3A = tpu.sem_alloc : memref<!tpu.dma_semaphore, #tpu.memory_space<semaphore_mem>>
      %dma_start3A_418 = tpu.memref_slice %arg4[%add3A_379] : memref<320000xi32, #tpu.memory_space<hbm>> -> memref<80xi32, #tpu.memory_space<hbm>>
      %dma_start3A_419 = tpu.memref_slice %arg4[%add3A_379] : memref<320000xi32, #tpu.memory_space<hbm>> -> memref<80xi32, #tpu.memory_space<hbm>>
      tpu.enqueue_dma source(%dma_start3A_419 : memref<80xi32, #tpu.memory_space<hbm>>) target(%arg10 : memref<80xi32, #tpu.memory_space<vmem>>) target_semaphore(%run_scoped3A : memref<!tpu.dma_semaphore, #tpu.memory_space<semaphore_mem>>)
      %dma_wait3A_420 = tpu.memref_slice %arg4[%add3A_379] : memref<320000xi32, #tpu.memory_space<hbm>> -> memref<80xi32, #tpu.memory_space<hbm>>
      %dma_wait3A_421 = tpu.memref_slice %arg4[%add3A_379] : memref<320000xi32, #tpu.memory_space<hbm>> -> memref<80xi32, #tpu.memory_space<hbm>>
      tpu.wait_dma2 semaphore(%run_scoped3A : memref<!tpu.dma_semaphore, #tpu.memory_space<semaphore_mem>>) src(%dma_wait3A_421 : memref<80xi32, #tpu.memory_space<hbm>>) dst(%arg10 : memref<80xi32, #tpu.memory_space<vmem>>)
      tpu.yield
    }) : () -> ()
    %dma_start3A_380 = arith.constant 0 : i32
    %dma_start3A_381 = arith.constant 0 : i32
    %dma_start3A_382 = tpu.memref_slice %arg2[%dma_start3A_380, %dma_start3A_381] : memref<10000x128xf32, #tpu.memory_space<hbm>> -> memref<10000x128xf32, #tpu.memory_space<hbm>>
    tpu.enqueue_indirect_dma source(%dma_start3A_382 : memref<10000x128xf32, #tpu.memory_space<hbm>>) target(%arg14 : memref<80x128xf32, #tpu.memory_space<vmem>>) offsets(%arg6 : memref<80xi32, #tpu.memory_space<vmem>>) semaphore(%arg20 : memref<!tpu.dma_semaphore, #tpu.memory_space<semaphore_mem>>)
    %dma_wait3A_383 = arith.constant 0 : i32
    %dma_wait3A_384 = arith.constant 0 : i32
    %dma_wait3A_385 = tpu.memref_slice %arg2[%dma_wait3A_383, %dma_wait3A_384] : memref<10000x128xf32, #tpu.memory_space<hbm>> -> memref<10000x128xf32, #tpu.memory_space<hbm>>
    tpu.wait_indirect_dma semaphore(%arg22 : memref<!tpu.dma_semaphore, #tpu.memory_space<semaphore_mem>>) src(%dma_wait3A_385 : memref<10000x128xf32, #tpu.memory_space<hbm>>) dst(%arg16 : memref<80x128xf32, #tpu.memory_space<vmem>>)
    %dma_start3A_386 = arith.constant 0 : i32
    %dma_start3A_387 = arith.constant 0 : i32
    %dma_start3A_388 = tpu.memref_slice %arg19[%dma_start3A_386, %dma_start3A_387] : memref<10240x128xf32, #tpu.memory_space<vmem_shared>> -> memref<10240x128xf32, #tpu.memory_space<vmem_shared>>
    tpu.enqueue_indirect_dma source(%arg16 : memref<80x128xf32, #tpu.memory_space<vmem>>) target(%dma_start3A_388 : memref<10240x128xf32, #tpu.memory_space<vmem_shared>>) offsets(%arg12 : memref<80xi32, #tpu.memory_space<vmem>>) semaphore(%arg26 : memref<!tpu.dma_semaphore, #tpu.memory_space<semaphore_mem>>) {add = true}
    %dma_wait3A_389 = arith.constant 0 : i32
    %dma_wait3A_390 = arith.constant 0 : i32
    %dma_wait3A_391 = tpu.memref_slice %arg19[%dma_wait3A_389, %dma_wait3A_390] : memref<10240x128xf32, #tpu.memory_space<vmem_shared>> -> memref<10240x128xf32, #tpu.memory_space<vmem_shared>>
    tpu.wait_indirect_dma semaphore(%arg25 : memref<!tpu.dma_semaphore, #tpu.memory_space<semaphore_mem>>) src(%arg15 : memref<80x128xf32, #tpu.memory_space<vmem>>) dst(%dma_wait3A_391 : memref<10240x128xf32, #tpu.memory_space<vmem_shared>>)
    %dma_wait3A_392 = arith.constant 0 : i32
    %dma_wait3A_393 = arith.constant 0 : i32
    %dma_wait3A_394 = tpu.memref_slice %arg2[%dma_wait3A_392, %dma_wait3A_393] : memref<10000x128xf32, #tpu.memory_space<hbm>> -> memref<10000x128xf32, #tpu.memory_space<hbm>>
    tpu.wait_indirect_dma semaphore(%arg23 : memref<!tpu.dma_semaphore, #tpu.memory_space<semaphore_mem>>) src(%dma_wait3A_394 : memref<10000x128xf32, #tpu.memory_space<hbm>>) dst(%arg17 : memref<80x128xf32, #tpu.memory_space<vmem>>)
    %dma_start3A_395 = arith.constant 0 : i32
    %dma_start3A_396 = arith.constant 0 : i32
    %dma_start3A_397 = tpu.memref_slice %arg19[%dma_start3A_395, %dma_start3A_396] : memref<10240x128xf32, #tpu.memory_space<vmem_shared>> -> memref<10240x128xf32, #tpu.memory_space<vmem_shared>>
    tpu.enqueue_indirect_dma source(%arg17 : memref<80x128xf32, #tpu.memory_space<vmem>>) target(%dma_start3A_397 : memref<10240x128xf32, #tpu.memory_space<vmem_shared>>) offsets(%arg13 : memref<80xi32, #tpu.memory_space<vmem>>) semaphore(%arg27 : memref<!tpu.dma_semaphore, #tpu.memory_space<semaphore_mem>>) {add = true}
    %dma_wait3A_398 = arith.constant 0 : i32
    %dma_wait3A_399 = arith.constant 0 : i32
    %dma_wait3A_400 = tpu.memref_slice %arg19[%dma_wait3A_398, %dma_wait3A_399] : memref<10240x128xf32, #tpu.memory_space<vmem_shared>> -> memref<10240x128xf32, #tpu.memory_space<vmem_shared>>
    tpu.wait_indirect_dma semaphore(%arg26 : memref<!tpu.dma_semaphore, #tpu.memory_space<semaphore_mem>>) src(%arg16 : memref<80x128xf32, #tpu.memory_space<vmem>>) dst(%dma_wait3A_400 : memref<10240x128xf32, #tpu.memory_space<vmem_shared>>)
    %dma_wait3A_401 = arith.constant 0 : i32
    %dma_wait3A_402 = arith.constant 0 : i32
    %dma_wait3A_403 = tpu.memref_slice %arg2[%dma_wait3A_401, %dma_wait3A_402] : memref<10000x128xf32, #tpu.memory_space<hbm>> -> memref<10000x128xf32, #tpu.memory_space<hbm>>
    tpu.wait_indirect_dma semaphore(%arg20 : memref<!tpu.dma_semaphore, #tpu.memory_space<semaphore_mem>>) src(%dma_wait3A_403 : memref<10000x128xf32, #tpu.memory_space<hbm>>) dst(%arg14 : memref<80x128xf32, #tpu.memory_space<vmem>>)
    %dma_start3A_404 = arith.constant 0 : i32
    %dma_start3A_405 = arith.constant 0 : i32
    %dma_start3A_406 = tpu.memref_slice %arg19[%dma_start3A_404, %dma_start3A_405] : memref<10240x128xf32, #tpu.memory_space<vmem_shared>> -> memref<10240x128xf32, #tpu.memory_space<vmem_shared>>
    tpu.enqueue_indirect_dma source(%arg14 : memref<80x128xf32, #tpu.memory_space<vmem>>) target(%dma_start3A_406 : memref<10240x128xf32, #tpu.memory_space<vmem_shared>>) offsets(%arg10 : memref<80xi32, #tpu.memory_space<vmem>>) semaphore(%arg24 : memref<!tpu.dma_semaphore, #tpu.memory_space<semaphore_mem>>) {add = true}
    %dma_wait3A_407 = arith.constant 0 : i32
    %dma_wait3A_408 = arith.constant 0 : i32
    %dma_wait3A_409 = tpu.memref_slice %arg19[%dma_wait3A_407, %dma_wait3A_408] : memref<10240x128xf32, #tpu.memory_space<vmem_shared>> -> memref<10240x128xf32, #tpu.memory_space<vmem_shared>>
    tpu.wait_indirect_dma semaphore(%arg27 : memref<!tpu.dma_semaphore, #tpu.memory_space<semaphore_mem>>) src(%arg17 : memref<80x128xf32, #tpu.memory_space<vmem>>) dst(%dma_wait3A_409 : memref<10240x128xf32, #tpu.memory_space<vmem_shared>>)
    %dma_wait3A_410 = arith.constant 0 : i32
    %dma_wait3A_411 = arith.constant 0 : i32
    %dma_wait3A_412 = tpu.memref_slice %arg19[%dma_wait3A_410, %dma_wait3A_411] : memref<10240x128xf32, #tpu.memory_space<vmem_shared>> -> memref<10240x128xf32, #tpu.memory_space<vmem_shared>>
    tpu.wait_indirect_dma semaphore(%arg24 : memref<!tpu.dma_semaphore, #tpu.memory_space<semaphore_mem>>) src(%arg14 : memref<80x128xf32, #tpu.memory_space<vmem>>) dst(%dma_wait3A_412 : memref<10240x128xf32, #tpu.memory_space<vmem_shared>>)
    %barrier3A_413 = arith.constant 0 : index
    tpu.barrier barrier_id(%barrier3A_413)
    %mul3A_414 = arith.constant 640 : i32
    %mul3A_415 = arith.muli %arg1, %mul3A_414 : i32
    %mul3A_416 = arith.constant 640 : i32
    %mul3A_417 = arith.muli %arg1, %mul3A_416 : i32
    "tpu.region"() ({
      %run_scoped3A = tpu.sem_alloc : memref<!tpu.dma_semaphore, #tpu.memory_space<semaphore_mem>>
      %dma_start3A_418 = arith.constant 0 : i32
      %dma_start3A_419 = tpu.memref_slice %arg5[%arg0, %mul3A_417, %dma_start3A_418] : memref<2x10240x128xf32, #tpu.memory_space<hbm>> -> memref<1x640x128xf32, #tpu.memory_space<hbm>>
      %dma_start3A_420 = tpu.memref_squeeze %dma_start3A_419 : memref<1x640x128xf32, #tpu.memory_space<hbm>> -> memref<640x128xf32, #tpu.memory_space<hbm>>
      %dma_start3A_421 = arith.constant 0 : i32
      %dma_start3A_422 = tpu.memref_slice %arg19[%mul3A_415, %dma_start3A_421] : memref<10240x128xf32, #tpu.memory_space<vmem_shared>> -> memref<640x128xf32, #tpu.memory_space<vmem_shared>>
      tpu.enqueue_dma source(%dma_start3A_422 : memref<640x128xf32, #tpu.memory_space<vmem_shared>>) target(%dma_start3A_420 : memref<640x128xf32, #tpu.memory_space<hbm>>) target_semaphore(%run_scoped3A : memref<!tpu.dma_semaphore, #tpu.memory_space<semaphore_mem>>)
      %dma_wait3A_423 = arith.constant 0 : i32
      %dma_wait3A_424 = tpu.memref_slice %arg5[%arg0, %mul3A_417, %dma_wait3A_423] : memref<2x10240x128xf32, #tpu.memory_space<hbm>> -> memref<1x640x128xf32, #tpu.memory_space<hbm>>
      %dma_wait3A_425 = tpu.memref_squeeze %dma_wait3A_424 : memref<1x640x128xf32, #tpu.memory_space<hbm>> -> memref<640x128xf32, #tpu.memory_space<hbm>>
      %dma_wait3A_426 = arith.constant 0 : i32
      %dma_wait3A_427 = tpu.memref_slice %arg19[%mul3A_415, %dma_wait3A_426] : memref<10240x128xf32, #tpu.memory_space<vmem_shared>> -> memref<640x128xf32, #tpu.memory_space<vmem_shared>>
      tpu.wait_dma2 semaphore(%run_scoped3A : memref<!tpu.dma_semaphore, #tpu.memory_space<semaphore_mem>>) src(%dma_wait3A_427 : memref<640x128xf32, #tpu.memory_space<vmem_shared>>) dst(%dma_wait3A_425 : memref<640x128xf32, #tpu.memory_space<hbm>>)
      tpu.yield
    }) : () -> ()
    return
  }
}

module attributes {stable_mosaic.version = 14 : i64} {
  func.func @_mid_body(%arg0: i32, %arg1: memref<2x10000x128xf32, #tpu.memory_space<vmem>>, %arg2: memref<10000x128xf32, #tpu.memory_space<vmem>>, %arg3: memref<10000x1xf32, #tpu.memory_space<vmem>>, %arg4: memref<128x128xf32, #tpu.memory_space<vmem>>, %arg5: memref<10000x128xf32, #tpu.memory_space<vmem>>) attributes {dimension_semantics = [#tpu.dimension_semantics<arbitrary>], iteration_bounds = array<i64: 1>, scalar_prefetch = 0 : i64, scratch_operands = 0 : i64, tpu.core_type = #tpu.core_type<tc>, window_params = [{transform_indices = @transform_0, window_bounds = array<i64: 2, 10000, 128>}, {transform_indices = @transform_1, window_bounds = array<i64: 10000, 128>}, {transform_indices = @transform_2, window_bounds = array<i64: 10000, 1>}, {pipeline_mode = #tpu.pipeline_mode<synchronous>, transform_indices = @transform_3, window_bounds = array<i64: 128, 128>}, {transform_indices = @transform_4, window_bounds = array<i64: 10000, 128>}]} {
    %get3A = arith.constant 0 : index
    %get3A_0 = arith.constant 0 : index
    %get3A_1 = vector.load %arg3[%get3A, %get3A_0] : memref<10000x1xf32, #tpu.memory_space<vmem>>, vector<10000x1xf32>
    %get3A_2 = arith.constant 0 : index
    %get3A_3 = arith.constant 0 : index
    %get3A_4 = arith.constant 0 : index
    %get3A_5 = vector.load %arg1[%get3A_2, %get3A_3, %get3A_4] : memref<2x10000x128xf32, #tpu.memory_space<vmem>>, vector<1x10000x128xf32>
    %get3A_6 = vector.shape_cast %get3A_5 : vector<1x10000x128xf32> to vector<10000x128xf32>
    %get3A_7 = arith.constant 1 : index
    %get3A_8 = arith.constant 0 : index
    %get3A_9 = arith.constant 0 : index
    %get3A_10 = vector.load %arg1[%get3A_7, %get3A_8, %get3A_9] : memref<2x10000x128xf32, #tpu.memory_space<vmem>>, vector<1x10000x128xf32>
    %get3A_11 = vector.shape_cast %get3A_10 : vector<1x10000x128xf32> to vector<10000x128xf32>
    %add3A = arith.addf %get3A_6, %get3A_11 : vector<10000x128xf32>
    %get3A_12 = arith.constant 0 : index
    %get3A_13 = arith.constant 0 : index
    %get3A_14 = vector.load %arg2[%get3A_12, %get3A_13] : memref<10000x128xf32, #tpu.memory_space<vmem>>, vector<10000x128xf32>
    %add3A_15 = arith.addf %add3A, %get3A_14 : vector<10000x128xf32>
    %mul3A = vector.broadcast %get3A_1 : vector<10000x1xf32> to vector<10000x128xf32>
    %mul3A_16 = arith.mulf %mul3A, %add3A_15 : vector<10000x128xf32>
    %max3A = arith.constant 0.000000e+00 : f32
    %max3A_17 = vector.broadcast %max3A : f32 to vector<10000x128xf32>
    %max3A_18 = arith.maximumf %mul3A_16, %max3A_17 : vector<10000x128xf32>
    %get3A_19 = arith.constant 0 : index
    %get3A_20 = arith.constant 0 : index
    %get3A_21 = vector.load %arg4[%get3A_19, %get3A_20] : memref<128x128xf32, #tpu.memory_space<vmem>>, vector<128x128xf32>
    %dot_general3A = arith.constant dense<0.000000e+00> : vector<10000x128xf32>
    %dot_general3A_22 = tpu.matmul %max3A_18, %get3A_21, %dot_general3A {dimension_numbers = #tpu.dot_dimension_numbers<[1], [0], [0], [1], [0, 0, 1, 1], [], []>, transpose_lhs_hint = false} : vector<10000x128xf32>, vector<128x128xf32>, vector<10000x128xf32> -> vector<10000x128xf32>
    %mul3A_23 = vector.broadcast %get3A_1 : vector<10000x1xf32> to vector<10000x128xf32>
    %mul3A_24 = arith.mulf %mul3A_23, %dot_general3A_22 : vector<10000x128xf32>
    %swap3A = arith.constant 0 : index
    %swap3A_25 = arith.constant 0 : index
    %swap3A_26 = vector.load %arg5[%swap3A, %swap3A_25] : memref<10000x128xf32, #tpu.memory_space<vmem>>, vector<10000x128xf32>
    tpu.vector_store %arg5[%swap3A, %swap3A_25], %mul3A_24 {strides = array<i32>} : memref<10000x128xf32, #tpu.memory_space<vmem>>, vector<10000x128xf32>,
    return
  }
  func.func @transform_0(%arg0: i32) -> (i32, i32, i32) {
    %c0_i32 = arith.constant 0 : i32
    %c0_i32_0 = arith.constant 0 : i32
    %c0_i32_1 = arith.constant 0 : i32
    return %c0_i32, %arg0, %c0_i32_0 : i32, i32, i32
  }
  func.func @transform_1(%arg0: i32) -> (i32, i32) {
    %c0_i32 = arith.constant 0 : i32
    %c0_i32_0 = arith.constant 0 : i32
    return %arg0, %c0_i32 : i32, i32
  }
  func.func @transform_2(%arg0: i32) -> (i32, i32) {
    %c0_i32 = arith.constant 0 : i32
    %c0_i32_0 = arith.constant 0 : i32
    return %arg0, %c0_i32 : i32, i32
  }
  func.func @transform_3(%arg0: i32) -> (i32, i32) {
    %c0_i32 = arith.constant 0 : i32
    %c0_i32_0 = arith.constant 0 : i32
    %c0_i32_1 = arith.constant 0 : i32
    return %c0_i32, %c0_i32_0 : i32, i32
  }
  func.func @transform_4(%arg0: i32) -> (i32, i32) {
    %c0_i32 = arith.constant 0 : i32
    %c0_i32_0 = arith.constant 0 : i32
    return %arg0, %c0_i32 : i32, i32
  }
}

module attributes {stable_mosaic.version = 14 : i64} {
  func.func @_scale_body(%arg0: i32, %arg1: memref<32x10240xf32, #tpu.memory_space<vmem>>, %arg2: memref<10000x128xf32, #tpu.memory_space<vmem>>, %arg3: memref<128x128xf32, #tpu.memory_space<vmem>>, %arg4: memref<10000x1xf32, #tpu.memory_space<vmem>>, %arg5: memref<10000x128xf32, #tpu.memory_space<vmem>>) attributes {dimension_semantics = [#tpu.dimension_semantics<arbitrary>], iteration_bounds = array<i64: 1>, scalar_prefetch = 0 : i64, scratch_operands = 0 : i64, tpu.core_type = #tpu.core_type<tc>, window_params = [{pipeline_mode = #tpu.pipeline_mode<synchronous>, transform_indices = @transform_0, window_bounds = array<i64: 32, 10240>}, {transform_indices = @transform_1, window_bounds = array<i64: 10000, 128>}, {pipeline_mode = #tpu.pipeline_mode<synchronous>, transform_indices = @transform_2, window_bounds = array<i64: 128, 128>}, {transform_indices = @transform_3, window_bounds = array<i64: 10000, 1>}, {transform_indices = @transform_4, window_bounds = array<i64: 10000, 128>}]} {
    %broadcast_in_dim3A = arith.constant 1.000000e+00 : f32
    %broadcast_in_dim3A_0 = vector.broadcast %broadcast_in_dim3A : f32 to vector<32x1xf32>
    %get3A = arith.constant 0 : index
    %get3A_1 = arith.constant 0 : index
    %get3A_2 = vector.load %arg1[%get3A, %get3A_1] : memref<32x10240xf32, #tpu.memory_space<vmem>>, vector<32x10240xf32>
    %dot_general3A = arith.constant dense<0.000000e+00> : vector<10240x1xf32>
    %dot_general3A_3 = tpu.matmul %get3A_2, %broadcast_in_dim3A_0, %dot_general3A {dimension_numbers = #tpu.dot_dimension_numbers<[0], [0], [1], [1], [0, 1, 1, 1], [], []>, precision = #tpu.contract_precision<fp32>, transpose_lhs_hint = false} : vector<32x10240xf32>, vector<32x1xf32>, vector<10240x1xf32> -> vector<10240x1xf32>
    %add3A = arith.constant 1.000000e+00 : f32
    %add3A_4 = vector.broadcast %add3A : f32 to vector<10240x1xf32>
    %add3A_5 = arith.addf %dot_general3A_3, %add3A_4 : vector<10240x1xf32>
    %rsqrt3A = math.rsqrt %add3A_5 : vector<10240x1xf32>
    %slice3A = vector.extract_strided_slice %rsqrt3A {offsets = [0, 0], sizes = [10000, 1], strides = [1, 1]} : vector<10240x1xf32> to vector<10000x1xf32>
    %swap3A = arith.constant 0 : index
    %swap3A_6 = arith.constant 0 : index
    %swap3A_7 = vector.load %arg4[%swap3A, %swap3A_6] : memref<10000x1xf32, #tpu.memory_space<vmem>>, vector<10000x1xf32>
    tpu.vector_store %arg4[%swap3A, %swap3A_6], %slice3A {strides = array<i32>} : memref<10000x1xf32, #tpu.memory_space<vmem>>, vector<10000x1xf32>,
    %get3A_8 = arith.constant 0 : index
    %get3A_9 = arith.constant 0 : index
    %get3A_10 = vector.load %arg2[%get3A_8, %get3A_9] : memref<10000x128xf32, #tpu.memory_space<vmem>>, vector<10000x128xf32>
    %get3A_11 = arith.constant 0 : index
    %get3A_12 = arith.constant 0 : index
    %get3A_13 = vector.load %arg3[%get3A_11, %get3A_12] : memref<128x128xf32, #tpu.memory_space<vmem>>, vector<128x128xf32>
    %dot_general3A_14 = arith.constant dense<0.000000e+00> : vector<10000x128xf32>
    %dot_general3A_15 = tpu.matmul %get3A_10, %get3A_13, %dot_general3A_14 {dimension_numbers = #tpu.dot_dimension_numbers<[1], [0], [0], [1], [0, 0, 1, 1], [], []>, transpose_lhs_hint = false} : vector<10000x128xf32>, vector<128x128xf32>, vector<10000x128xf32> -> vector<10000x128xf32>
    %mul3A = vector.broadcast %slice3A : vector<10000x1xf32> to vector<10000x128xf32>
    %mul3A_16 = arith.mulf %mul3A, %dot_general3A_15 : vector<10000x128xf32>
    %swap3A_17 = arith.constant 0 : index
    %swap3A_18 = arith.constant 0 : index
    %swap3A_19 = vector.load %arg5[%swap3A_17, %swap3A_18] : memref<10000x128xf32, #tpu.memory_space<vmem>>, vector<10000x128xf32>
    tpu.vector_store %arg5[%swap3A_17, %swap3A_18], %mul3A_16 {strides = array<i32>} : memref<10000x128xf32, #tpu.memory_space<vmem>>, vector<10000x128xf32>,
    return
  }
  func.func @transform_0(%arg0: i32) -> (i32, i32) {
    %c0_i32 = arith.constant 0 : i32
    %c0_i32_0 = arith.constant 0 : i32
    %c0_i32_1 = arith.constant 0 : i32
    return %c0_i32, %c0_i32_0 : i32, i32
  }
  func.func @transform_1(%arg0: i32) -> (i32, i32) {
    %c0_i32 = arith.constant 0 : i32
    %c0_i32_0 = arith.constant 0 : i32
    return %arg0, %c0_i32 : i32, i32
  }
  func.func @transform_2(%arg0: i32) -> (i32, i32) {
    %c0_i32 = arith.constant 0 : i32
    %c0_i32_0 = arith.constant 0 : i32
    %c0_i32_1 = arith.constant 0 : i32
    return %c0_i32, %c0_i32_0 : i32, i32
  }
  func.func @transform_3(%arg0: i32) -> (i32, i32) {
    %c0_i32 = arith.constant 0 : i32
    %c0_i32_0 = arith.constant 0 : i32
    return %arg0, %c0_i32 : i32, i32
  }
  func.func @transform_4(%arg0: i32) -> (i32, i32) {
    %c0_i32 = arith.constant 0 : i32
    %c0_i32_0 = arith.constant 0 : i32
    return %arg0, %c0_i32 : i32, i32
  }
}

module attributes {stable_mosaic.version = 14 : i64} {
  func.func @_final_body(%arg0: i32, %arg1: memref<2x10000x128xf32, #tpu.memory_space<vmem>>, %arg2: memref<10000x128xf32, #tpu.memory_space<vmem>>, %arg3: memref<10000x1xf32, #tpu.memory_space<vmem>>, %arg4: memref<10000x128xf32, #tpu.memory_space<vmem>>) attributes {dimension_semantics = [#tpu.dimension_semantics<arbitrary>], iteration_bounds = array<i64: 1>, scalar_prefetch = 0 : i64, scratch_operands = 0 : i64, tpu.core_type = #tpu.core_type<tc>, window_params = [{transform_indices = @transform_0, window_bounds = array<i64: 2, 10000, 128>}, {transform_indices = @transform_1, window_bounds = array<i64: 10000, 128>}, {transform_indices = @transform_2, window_bounds = array<i64: 10000, 1>}, {transform_indices = @transform_3, window_bounds = array<i64: 10000, 128>}]} {
    %get3A = arith.constant 0 : index
    %get3A_0 = arith.constant 0 : index
    %get3A_1 = vector.load %arg3[%get3A, %get3A_0] : memref<10000x1xf32, #tpu.memory_space<vmem>>, vector<10000x1xf32>
    %get3A_2 = arith.constant 0 : index
    %get3A_3 = arith.constant 0 : index
    %get3A_4 = arith.constant 0 : index
    %get3A_5 = vector.load %arg1[%get3A_2, %get3A_3, %get3A_4] : memref<2x10000x128xf32, #tpu.memory_space<vmem>>, vector<1x10000x128xf32>
    %get3A_6 = vector.shape_cast %get3A_5 : vector<1x10000x128xf32> to vector<10000x128xf32>
    %get3A_7 = arith.constant 1 : index
    %get3A_8 = arith.constant 0 : index
    %get3A_9 = arith.constant 0 : index
    %get3A_10 = vector.load %arg1[%get3A_7, %get3A_8, %get3A_9] : memref<2x10000x128xf32, #tpu.memory_space<vmem>>, vector<1x10000x128xf32>
    %get3A_11 = vector.shape_cast %get3A_10 : vector<1x10000x128xf32> to vector<10000x128xf32>
    %add3A = arith.addf %get3A_6, %get3A_11 : vector<10000x128xf32>
    %get3A_12 = arith.constant 0 : index
    %get3A_13 = arith.constant 0 : index
    %get3A_14 = vector.load %arg2[%get3A_12, %get3A_13] : memref<10000x128xf32, #tpu.memory_space<vmem>>, vector<10000x128xf32>
    %add3A_15 = arith.addf %add3A, %get3A_14 : vector<10000x128xf32>
    %mul3A = vector.broadcast %get3A_1 : vector<10000x1xf32> to vector<10000x128xf32>
    %mul3A_16 = arith.mulf %mul3A, %add3A_15 : vector<10000x128xf32>
    %swap3A = arith.constant 0 : index
    %swap3A_17 = arith.constant 0 : index
    %swap3A_18 = vector.load %arg4[%swap3A, %swap3A_17] : memref<10000x128xf32, #tpu.memory_space<vmem>>, vector<10000x128xf32>
    tpu.vector_store %arg4[%swap3A, %swap3A_17], %mul3A_16 {strides = array<i32>} : memref<10000x128xf32, #tpu.memory_space<vmem>>, vector<10000x128xf32>,
    return
  }
  func.func @transform_0(%arg0: i32) -> (i32, i32, i32) {
    %c0_i32 = arith.constant 0 : i32
    %c0_i32_0 = arith.constant 0 : i32
    %c0_i32_1 = arith.constant 0 : i32
    return %c0_i32, %arg0, %c0_i32_0 : i32, i32, i32
  }
  func.func @transform_1(%arg0: i32) -> (i32, i32) {
    %c0_i32 = arith.constant 0 : i32
    %c0_i32_0 = arith.constant 0 : i32
    return %arg0, %c0_i32 : i32, i32
  }
  func.func @transform_2(%arg0: i32) -> (i32, i32) {
    %c0_i32 = arith.constant 0 : i32
    %c0_i32_0 = arith.constant 0 : i32
    return %arg0, %c0_i32 : i32, i32
  }
  func.func @transform_3(%arg0: i32) -> (i32, i32) {
    %c0_i32 = arith.constant 0 : i32
    %c0_i32_0 = arith.constant 0 : i32
    return %arg0, %c0_i32 : i32, i32
  }
}

</mosaic_0001>

<sc_bundles>
// kernel: kernel.11.cloned.1.call-start
scs
__scs_entry_jumppad:
0x0: {  	(pc) =	sbr.rel $0x88, $3  }
0x1: {  	(tag) =	ssettag $0x0;
	lr =	simm.s32 $0x1  }
0x2: {  	[smem:$0x3F9D] =	sst lr;
	_ =	strace $0xD0000000  }
0x3: {  	_ = 	snop  }
0x4: {  	_ = 	snop  }
0x5: {  	_ = 	snop  }
0x6: {  	_ = 	snop  }
0x7: {  	_ = 	snop  }
__scs_overlays_trampoline_lowered:
0x8: {  	[smem:$0x3FAC] =	sst s0  }
0x9: {  	[smem:$0x3FAD] =	sst s1  }
0xa: {  	[smem:$0x3FAE] =	sst s2  }
0xb: {  	[smem:$0x3FAF] =	sst s3  }
0xc: {  	[smem:$0x3FB0] =	sst s4  }
0xd: {  	[smem:$0x3FB1] =	sst s5  }
0xe: {  	[smem:$0x3FB2] =	sst s6  }
0xf: {  	[smem:$0x3FB3] =	sst s7  }
0x10: {  	[smem:$0x3FB4] =	sst s8  }
0x11: {  	[smem:$0x3FB5] =	sst s9;
	s0 =	simm.s32 @!p0 $0x0  }
0x12: {  	s1 =	sld [smem:$0x3F9B];
	s0 =	simm.s32 @p0 $0x1  }
0x13: {  	[smem:$0x3FB6] =	sst s0;
	s0 =	simm.s32 @!p1 $0x0  }
0x14: {  	s2 =	sld [smem:$0x3F9A];
	s0 =	simm.s32 @p1 $0x1  }
0x15: {  	[smem:$0x3FB7] =	sst s0;
	s0 =	simm.s32 @!p2 $0x0  }
0x16: {  	s3 =	sld [smem:$0x3FDB];
	s0 =	simm.s32 @p2 $0x1  }
0x17: {  	s4 =	simm.s32 $0x1BF5;
	[smem:$0x3FB9] =	sst s0  }
0x18: {  	s0 =	sld [smem:$0x3F9C];
	_ =	swait.ge [sflag:s4], $0x0  }
0x19: {  	s7 =	sld [smem:$0x3F9D]  }
0x1a: {  	s8 =	sadd.s32 $0xFFFFE003, lr  }
0x1b: {  	s9 =	sadd.s32 $0xFFFFFEF7, lr;
	s5 =	simm.s32 $0xFFFFFFFF;
	p2 =	slt.u32 s8, $0xFFFFF086  }
0x1c: {  	p1 =	slt.u32 s9, $0xF7A;
	s5 =	simm.s32 @!p2 $0x0  }
0x1d: {  	s5 =	simm.s32 @p1 $0x1;
	p0 =	seq.s32 s7, s2  }
0x1e: {  	s7 =	smul.u32 @!p0 $0xF7A, s2;
	p2 =	seq.s32 @!p0 s5, $0x0  }
0x1f: {  	s9 =	smul.u32 $0xF7A, s1;
	s8 =	simm.s32 @!p0 $0x1BF5;
	p2 =	por !p2, p0  }
0x20: {  	[sflag:s8] =	ssyncset.s32 @!p0 $0xFFFFF086;
	s6 =	sadd.s32 @!p0 s3, s7;
	s7 =	simm.s32 @!p0 $0x108  }
0x21: {  	s3 =	sadd.s32 s3, s9;
	s6 =	sadd.s32 @!p0 $0x88, s6;
	s7 =	simm.s32 @p2 $0x1082  }
0x22: {  	[simem:s7], [sflag:s8] =	dma.local @!p0 [hbm:s6], $0xF7A  }
0x23: {  	s9 =	sor.u32 $0xD0000000, s2;
	s6 =	simm.s32 $0x108;
	_ =	swait.ge @!p0 [sflag:s8], $0x0  }
0x24: {  	s3 =	sadd.s32 $0x88, s3;
	s6 =	simm.s32 @!p1 $0x1082;
	[sflag:s4] =	ssyncset.s32 $0xFFFFF086  }
0x25: {  	[simem:s6], [sflag:s4] =	dma.local [hbm:s3], $0xF7A  }
0x26: {  	[smem:$0x3F9D] =	sst s1;
	(tag) =	ssettag s2;
	_ =	strace s9  }
0x27: {  	s1 =	sld [smem:$0x3FAD]  }
0x28: {  	s2 =	sld [smem:$0x3FAE]  }
0x29: {  	s4 =	sld [smem:$0x3FB0]  }
0x2a: {  	p0 =	seq.s32 s5, $0x0;
	s5 =	sld [smem:$0x3FB1]  }
0x2b: {  	s6 =	sld [smem:$0x3FB2]  }
0x2c: {  	s7 =	sld [smem:$0x3FB3]  }
0x2d: {  	s3 =	simm.s32 $0x108;
	s8 =	sld [smem:$0x3FB4]  }
0x2e: {  	s3 =	simm.s32 @!p0 $0x1082;
	s9 =	sld [smem:$0x3FB5]  }
0x2f: {  	lr =	sadd.s32 s0, s3;
	s0 =	sld [smem:$0x3FAC]  }
0x30: {  	s3 =	sld [smem:$0x3FAF]  }
0x31: {  	[smem:$0x3FB8] =	sst s10  }
0x32: {  	s10 =	sld [smem:$0x3FB6];
	_ =	sdelay $0x3  }
0x33: {  	p0 =	seq.s32 s10, $0x1;
	s10 =	sld [smem:$0x3FB8];
	_ =	sdelay $0x3  }
0x34: {  	[smem:$0x3FB8] =	sst s10  }
0x35: {  	s10 =	sld [smem:$0x3FB7];
	_ =	sdelay $0x3  }
0x36: {  	p1 =	seq.s32 s10, $0x1;
	s10 =	sld [smem:$0x3FB8];
	_ =	sdelay $0x3  }
0x37: {  	[smem:$0x3FB8] =	sst s10  }
0x38: {  	s10 =	sld [smem:$0x3FB9]  }
0x39: {  	_ = 	snop;
	(pc) =	sbr.ind lr, $3  }
0x3a: {  	_ = 	snop  }
0x3b: {  	_ = 	snop  }
0x3c: {  	p2 =	seq.s32 s10, $0x1;
	s10 =	sld [smem:$0x3FB8]  }
0x3d: {  	_ =	shalt  }
0x3e: {  	_ =	shalt  }
0x3f: {  	_ =	shalt  }
0x40: {  	_ =	shalt  }
0x41: {  	_ =	shalt  }
0x42: {  	_ =	shalt  }
0x43: {  	_ =	shalt  }
0x44: {  	_ =	shalt  }
0x45: {  	_ =	shalt  }
0x46: {  	_ =	shalt  }
0x47: {  	_ =	shalt  }
0x48: {  	_ =	shalt  }
0x49: {  	_ =	shalt  }
0x4a: {  	_ =	shalt  }
0x4b: {  	_ =	shalt  }
0x4c: {  	_ =	shalt  }
0x4d: {  	_ =	shalt  }
0x4e: {  	_ =	shalt  }
0x4f: {  	_ =	shalt  }
0x50: {  	_ =	shalt  }
0x51: {  	_ =	shalt  }
0x52: {  	_ =	shalt  }
0x53: {  	_ =	shalt  }
0x54: {  	_ =	shalt  }
0x55: {  	_ =	shalt  }
0x56: {  	_ =	shalt  }
0x57: {  	_ =	shalt  }
0x58: {  	_ =	shalt  }
0x59: {  	_ =	shalt  }
0x5a: {  	_ =	shalt  }
0x5b: {  	_ =	shalt  }
0x5c: {  	_ =	shalt  }
0x5d: {  	_ =	shalt  }
0x5e: {  	_ =	shalt  }
0x5f: {  	_ =	shalt  }
0x60: {  	_ =	shalt  }
0x61: {  	_ =	shalt  }
0x62: {  	_ =	shalt  }
0x63: {  	_ =	shalt  }
0x64: {  	_ =	shalt  }
0x65: {  	_ =	shalt  }
0x66: {  	_ =	shalt  }
0x67: {  	_ =	shalt  }
0x68: {  	_ =	shalt  }
0x69: {  	_ =	shalt  }
0x6a: {  	_ =	shalt  }
0x6b: {  	_ =	shalt  }
0x6c: {  	_ =	shalt  }
0x6d: {  	_ =	shalt  }
0x6e: {  	_ =	shalt  }
0x6f: {  	_ =	shalt  }
0x70: {  	_ =	shalt  }
0x71: {  	_ =	shalt  }
0x72: {  	_ =	shalt  }
0x73: {  	_ =	shalt  }
0x74: {  	_ =	shalt  }
0x75: {  	_ =	shalt  }
0x76: {  	_ =	shalt  }
0x77: {  	_ =	shalt  }
0x78: {  	_ =	shalt  }
0x79: {  	_ =	shalt  }
0x7a: {  	_ =	shalt  }
0x7b: {  	_ =	shalt  }
0x7c: {  	_ =	shalt  }
0x7d: {  	_ =	shalt  }
0x7e: {  	_ =	shalt  }
0x7f: {  	_ =	shalt  }
0x80: {  	_ =	shalt  }
0x81: {  	_ =	shalt  }
0x82: {  	_ =	shalt  }
0x83: {  	_ =	shalt  }
0x84: {  	_ =	shalt  }
0x85: {  	_ =	shalt  }
0x86: {  	_ =	shalt  }
0x87: {  	_ =	shalt  }
.Lfunc_end0:
.L_simem_size_0:
called_computation.1_lowered:
.L_overlay_start_0:
0x88: {  	s2 =	sld [smem:$0x3FD9]  }
0x89: {  	s3 =	sld [smem:$0x3FFE];
	_ =	sdelay $0x1  }
0x8a: {  	s1 =	srdreg.scid  }
0x8b: {  	s0 =	sand.u32 $0x1, s1  }
0x8c: {  	s17 =	sshll.u32 s0, $0xA;
	s2 =	sadd.s32 s3, s2  }
0x8d: {  	s2 =	sadd.s32 s2, s17  }
0x8e: {  	[smem:$0x3FC4] =	sst s2  }
0x8f: {  	_ = 	snop  }
0x90: {  	s2 =	sld [smem:$0x3FD0];
	(tm) =	ssettm $0x1  }
0x91: {  	s18 =	sld [smem:$0x3FFB];
	_ =	sdelay $0x3  }
0x92: {  	_ =	strace s18  }
0x93: {  	s3 =	sld [smem:$0x3FFC];
	_ =	sdelay $0x3  }
0x94: {  	_ =	strace s3  }
0x95: {  	s3 =	sld [smem:$0x3FFD];
	_ =	sdelay $0x3  }
0x96: {  	_ =	strace s3  }
0x97: {  	_ =	strace $0x8FFFFFFF  }
0x98: {  	s19 =	sld [smem:$0x3FDB];
	_ =	sdelay $0x1  }
0x99: {  	s4 =	simm.s32 $_scs_section_size  }
0x9a: {  	s5 =	simm.s32 $_size__tile_overlayer_lowered;
	s6 =	simm.s32 $_tile_overlayer_lowered  }
0x9b: {  	s22 =	simm.s32 $0x1BFF;
	s21 =	sshll.u32 s6, $0x1;
	s3 =	sadd.s32 s4, s19  }
0x9c: {  	s7 =	simm.s32 $0x0;
	s20 =	sshll.u32 s5, $0x1;
	s5 =	sadd.s32 s21, s3  }
0x9d: {  	[timem:s7], [sflag:s22] =	dma.local [hbm:s5], s20  }
0x9e: {  	_ =	swait.ge [sflag:s22], s20  }
0x9f: {  	s4 =	ssub.s32 $0x0, s20;
	[sflag:s22] =	ssyncset.done $0x0  }
0xa0: {  	[sflag:s22] =	ssyncadd.s32 s4;
	_ =	sdelay $0x1  }
0xa1: {  	s23 =	simm.s32 $0x1B8B  }
0xa2: {  	_ =	swait.ge [sflag:s23], $0x1  }
0xa3: {  	[sflag:s23] =	ssyncset.done $0x0  }
0xa4: {  	s25 =	simm.s32 $0x1B8E;
	s24 =	sld [smem:$0x3FFE];
	[sflag:s23] =	ssyncadd.s32 $0xFFFFFFFF  }
0xa5: {  	s26 =	simm.s32 $execute0_lowered;
	[smem:$0x3FD2] =	sst s25  }
0xa6: {  	s5 =	sshll.u32 s26, $0x1;
	_ =	strace $0x80000049;
	[dreg:$0x1] =	wrdreg $0xFFFFFFFF  }
0xa7: {  	s28 =	simm.s32 $_size_execute0_lowered;
	s3 =	sadd.s32 s3, s5;
	[dreg:$0x0] =	wrdreg $0x0  }
0xa8: {  	s5 =	sshll.u32 s28, $0x1;
	[dreg:$0x2] =	wrdreg s3  }
0xa9: {  	[dreg:$0x3] =	wrdreg s5  }
0xaa: {  	[dreg:$0x4] =	wrdreg $0xC0  }
0xab: {  	_ =	task [dreg:s7], $0x5FFFF  }
0xac: {  	[dreg:$0x1] =	wrdreg $0xFFFFFFFF  }
0xad: {  	[dreg:$0x0] =	wrdreg $0x60  }
0xae: {  	[dreg:$0x2] =	wrdreg s2  }
0xaf: {  	[dreg:$0x3] =	wrdreg s24  }
0xb0: {  	[dreg:$0x4] =	wrdreg $0xB4000  }
0xb1: {  	[dreg:$0x5] =	wrdreg $0x9  }
0xb2: {  	_ =	task.clear_ibuf [dreg:s7], $0x6FFFF;
	_ =	strace $0x90000049  }
0xb3: {  	s29 =	simm.s32 $0x9;
	_ =	strace $0x8000004B  }
0xb4: {  	_ =	swait.ge [sflag:s29], $0x1  }
0xb5: {  	[sflag:s29] =	ssyncadd.s32 $0xFFFFFFFF  }
0xb6: {  	_ =	strace $0x9000004B  }
0xb7: {  	_ =	sfence  }
0xb8: {  	s30 =	sld [smem:$0x0];
	_ =	sdelay $0x2  }
0xb9: {  	s31 =	sshll.u32 s1, $0xD;
	s1 =	sshrl.u32 s1, $0x2  }
0xba: {  	s3 =	sand.u32 $0x4000, s31;
	s1 =	sadd.s32 s1, s30  }
0xbb: {  	s0 =	sor.u32 s3, s0;
	s1 =	sshll.u32 s1, $0x11  }
0xbc: {  	s0 =	sor.u32 s1, s0  }
0xbd: {  	s0 =	sadd.s32 $0x8F2B, s0  }
0xbe: {  	[sflag:s0] =	ssyncadd.remote.s32 $0x1  }
0xbf: {  	_ =	sfence.sel $0xFFFF  }
0xc0: {  	[dreg:$0x0] =	wrdreg $0xFFFFFFFF;
	(pc) =	sbr.abs _section_cstart, $3  }
0xc1: {  	[dreg:$0x1] =	wrdreg $0xFFFFFFFF  }
0xc2: {  	_ =	task.clear_ibuf [dreg:s7], $0x2FFFF;
	_ =	strace $0x9FFFFFFF  }
0xc3: {  	(tm) =	ssettm $0x7FFFFFFF  }
tec
execute0_lowered:
.L_overlay_start_1:
0x0: {  	(tag) =	ssettag $0x1  }
0x1: {  	s1 =	rddreg [dreg:$0x0]  }
0x2: {  	s0 =	rddreg [dreg:$0x1]  }
0x3: {  	s2 =	rddreg [dreg:$0x2]  }
0x4: {  	s3 =	srdreg.scid;
	s11 =	stileid.u32  }
0x5: {  	s4 =	simm.s32 $0x0;
	s3 =	sand.u32 $0x1, s3;
	s8 =	smul.u32 $0x14000, s11  }
0x6: {  	[smem:$0x7FF] =	sst s4;
	s5 =	sadd.s32 $0x2200, s0;
	s9 =	smul.u32 $0x50000, s11  }
0x7: {  	s6 =	sadd.s32 $0xC000, s0;
	s14 =	sshll.u32 s11, $0x1;
	s7 =	smul.u32 $0x140000, s3  }
0x8: {  	s16 =	smul.u32 $0x4E20, s11;
	_ =	strace $0x8000004A;
	s9 =	sshrl.u32 s9, $0x2  }
0x9: {  	s7 =	sadd.s32 s8, s7;
	s8 =	sor.u32 s3, s14;
	s14 =	sadd.s32 s9, s2  }
0xa: {  	s15 =	ssub.s32 $0x2, s3;
	s17 =	sadd.s32 $0x1000, s14;
	[dreg:$0xa] =	wrdreg s14  }
0xb: {  	s10 =	sshrl.u32 s15, $0x1;
	s18 =	sadd.s32 $0x2000, s14;
	[dreg:$0xb] =	wrdreg s17  }
0xc: {  	s3 =	smul.u32 $0x2710, s3;
	s19 =	sadd.s32 $0x3000, s14;
	[dreg:$0xc] =	wrdreg s18  }
0xd: {  	s7 =	sshrl.u32 s7, $0x3;
	s20 =	sadd.s32 $0x4000, s14;
	[dreg:$0xd] =	wrdreg s19  }
0xe: {  	s8 =	smul.u32 $0x2710, s8;
	s21 =	sadd.s32 $0x5000, s14;
	[dreg:$0xe] =	wrdreg s20  }
0xf: {  	s0 =	sadd.s32 s7, s0;
	s7 =	ssub.s32 s15, s10;
	[dreg:$0xf] =	wrdreg s21  }
0x10: {  	s3 =	sadd.s32 s3, s16;
	s8 =	sshrl.u32 s8, $0x3;
	s0 =	sadd.s32 $0x15E00, s0  }
0x11: {  	s12 =	sadd.s32 $0x190, s3;
	s11 =	sadd.s32 $0x140, s3;
	[dreg:$0x1a] =	wrdreg s0  }
0x12: {  	s18 =	sadd.s32 $0xF0, s3;
	s22 =	sadd.s32 s5, s8;
	[dreg:$0x1c] =	wrdreg s11  }
0x13: {  	s23 =	sadd.s32 s6, s8;
	s24 =	sadd.s32 $0xA, s8;
	[dreg:$0x10] =	wrdreg s22  }
0x14: {  	s16 =	sshrl.u32 s12, $0x3;
	s12 =	sadd.s32 $0x6000, s14;
	[dreg:$0x11] =	wrdreg s23  }
0x15: {  	s20 =	sshrl.u32 s18, $0x3;
	s18 =	sadd.s32 $0xB000, s14;
	[dreg:$0x1d] =	wrdreg s12  }
0x16: {  	s25 =	sadd.s32 $0x1E0, s3;
	s26 =	sadd.s32 s5, s24;
	[smem:$0x7F5] =	sst s18  }
0x17: {  	s10 =	sshrl.u32 s25, $0x3;
	s9 =	sadd.s32 s6, s24;
	[dreg:$0x12] =	wrdreg s26  }
0x18: {  	s15 =	sadd.s32 s10, s6;
	[dreg:$0x13] =	wrdreg s9  }
0x19: {  	s13 =	sadd.s32 $0x14, s8;
	s17 =	sadd.s32 s16, s6;
	[dreg:$0x4] =	wrdreg s15  }
0x1a: {  	s21 =	sadd.s32 s5, s13;
	[dreg:$0x6] =	wrdreg s17  }
0x1b: {  	s19 =	sadd.s32 s16, s5;
	[dreg:$0x14] =	wrdreg s21  }
0x1c: {  	s22 =	sadd.s32 s20, s6;
	[dreg:$0x7] =	wrdreg s19  }
0x1d: {  	s25 =	sadd.s32 s20, s5;
	[dreg:$0x8] =	wrdreg s22  }
0x1e: {  	s28 =	simm.s32 $0x9;
	s16 =	sadd.s32 $0x9000, s14;
	[dreg:$0x9] =	wrdreg s25  }
0x1f: {  	s29 =	simm.s32 $0x1;
	s20 =	sadd.s32 $0xD000, s14;
	[smem:$0x7F3] =	sst s16  }
0x20: {  	s30 =	simm.s32 $0x180;
	s9 =	sadd.s32 s10, s5;
	[smem:$0x7F7] =	sst s20  }
0x21: {  	s23 =	sadd.s32 $0x4CE, s8;
	s10 =	sadd.s32 s6, s13;
	[dreg:$0x5] =	wrdreg s9  }
0x22: {  	s8 =	sadd.s32 $0x4D8, s8;
	s24 =	sadd.s32 s5, s23;
	[dreg:$0x15] =	wrdreg s10  }
0x23: {  	s31 =	simm.s32 $0x380;
	s26 =	sadd.s32 s5, s8;
	[dreg:$0x16] =	wrdreg s24  }
0x24: {  	s3 =	simm.s32 $0x2;
	s8 =	sadd.s32 s6, s8;
	[dreg:$0x18] =	wrdreg s26  }
0x25: {  	s0 =	simm.s32 $0x7C00;
	s13 =	sadd.s32 $0x7000, s14;
	[dreg:$0x19] =	wrdreg s8  }
0x26: {  	s11 =	simm.s32 $0x4;
	s15 =	sadd.s32 $0x8000, s14;
	[dreg:$0x1e] =	wrdreg s13  }
0x27: {  	s18 =	simm.s32 $0x50;
	s17 =	sadd.s32 $0xA000, s14;
	[dreg:$0x1f] =	wrdreg s15  }
0x28: {  	s12 =	simm.s32 $0x7;
	s19 =	sadd.s32 $0xC000, s14;
	[smem:$0x7F4] =	sst s17  }
0x29: {  	s21 =	sadd.s32 $0xE000, s14;
	s22 =	sadd.s32 $0xF000, s14;
	[smem:$0x7F6] =	sst s19  }
0x2a: {  	s25 =	sadd.s32 $0x12000, s14;
	s16 =	simm.s32 $0xA;
	[smem:$0x7F8] =	sst s21  }
0x2b: {  	s20 =	simm.s32 $0x80;
	s10 =	sadd.s32 s6, s23;
	[smem:$0x7F9] =	sst s22  }
0x2c: {  	s23 =	sadd.s32 $0x10000, s14;
	s24 =	sadd.s32 $0x11000, s14;
	[smem:$0x7FC] =	sst s25  }
0x2d: {  	s26 =	sadd.s32 $0x13000, s14;
	s17 =	simm.s32 $0x200;
	s19 =	simm.s32 $0x400  }
0x2e: {  	s21 =	simm.s32 $0x280;
	s22 =	simm.s32 $0x2C00;
	[dreg:$0x17] =	wrdreg s10  }
0x2f: {  	s8 =	simm.s32 $0x5;
	s9 =	simm.s32 $0x3;
	[smem:$0x7FA] =	sst s23  }
0x30: {  	s13 =	simm.s32 $0x0;
	s10 =	smax.u32 s7, $0x1;
	[smem:$0x7FB] =	sst s24  }
0x31: {  	[smem:$0x7FD] =	sst s26;
	s23 =	simm.s32 $0x100;
	s24 =	simm.s32 $0x300  }
0x32: {  	v0 =	vimm.f32 $0.0e+00;
	s26 =	simm.s32 $0x5400;
	[dreg:$0x1b] =	wrdreg s10;
	s10 =	simm.s32 $0x6  }
.LBB2_1:
0x33: {  	[smem:$0x7F2] =	sst s13;
	s7 =	simm.s32 $0x0;
	s13 =	simm.s32 $0x200  }
.LBB2_2:
0x34: {  	p0 =	sne.s32 s13, $0x3E00;
	[tilespmem:s7+$0xA470] =	vst v0  }
0x35: {  	[tilespmem:s7+$0xA400] =	vst v0  }
0x36: {  	[tilespmem:s7+$0xA410] =	vst v0  }
.Ltmp0:
0x37: {  	[tilespmem:s7+$0xA420] =	vst v0;
	(pc) =	sbr.rel @p0 .LBB2_2-.Ltmp0, $4  }
0x38: {  	[tilespmem:s7+$0xA430] =	vst v0  }
0x39: {  	[tilespmem:s7+$0xA440] =	vst v0  }
0x3a: {  	[tilespmem:s7+$0xA450] =	vst v0  }
0x3b: {  	[tilespmem:s7+$0xA460] =	vst v0;
	s7 =	sshra.s32 s13, $0x2;
	s13 =	sadd.s32 $0x200, s13  }
0x3c: {  	[tilespmem:s7+$0xA470] =	vst v0  }
0x3d: {  	[tilespmem:s7+$0xA400] =	vst v0  }
0x3e: {  	[tilespmem:s7+$0xA410] =	vst v0  }
0x3f: {  	[tilespmem:s7+$0xA420] =	vst v0  }
0x40: {  	[tilespmem:s7+$0xA430] =	vst v0  }
0x41: {  	[tilespmem:s7+$0xA440] =	vst v0  }
0x42: {  	[tilespmem:s7+$0xA450] =	vst v0  }
0x43: {  	[tilespmem:s7+$0xA460] =	vst v0;
	s13 =	simm.s32 $0xA400;
	s15 =	rddreg [dreg:$0xb]  }
0x44: {  	[spmem:s14] =	stream.linear.scatter [tilespmem:s13], [sflag:$0x9], $0x1000, $0x38;
	[tilespmem:$0x1F400] =	vst v63  }
0x45: {  	s25 =	rddreg [dreg:$0xc]  }
0x46: {  	[spmem:s15] =	stream.linear.scatter [tilespmem:s13], [sflag:$0x9], $0x1000, $0x38;
	[tilespmem:$0x1F400] =	vst v63  }
0x47: {  	s14 =	rddreg [dreg:$0xd]  }
0x48: {  	[spmem:s25] =	stream.linear.scatter [tilespmem:s13], [sflag:$0x9], $0x1000, $0x38;
	[tilespmem:$0x1F400] =	vst v63  }
0x49: {  	s15 =	rddreg [dreg:$0xe]  }
0x4a: {  	[spmem:s14] =	stream.linear.scatter [tilespmem:s13], [sflag:$0x9], $0x1000, $0x38;
	[tilespmem:$0x1F400] =	vst v63  }
0x4b: {  	s25 =	rddreg [dreg:$0xf]  }
0x4c: {  	[spmem:s15] =	stream.linear.scatter [tilespmem:s13], [sflag:$0x9], $0x1000, $0x38;
	[tilespmem:$0x1F400] =	vst v63  }
0x4d: {  	s14 =	rddreg [dreg:$0x1d]  }
0x4e: {  	[spmem:s25] =	stream.linear.scatter [tilespmem:s13], [sflag:$0x9], $0x1000, $0x38;
	[tilespmem:$0x1F400] =	vst v63  }
0x4f: {  	s15 =	rddreg [dreg:$0x1e]  }
0x50: {  	[spmem:s14] =	stream.linear.scatter [tilespmem:s13], [sflag:$0x9], $0x1000, $0x38;
	[tilespmem:$0x1F400] =	vst v63  }
0x51: {  	s25 =	rddreg [dreg:$0x1f]  }
0x52: {  	[spmem:s15] =	stream.linear.scatter [tilespmem:s13], [sflag:$0x9], $0x1000, $0x38;
	[tilespmem:$0x1F400] =	vst v63  }
0x53: {  	s14 =	sld [smem:$0x7F3]  }
0x54: {  	[spmem:s25] =	stream.linear.scatter [tilespmem:s13], [sflag:$0x9], $0x1000, $0x38;
	[tilespmem:$0x1F400] =	vst v63  }
0x55: {  	s15 =	sld [smem:$0x7F4]  }
0x56: {  	[spmem:s14] =	stream.linear.scatter [tilespmem:s13], [sflag:$0x9], $0x1000, $0x38;
	[tilespmem:$0x1F400] =	vst v63  }
0x57: {  	s25 =	sld [smem:$0x7F5]  }
0x58: {  	[spmem:s15] =	stream.linear.scatter [tilespmem:s13], [sflag:$0x9], $0x1000, $0x38;
	[tilespmem:$0x1F400] =	vst v63  }
0x59: {  	s14 =	sld [smem:$0x7F6]  }
0x5a: {  	[spmem:s25] =	stream.linear.scatter [tilespmem:s13], [sflag:$0x9], $0x1000, $0x38;
	[tilespmem:$0x1F400] =	vst v63  }
0x5b: {  	s15 =	sld [smem:$0x7F7]  }
0x5c: {  	[spmem:s14] =	stream.linear.scatter [tilespmem:s13], [sflag:$0x9], $0x1000, $0x38;
	[tilespmem:$0x1F400] =	vst v63  }
0x5d: {  	s25 =	sld [smem:$0x7F8]  }
0x5e: {  	[spmem:s15] =	stream.linear.scatter [tilespmem:s13], [sflag:$0x9], $0x1000, $0x38;
	[tilespmem:$0x1F400] =	vst v63  }
0x5f: {  	s14 =	sld [smem:$0x7F9]  }
0x60: {  	[spmem:s25] =	stream.linear.scatter [tilespmem:s13], [sflag:$0x9], $0x1000, $0x38;
	[tilespmem:$0x1F400] =	vst v63  }
0x61: {  	s15 =	sld [smem:$0x7FA]  }
0x62: {  	[spmem:s14] =	stream.linear.scatter [tilespmem:s13], [sflag:$0x9], $0x1000, $0x38;
	[tilespmem:$0x1F400] =	vst v63  }
0x63: {  	s25 =	sld [smem:$0x7FB]  }
0x64: {  	[spmem:s15] =	stream.linear.scatter [tilespmem:s13], [sflag:$0x9], $0x1000, $0x38;
	[tilespmem:$0x1F400] =	vst v63  }
0x65: {  	s14 =	sld [smem:$0x7FC]  }
0x66: {  	[spmem:s25] =	stream.linear.scatter [tilespmem:s13], [sflag:$0x9], $0x1000, $0x38;
	[tilespmem:$0x1F400] =	vst v63  }
0x67: {  	s15 =	sld [smem:$0x7FD]  }
0x68: {  	[spmem:s14] =	stream.linear.scatter [tilespmem:s13], [sflag:$0x9], $0x1000, $0x38;
	[tilespmem:$0x1F400] =	vst v63  }
0x69: {  	_ = 	snop  }
0x6a: {  	[spmem:s15] =	stream.linear.scatter [tilespmem:s13], [sflag:$0x9], $0x1000, $0x38;
	[tilespmem:$0x1F400] =	vst v63  }
0x6b: {  	s7 =	simm.s32 $0x0;
	s25 =	rddreg [dreg:$0x10]  }
0x6c: {  	[tilespmem:s7], [sflag:$0xA] =	stream.linear.gather [hbm4b:s25+s7], $0x50, $0x38;
	[tilespmem:$0x1F400] =	vst v63  }
0x6d: {  	_ =	swait.ge [sflag:s16], $0x50  }
0x6e: {  	[sflag:s16] =	ssyncset.done $0x0  }
0x6f: {  	s14 =	rddreg [dreg:$0x11];
	[sflag:s16] =	ssyncadd.s32 $0xFFFFFFB0  }
0x70: {  	[tilespmem:s17], [sflag:$0xA] =	stream.linear.gather [hbm4b:s14+s7], $0x50, $0x38;
	[tilespmem:$0x1F400] =	vst v63  }
0x71: {  	_ =	swait.ge [sflag:s16], $0x50  }
0x72: {  	[sflag:s16] =	ssyncset.done $0x0  }
0x73: {  	[sflag:s16] =	ssyncadd.s32 $0xFFFFFFB0  }
0x74: {  	[tilespmem:s19], [sflag:$0x1] =	stream.indirect.gather [hbm4b:s1+s18], $0x80, s7, s18, $0xb8;
	[tilespmem:$0x1F400] =	vst v63  }
0x75: {  	s15 =	rddreg [dreg:$0x12]  }
0x76: {  	[tilespmem:s20], [sflag:$0xA] =	stream.linear.gather [hbm4b:s15+s7], $0x50, $0x38;
	[tilespmem:$0x1F400] =	vst v63  }
0x77: {  	_ =	swait.ge [sflag:s16], $0x50  }
0x78: {  	[sflag:s16] =	ssyncset.done $0x0  }
0x79: {  	s25 =	rddreg [dreg:$0x13];
	[sflag:s16] =	ssyncadd.s32 $0xFFFFFFB0  }
0x7a: {  	[tilespmem:s21], [sflag:$0xA] =	stream.linear.gather [hbm4b:s25+s7], $0x50, $0x38;
	[tilespmem:$0x1F400] =	vst v63  }
0x7b: {  	_ =	swait.ge [sflag:s16], $0x50  }
0x7c: {  	[sflag:s16] =	ssyncset.done $0x0  }
0x7d: {  	[sflag:s16] =	ssyncadd.s32 $0xFFFFFFB0  }
0x7e: {  	[tilespmem:s22], [sflag:$0x2] =	stream.indirect.gather [hbm4b:s1+s18], $0x80, s20, s18, $0xb8;
	[tilespmem:$0x1F400] =	vst v63  }
0x7f: {  	s14 =	rddreg [dreg:$0x14]  }
0x80: {  	[tilespmem:s23], [sflag:$0xA] =	stream.linear.gather [hbm4b:s14+s7], $0x50, $0x38;
	[tilespmem:$0x1F400] =	vst v63  }
0x81: {  	_ =	swait.ge [sflag:s16], $0x50  }
0x82: {  	[sflag:s16] =	ssyncset.done $0x0  }
0x83: {  	s15 =	rddreg [dreg:$0x15];
	[sflag:s16] =	ssyncadd.s32 $0xFFFFFFB0  }
0x84: {  	[tilespmem:s24], [sflag:$0xA] =	stream.linear.gather [hbm4b:s15+s7], $0x50, $0x38;
	[tilespmem:$0x1F400] =	vst v63  }
0x85: {  	_ =	swait.ge [sflag:s16], $0x50  }
0x86: {  	[sflag:s16] =	ssyncset.done $0x0  }
0x87: {  	[sflag:s16] =	ssyncadd.s32 $0xFFFFFFB0  }
0x88: {  	[tilespmem:s26], [sflag:$0x3] =	stream.indirect.gather [hbm4b:s1+s18], $0x80, s23, s18, $0xb8;
	[tilespmem:$0x1F400] =	vst v63  }
0x89: {  	_ =	swait.ge [sflag:s28], $0x1000  }
0x8a: {  	[sflag:s28] =	ssyncset.done $0x0  }
0x8b: {  	[sflag:s28] =	ssyncadd.s32 $0xFFFFF000  }
0x8c: {  	_ =	swait.ge [sflag:s28], $0x1000  }
0x8d: {  	[sflag:s28] =	ssyncset.done $0x0  }
0x8e: {  	[sflag:s28] =	ssyncadd.s32 $0xFFFFF000  }
0x8f: {  	_ =	swait.ge [sflag:s28], $0x1000  }
0x90: {  	[sflag:s28] =	ssyncset.done $0x0  }
0x91: {  	[sflag:s28] =	ssyncadd.s32 $0xFFFFF000  }
0x92: {  	_ =	swait.ge [sflag:s28], $0x1000  }
0x93: {  	[sflag:s28] =	ssyncset.done $0x0  }
0x94: {  	[sflag:s28] =	ssyncadd.s32 $0xFFFFF000  }
0x95: {  	_ =	swait.ge [sflag:s28], $0x1000  }
0x96: {  	[sflag:s28] =	ssyncset.done $0x0  }
0x97: {  	[sflag:s28] =	ssyncadd.s32 $0xFFFFF000  }
0x98: {  	_ =	swait.ge [sflag:s28], $0x1000  }
0x99: {  	[sflag:s28] =	ssyncset.done $0x0  }
0x9a: {  	[sflag:s28] =	ssyncadd.s32 $0xFFFFF000  }
0x9b: {  	_ =	swait.ge [sflag:s28], $0x1000  }
0x9c: {  	[sflag:s28] =	ssyncset.done $0x0  }
0x9d: {  	[sflag:s28] =	ssyncadd.s32 $0xFFFFF000  }
0x9e: {  	_ =	swait.ge [sflag:s28], $0x1000  }
0x9f: {  	[sflag:s28] =	ssyncset.done $0x0  }
0xa0: {  	[sflag:s28] =	ssyncadd.s32 $0xFFFFF000  }
0xa1: {  	_ =	swait.ge [sflag:s28], $0x1000  }
0xa2: {  	[sflag:s28] =	ssyncset.done $0x0  }
0xa3: {  	[sflag:s28] =	ssyncadd.s32 $0xFFFFF000  }
0xa4: {  	_ =	swait.ge [sflag:s28], $0x1000  }
0xa5: {  	[sflag:s28] =	ssyncset.done $0x0  }
0xa6: {  	[sflag:s28] =	ssyncadd.s32 $0xFFFFF000  }
0xa7: {  	_ =	swait.ge [sflag:s28], $0x1000  }
0xa8: {  	[sflag:s28] =	ssyncset.done $0x0  }
0xa9: {  	[sflag:s28] =	ssyncadd.s32 $0xFFFFF000  }
0xaa: {  	_ =	swait.ge [sflag:s28], $0x1000  }
0xab: {  	[sflag:s28] =	ssyncset.done $0x0  }
0xac: {  	[sflag:s28] =	ssyncadd.s32 $0xFFFFF000  }
0xad: {  	_ =	swait.ge [sflag:s28], $0x1000  }
0xae: {  	[sflag:s28] =	ssyncset.done $0x0  }
0xaf: {  	[sflag:s28] =	ssyncadd.s32 $0xFFFFF000  }
0xb0: {  	_ =	swait.ge [sflag:s28], $0x1000  }
0xb1: {  	[sflag:s28] =	ssyncset.done $0x0  }
0xb2: {  	[sflag:s28] =	ssyncadd.s32 $0xFFFFF000  }
0xb3: {  	_ =	swait.ge [sflag:s28], $0x1000  }
0xb4: {  	[sflag:s28] =	ssyncset.done $0x0  }
0xb5: {  	[sflag:s28] =	ssyncadd.s32 $0xFFFFF000  }
0xb6: {  	_ =	swait.ge [sflag:s28], $0x1000  }
0xb7: {  	[sflag:s28] =	ssyncset.done $0x0  }
0xb8: {  	[sflag:s28] =	ssyncadd.s32 $0xFFFFF000  }
0xb9: {  	_ =	swait.ge [sflag:s28], $0x1000  }
0xba: {  	[sflag:s28] =	ssyncset.done $0x0  }
0xbb: {  	[sflag:s28] =	ssyncadd.s32 $0xFFFFF000  }
0xbc: {  	_ =	swait.ge [sflag:s28], $0x1000  }
0xbd: {  	[sflag:s28] =	ssyncset.done $0x0  }
0xbe: {  	[sflag:s28] =	ssyncadd.s32 $0xFFFFF000  }
0xbf: {  	_ =	swait.ge [sflag:s28], $0x1000  }
0xc0: {  	[sflag:s28] =	ssyncset.done $0x0  }
0xc1: {  	[sflag:s28] =	ssyncadd.s32 $0xFFFFF000  }
0xc2: {  	_ =	swait.ge [sflag:s28], $0x1000  }
0xc3: {  	[sflag:s28] =	ssyncset.done $0x0  }
0xc4: {  	[sflag:s28] =	ssyncadd.s32 $0xFFFFF000  }
0xc5: {  	[bflag:$0x0] =	sbarrier.arrive $0xFFFF  }
0xc6: {  	_ =	swait.ge [sflag:s29], $0x2800  }
0xc7: {  	p0 =	por $0x1, $0x1;
	[sflag:s29] =	ssyncset.done $0x0  }
0xc8: {  	s7 =	simm.s32 @!p0 $0x8;
	[sflag:s29] =	ssyncadd.s32 $0xFFFFD800  }
0xc9: {  	[spmem:s2] =	stream.indirect.scatter.add.f32 [tilespmem:s19], [sflag:$0x5], $0x80, s17, s18, $0xb8;
	[tilespmem:$0x1F400] =	vst v63  }
0xca: {  	_ =	swait.ge @!p0 [sflag:s7], $0x2800  }
0xcb: {  	s25 =	rddreg [dreg:$0x9];
	[sflag:s7] =	ssyncset.done @!p0 $0x0  }
0xcc: {  	[sflag:s7] =	ssyncadd.s32 @!p0 $0xFFFFD800;
	s14 =	sadd.s32 $0x0, s25  }
0xcd: {  	[tilespmem:s30], [sflag:$0xA] =	stream.linear.gather [hbm4b:s14+s4], $0x50, $0x38;
	[tilespmem:$0x1F400] =	vst v63  }
0xce: {  	_ =	swait.ge [sflag:s16], $0x50  }
0xcf: {  	s15 =	rddreg [dreg:$0x8];
	[sflag:s16] =	ssyncset.done $0x0  }
0xd0: {  	[sflag:s16] =	ssyncadd.s32 $0xFFFFFFB0;
	s7 =	sadd.s32 $0x0, s15  }
0xd1: {  	[tilespmem:s31], [sflag:$0xA] =	stream.linear.gather [hbm4b:s7+s4], $0x50, $0x38;
	[tilespmem:$0x1F400] =	vst v63  }
0xd2: {  	_ =	swait.ge [sflag:s16], $0x50  }
0xd3: {  	[sflag:s16] =	ssyncset.done $0x0  }
0xd4: {  	[sflag:s16] =	ssyncadd.s32 $0xFFFFFFB0  }
0xd5: {  	[tilespmem:s0], [sflag:$0x4] =	stream.indirect.gather [hbm4b:s1+s18], $0x80, s30, s18, $0xb8;
	[tilespmem:$0x1F400] =	vst v63  }
0xd6: {  	_ =	swait.ge [sflag:s3], $0x2800  }
0xd7: {  	[sflag:s3] =	ssyncset.done $0x0  }
0xd8: {  	[sflag:s3] =	ssyncadd.s32 $0xFFFFD800  }
0xd9: {  	[spmem:s2] =	stream.indirect.scatter.add.f32 [tilespmem:s22], [sflag:$0x6], $0x80, s21, s18, $0xb8;
	[tilespmem:$0x1F400] =	vst v63  }
0xda: {  	_ =	swait.ge [sflag:s8], $0x2800  }
0xdb: {  	s14 =	rddreg [dreg:$0x1c]  }
0xdc: {  	[sflag:s8] =	ssyncset.done $0x0;
	s25 =	sshrl.u32 s14, $0x3  }
0xdd: {  	[sflag:s8] =	ssyncadd.s32 $0xFFFFD800;
	s15 =	sadd.s32 s5, s25  }
0xde: {  	[tilespmem:s4], [sflag:$0xA] =	stream.linear.gather [hbm4b:s15+s4], $0x50, $0x38;
	[tilespmem:$0x1F400] =	vst v63  }
0xdf: {  	_ =	swait.ge [sflag:s16], $0x50  }
0xe0: {  	[sflag:s16] =	ssyncset.done $0x0  }
0xe1: {  	s7 =	sadd.s32 s6, s25;
	[sflag:s16] =	ssyncadd.s32 $0xFFFFFFB0  }
0xe2: {  	[tilespmem:s17], [sflag:$0xA] =	stream.linear.gather [hbm4b:s7+s4], $0x50, $0x38;
	[tilespmem:$0x1F400] =	vst v63  }
0xe3: {  	_ =	swait.ge [sflag:s16], $0x50  }
0xe4: {  	[sflag:s16] =	ssyncset.done $0x0  }
0xe5: {  	[sflag:s16] =	ssyncadd.s32 $0xFFFFFFB0  }
0xe6: {  	[tilespmem:s19], [sflag:$0x1] =	stream.indirect.gather [hbm4b:s1+s18], $0x80, s4, s18, $0xb8;
	[tilespmem:$0x1F400] =	vst v63  }
0xe7: {  	_ =	swait.ge [sflag:s9], $0x2800  }
0xe8: {  	[sflag:s9] =	ssyncset.done $0x0  }
0xe9: {  	[sflag:s9] =	ssyncadd.s32 $0xFFFFD800  }
0xea: {  	[spmem:s2] =	stream.indirect.scatter.add.f32 [tilespmem:s26], [sflag:$0x7], $0x80, s24, s18, $0xb8;
	[tilespmem:$0x1F400] =	vst v63  }
0xeb: {  	_ =	swait.ge [sflag:s10], $0x2800  }
0xec: {  	s25 =	rddreg [dreg:$0x7];
	[sflag:s10] =	ssyncset.done $0x0  }
0xed: {  	[sflag:s10] =	ssyncadd.s32 $0xFFFFD800;
	s7 =	sadd.s32 $0x0, s25  }
0xee: {  	[tilespmem:s20], [sflag:$0xA] =	stream.linear.gather [hbm4b:s7+s4], $0x50, $0x38;
	[tilespmem:$0x1F400] =	vst v63  }
0xef: {  	_ =	swait.ge [sflag:s16], $0x50  }
0xf0: {  	s13 =	rddreg [dreg:$0x6];
	[sflag:s16] =	ssyncset.done $0x0  }
0xf1: {  	[sflag:s16] =	ssyncadd.s32 $0xFFFFFFB0;
	s7 =	sadd.s32 $0x0, s13  }
0xf2: {  	[tilespmem:s21], [sflag:$0xA] =	stream.linear.gather [hbm4b:s7+s4], $0x50, $0x38;
	[tilespmem:$0x1F400] =	vst v63  }
0xf3: {  	_ =	swait.ge [sflag:s16], $0x50  }
0xf4: {  	[sflag:s16] =	ssyncset.done $0x0  }
0xf5: {  	[sflag:s16] =	ssyncadd.s32 $0xFFFFFFB0  }
0xf6: {  	[tilespmem:s22], [sflag:$0x2] =	stream.indirect.gather [hbm4b:s1+s18], $0x80, s20, s18, $0xb8;
	[tilespmem:$0x1F400] =	vst v63  }
0xf7: {  	_ =	swait.ge [sflag:s11], $0x2800  }
0xf8: {  	[sflag:s11] =	ssyncset.done $0x0  }
0xf9: {  	[sflag:s11] =	ssyncadd.s32 $0xFFFFD800  }
0xfa: {  	[spmem:s2] =	stream.indirect.scatter.add.f32 [tilespmem:s0], [sflag:$0x8], $0x80, s31, s18, $0xb8;
	[tilespmem:$0x1F400] =	vst v63  }
0xfb: {  	_ =	swait.ge [sflag:s12], $0x2800  }
0xfc: {  	s15 =	rddreg [dreg:$0x5];
	[sflag:s12] =	ssyncset.done $0x0  }
0xfd: {  	[sflag:s12] =	ssyncadd.s32 $0xFFFFD800;
	s7 =	sadd.s32 $0x0, s15  }
0xfe: {  	[tilespmem:s23], [sflag:$0xA] =	stream.linear.gather [hbm4b:s7+s4], $0x50, $0x38;
	[tilespmem:$0x1F400] =	vst v63  }
0xff: {  	_ =	swait.ge [sflag:s16], $0x50  }
0x100: {  	s25 =	rddreg [dreg:$0x4];
	[sflag:s16] =	ssyncset.done $0x0  }
0x101: {  	[sflag:s16] =	ssyncadd.s32 $0xFFFFFFB0;
	s7 =	sadd.s32 $0x0, s25  }
0x102: {  	[tilespmem:s24], [sflag:$0xA] =	stream.linear.gather [hbm4b:s7+s4], $0x50, $0x38;
	[tilespmem:$0x1F400] =	vst v63  }
0x103: {  	_ =	swait.ge [sflag:s16], $0x50  }
0x104: {  	s25 =	simm.s32 $0x28;
	s7 =	smov.u32 s14;
	[sflag:s16] =	ssyncset.done $0x0  }
.LBB2_4:
0x105: {  	[sflag:s16] =	ssyncadd.s32 $0xFFFFFFB0  }
0x106: {  	[tilespmem:s26], [sflag:$0x3] =	stream.indirect.gather [hbm4b:s1+s18], $0x80, s23, s18, $0xb8;
	[tilespmem:$0x1F400] =	vst v63  }
0x107: {  	s13 =	smov.u32 s25;
	_ =	swait.ge [sflag:s29], $0x2800  }
0x108: {  	p1 =	seq.s32 s13, $0x0;
	[sflag:s29] =	ssyncset.done $0x0  }
0x109: {  	s14 =	simm.s32 @!p1 $0x8;
	[sflag:s29] =	ssyncadd.s32 $0xFFFFD800  }
0x10a: {  	[spmem:s2] =	stream.indirect.scatter.add.f32 [tilespmem:s19], [sflag:$0x5], $0x80, s17, s18, $0xb8;
	[tilespmem:$0x1F400] =	vst v63  }
0x10b: {  	_ =	swait.ge @!p1 [sflag:s14], $0x2800  }
0x10c: {  	[sflag:s14] =	ssyncset.done @!p1 $0x0;
	s15 =	rddreg [dreg:$0x9]  }
0x10d: {  	[sflag:s14] =	ssyncadd.s32 @!p1 $0xFFFFD800;
	s15 =	sadd.s32 s13, s15  }
0x10e: {  	[tilespmem:s30], [sflag:$0xA] =	stream.linear.gather [hbm4b:s15+s4], $0x50, $0x38;
	[tilespmem:$0x1F400] =	vst v63  }
0x10f: {  	_ =	swait.ge [sflag:s16], $0x50  }
0x110: {  	s15 =	rddreg [dreg:$0x8];
	[sflag:s16] =	ssyncset.done $0x0  }
0x111: {  	[sflag:s16] =	ssyncadd.s32 $0xFFFFFFB0;
	s14 =	sadd.s32 s13, s15  }
0x112: {  	[tilespmem:s31], [sflag:$0xA] =	stream.linear.gather [hbm4b:s14+s4], $0x50, $0x38;
	[tilespmem:$0x1F400] =	vst v63  }
0x113: {  	_ =	swait.ge [sflag:s16], $0x50  }
0x114: {  	[sflag:s16] =	ssyncset.done $0x0  }
0x115: {  	[sflag:s16] =	ssyncadd.s32 $0xFFFFFFB0  }
0x116: {  	[tilespmem:s0], [sflag:$0x4] =	stream.indirect.gather [hbm4b:s1+s18], $0x80, s30, s18, $0xb8;
	[tilespmem:$0x1F400] =	vst v63  }
0x117: {  	_ =	swait.ge [sflag:s3], $0x2800  }
0x118: {  	[sflag:s3] =	ssyncset.done $0x0  }
0x119: {  	[sflag:s3] =	ssyncadd.s32 $0xFFFFD800  }
0x11a: {  	[spmem:s2] =	stream.indirect.scatter.add.f32 [tilespmem:s22], [sflag:$0x6], $0x80, s21, s18, $0xb8;
	[tilespmem:$0x1F400] =	vst v63  }
0x11b: {  	s7 =	sadd.s32 $0x140, s7;
	_ =	swait.ge [sflag:s8], $0x2800  }
0x11c: {  	s14 =	sshrl.u32 s7, $0x3;
	[sflag:s8] =	ssyncset.done $0x0  }
0x11d: {  	s15 =	sadd.s32 s5, s14;
	[sflag:s8] =	ssyncadd.s32 $0xFFFFD800  }
0x11e: {  	[tilespmem:s4], [sflag:$0xA] =	stream.linear.gather [hbm4b:s15+s4], $0x50, $0x38;
	[tilespmem:$0x1F400] =	vst v63  }
0x11f: {  	_ =	swait.ge [sflag:s16], $0x50  }
0x120: {  	[sflag:s16] =	ssyncset.done $0x0  }
0x121: {  	s14 =	sadd.s32 s6, s14;
	[sflag:s16] =	ssyncadd.s32 $0xFFFFFFB0  }
0x122: {  	[tilespmem:s17], [sflag:$0xA] =	stream.linear.gather [hbm4b:s14+s4], $0x50, $0x38;
	[tilespmem:$0x1F400] =	vst v63  }
0x123: {  	_ =	swait.ge [sflag:s16], $0x50  }
0x124: {  	[sflag:s16] =	ssyncset.done $0x0  }
0x125: {  	[sflag:s16] =	ssyncadd.s32 $0xFFFFFFB0  }
0x126: {  	[tilespmem:s19], [sflag:$0x1] =	stream.indirect.gather [hbm4b:s1+s18], $0x80, s4, s18, $0xb8;
	[tilespmem:$0x1F400] =	vst v63  }
0x127: {  	_ =	swait.ge [sflag:s9], $0x2800  }
0x128: {  	[sflag:s9] =	ssyncset.done $0x0  }
0x129: {  	[sflag:s9] =	ssyncadd.s32 $0xFFFFD800  }
0x12a: {  	[spmem:s2] =	stream.indirect.scatter.add.f32 [tilespmem:s26], [sflag:$0x7], $0x80, s24, s18, $0xb8;
	[tilespmem:$0x1F400] =	vst v63  }
0x12b: {  	_ =	swait.ge [sflag:s10], $0x2800  }
0x12c: {  	s15 =	rddreg [dreg:$0x7];
	[sflag:s10] =	ssyncset.done $0x0  }
0x12d: {  	[sflag:s10] =	ssyncadd.s32 $0xFFFFD800;
	s14 =	sadd.s32 s13, s15  }
0x12e: {  	[tilespmem:s20], [sflag:$0xA] =	stream.linear.gather [hbm4b:s14+s4], $0x50, $0x38;
	[tilespmem:$0x1F400] =	vst v63  }
0x12f: {  	_ =	swait.ge [sflag:s16], $0x50  }
0x130: {  	s15 =	rddreg [dreg:$0x6];
	[sflag:s16] =	ssyncset.done $0x0  }
0x131: {  	[sflag:s16] =	ssyncadd.s32 $0xFFFFFFB0;
	s14 =	sadd.s32 s13, s15  }
0x132: {  	[tilespmem:s21], [sflag:$0xA] =	stream.linear.gather [hbm4b:s14+s4], $0x50, $0x38;
	[tilespmem:$0x1F400] =	vst v63  }
0x133: {  	_ =	swait.ge [sflag:s16], $0x50  }
0x134: {  	[sflag:s16] =	ssyncset.done $0x0  }
0x135: {  	[sflag:s16] =	ssyncadd.s32 $0xFFFFFFB0  }
0x136: {  	[tilespmem:s22], [sflag:$0x2] =	stream.indirect.gather [hbm4b:s1+s18], $0x80, s20, s18, $0xb8;
	[tilespmem:$0x1F400] =	vst v63  }
0x137: {  	_ =	swait.ge [sflag:s11], $0x2800  }
0x138: {  	[sflag:s11] =	ssyncset.done $0x0  }
0x139: {  	[sflag:s11] =	ssyncadd.s32 $0xFFFFD800  }
0x13a: {  	[spmem:s2] =	stream.indirect.scatter.add.f32 [tilespmem:s0], [sflag:$0x8], $0x80, s31, s18, $0xb8;
	[tilespmem:$0x1F400] =	vst v63  }
0x13b: {  	_ =	swait.ge [sflag:s12], $0x2800  }
0x13c: {  	s15 =	rddreg [dreg:$0x5];
	[sflag:s12] =	ssyncset.done $0x0  }
0x13d: {  	s25 =	sadd.s32 $0x28, s25;
	[sflag:s12] =	ssyncadd.s32 $0xFFFFD800;
	s14 =	sadd.s32 s13, s15  }
0x13e: {  	[tilespmem:s23], [sflag:$0xA] =	stream.linear.gather [hbm4b:s14+s4], $0x50, $0x38;
	[tilespmem:$0x1F400] =	vst v63  }
0x13f: {  	p0 =	sne.s32 s25, $0x4B0;
	_ =	swait.ge [sflag:s16], $0x50  }
.Ltmp1:
0x140: {  	s15 =	rddreg [dreg:$0x4];
	[sflag:s16] =	ssyncset.done $0x0;
	(pc) =	sbr.rel @p0 .LBB2_4-.Ltmp1, $4  }
0x141: {  	[sflag:s16] =	ssyncadd.s32 $0xFFFFFFB0;
	s13 =	sadd.s32 s13, s15  }
0x142: {  	[tilespmem:s24], [sflag:$0xA] =	stream.linear.gather [hbm4b:s13+s4], $0x50, $0x38;
	[tilespmem:$0x1F400] =	vst v63  }
0x143: {  	_ =	swait.ge [sflag:s16], $0x50  }
0x144: {  	[sflag:s16] =	ssyncset.done $0x0  }
0x145: {  	[sflag:s16] =	ssyncadd.s32 $0xFFFFFFB0  }
0x146: {  	[tilespmem:s26], [sflag:$0x3] =	stream.indirect.gather [hbm4b:s1+s18], $0x80, s23, s18, $0xb8;
	[tilespmem:$0x1F400] =	vst v63  }
0x147: {  	_ =	swait.ge [sflag:s29], $0x2800  }
0x148: {  	[sflag:s29] =	ssyncset.done $0x0  }
0x149: {  	s13 =	simm.s32 $0x8;
	[sflag:s29] =	ssyncadd.s32 $0xFFFFD800  }
0x14a: {  	[spmem:s2] =	stream.indirect.scatter.add.f32 [tilespmem:s19], [sflag:$0x5], $0x80, s17, s18, $0xb8;
	[tilespmem:$0x1F400] =	vst v63  }
0x14b: {  	_ =	swait.ge [sflag:s13], $0x2800  }
0x14c: {  	[sflag:s13] =	ssyncset.done $0x0  }
0x14d: {  	s7 =	rddreg [dreg:$0x16];
	[sflag:s13] =	ssyncadd.s32 $0xFFFFD800  }
0x14e: {  	[tilespmem:s30], [sflag:$0xA] =	stream.linear.gather [hbm4b:s7+s4], $0x50, $0x38;
	[tilespmem:$0x1F400] =	vst v63  }
0x14f: {  	_ =	swait.ge [sflag:s16], $0x50  }
0x150: {  	[sflag:s16] =	ssyncset.done $0x0  }
0x151: {  	s15 =	rddreg [dreg:$0x17];
	[sflag:s16] =	ssyncadd.s32 $0xFFFFFFB0  }
0x152: {  	[tilespmem:s31], [sflag:$0xA] =	stream.linear.gather [hbm4b:s15+s4], $0x50, $0x38;
	[tilespmem:$0x1F400] =	vst v63  }
0x153: {  	_ =	swait.ge [sflag:s16], $0x50  }
0x154: {  	[sflag:s16] =	ssyncset.done $0x0  }
0x155: {  	[sflag:s16] =	ssyncadd.s32 $0xFFFFFFB0  }
0x156: {  	[tilespmem:s0], [sflag:$0x4] =	stream.indirect.gather [hbm4b:s1+s18], $0x80, s30, s18, $0xb8;
	[tilespmem:$0x1F400] =	vst v63  }
0x157: {  	_ =	swait.ge [sflag:s3], $0x2800  }
0x158: {  	[sflag:s3] =	ssyncset.done $0x0  }
0x159: {  	[sflag:s3] =	ssyncadd.s32 $0xFFFFD800  }
0x15a: {  	[spmem:s2] =	stream.indirect.scatter.add.f32 [tilespmem:s22], [sflag:$0x6], $0x80, s21, s18, $0xb8;
	[tilespmem:$0x1F400] =	vst v63  }
0x15b: {  	_ =	swait.ge [sflag:s8], $0x2800  }
0x15c: {  	[sflag:s8] =	ssyncset.done $0x0  }
0x15d: {  	s25 =	rddreg [dreg:$0x18];
	[sflag:s8] =	ssyncadd.s32 $0xFFFFD800  }
0x15e: {  	[tilespmem:s4], [sflag:$0xA] =	stream.linear.gather [hbm4b:s25+s4], $0x50, $0x38;
	[tilespmem:$0x1F400] =	vst v63  }
0x15f: {  	_ =	swait.ge [sflag:s16], $0x50  }
0x160: {  	[sflag:s16] =	ssyncset.done $0x0  }
0x161: {  	s14 =	rddreg [dreg:$0x19];
	[sflag:s16] =	ssyncadd.s32 $0xFFFFFFB0  }
0x162: {  	[tilespmem:s17], [sflag:$0xA] =	stream.linear.gather [hbm4b:s14+s4], $0x50, $0x38;
	[tilespmem:$0x1F400] =	vst v63  }
0x163: {  	_ =	swait.ge [sflag:s16], $0x50  }
0x164: {  	[sflag:s16] =	ssyncset.done $0x0  }
0x165: {  	[sflag:s16] =	ssyncadd.s32 $0xFFFFFFB0  }
0x166: {  	[tilespmem:s19], [sflag:$0x1] =	stream.indirect.gather [hbm4b:s1+s18], $0x80, s4, s18, $0xb8;
	[tilespmem:$0x1F400] =	vst v63  }
0x167: {  	_ =	swait.ge [sflag:s9], $0x2800  }
0x168: {  	[sflag:s9] =	ssyncset.done $0x0  }
0x169: {  	[sflag:s9] =	ssyncadd.s32 $0xFFFFD800  }
0x16a: {  	[spmem:s2] =	stream.indirect.scatter.add.f32 [tilespmem:s26], [sflag:$0x7], $0x80, s24, s18, $0xb8;
	[tilespmem:$0x1F400] =	vst v63  }
0x16b: {  	_ =	swait.ge [sflag:s10], $0x2800  }
0x16c: {  	[sflag:s10] =	ssyncset.done $0x0  }
0x16d: {  	[sflag:s10] =	ssyncadd.s32 $0xFFFFD800  }
0x16e: {  	_ =	swait.ge [sflag:s11], $0x2800  }
0x16f: {  	[sflag:s11] =	ssyncset.done $0x0  }
0x170: {  	[sflag:s11] =	ssyncadd.s32 $0xFFFFD800  }
0x171: {  	[spmem:s2] =	stream.indirect.scatter.add.f32 [tilespmem:s0], [sflag:$0x8], $0x80, s31, s18, $0xb8;
	[tilespmem:$0x1F400] =	vst v63  }
0x172: {  	_ =	swait.ge [sflag:s12], $0x2800  }
0x173: {  	[sflag:s12] =	ssyncset.done $0x0  }
0x174: {  	[sflag:s12] =	ssyncadd.s32 $0xFFFFD800  }
0x175: {  	_ =	swait.ge [sflag:s29], $0x2800  }
0x176: {  	[sflag:s29] =	ssyncset.done $0x0  }
0x177: {  	[sflag:s29] =	ssyncadd.s32 $0xFFFFD800  }
0x178: {  	[spmem:s2] =	stream.indirect.scatter.add.f32 [tilespmem:s19], [sflag:$0x5], $0x80, s17, s18, $0xb8;
	[tilespmem:$0x1F400] =	vst v63  }
0x179: {  	_ =	swait.ge [sflag:s13], $0x2800  }
0x17a: {  	[sflag:s13] =	ssyncset.done $0x0  }
0x17b: {  	[sflag:s13] =	ssyncadd.s32 $0xFFFFD800  }
0x17c: {  	_ =	swait.ge [sflag:s8], $0x2800  }
0x17d: {  	[sflag:s8] =	ssyncset.done $0x0  }
0x17e: {  	[sflag:s8] =	ssyncadd.s32 $0xFFFFD800  }
0x17f: {  	s15 =	stileid.u32;
	[bflag:$0x0] =	sbarrier.arrive $0xFFFF  }
0x180: {  	s7 =	sshll.u32 s15, $0x6;
	s14 =	rddreg [dreg:$0xa]  }
0x181: {  	s7 =	sor.u32 $0x1C0A, s7;
	s15 =	rddreg [dreg:$0x1a];
	s25 =	sshrl.u32 s14, $0x3  }
0x182: {  	[hbm:s15], [sflag:s7] =	dma.local [spmem:s25], $0x2800  }
0x183: {  	_ =	swait.ge [sflag:s16], $0x2800  }
0x184: {  	s15 =	sld [smem:$0x7F2];
	_ =	sdelay $0x2  }
0x185: {  	s25 =	rddreg [dreg:$0x1b];
	s13 =	sadd.s32 $0x1, s15  }
0x186: {  	p0 =	sne.s32 s13, s25  }
.Ltmp2:
0x187: {  	_ = 	snop;
	(pc) =	sbr.rel @p0 .LBB2_1-.Ltmp2, $3  }
0x188: {  	_ =	sdelay $0x1  }
0x189: {  	[sflag:s16] =	ssyncset.done $0x0  }
0x18a: {  	[sflag:s16] =	ssyncadd.s32 $0xFFFFD800  }
0x18b: {  	_ =	sfence.sel $0x180000  }
0x18c: {  	[bflag:$0x0] =	sbarrier.arrive $0xFFFF  }
0x18d: {  	_ =	strace $0x9000004A  }
0x18e: {  	s0 =	stileid.u32;
	[bflag:$0x2] =	sbarrier.arrive $0xFFFF  }
0x18f: {  	p0 =	sne.s32 s0, $0x0;
	s0 =	rddreg [dreg:$0x3]  }
0x190: {  	s0 =	sadd.s32 @!p0 $0x100000, s0  }
0x191: {  	[sflag:s0] =	ssyncadd.tile.s32 @!p0 $0x1;
	_ =	shalt  }
.Lfunc_end2:
_tile_overlayer_lowered:
.L_overlay_start_2:
0x192: {  	(tag) =	ssettag $0x2  }
0x193: {  	s0 =	rddreg [dreg:$0x0];
	s2 =	stileid.u32  }
0x194: {  	s1 =	rddreg [dreg:$0x1];
	p0 =	sne.s32 s2, $0x0  }
0x195: {  	s3 =	rddreg [dreg:$0x2];
	[bflag:$0x3] =	sbarrier.arrive $0xFFFF;
	s2 =	simm.s32 @!p0 $0x1C0A  }
0x196: {  	[timem:s3], [sflag:s2] =	dma.local @!p0 [hbm:s0], s1  }
0x197: {  	s0 =	simm.s32 @!p0 $0xA  }
0x198: {  	_ =	swait.ge @!p0 [sflag:s0], s1  }
0x199: {  	s1 =	ssub.s32 @!p0 $0x0, s1;
	[sflag:s0] =	ssyncset.done @!p0 $0x0  }
0x19a: {  	[sflag:s0] =	ssyncadd.s32 @!p0 s1  }
0x19b: {  	[bflag:$0x3] =	sbarrier.arrive $0xFFFF  }
0x19c: {  	_ =	shalt  }

// kernel: kernel.14.cloned.1.call-start
scs
__scs_entry_jumppad:
0x0: {  	(pc) =	sbr.rel $0x88, $3  }
0x1: {  	(tag) =	ssettag $0x0;
	lr =	simm.s32 $0x1  }
0x2: {  	[smem:$0x3F9D] =	sst lr;
	_ =	strace $0xD0000000  }
0x3: {  	_ = 	snop  }
0x4: {  	_ = 	snop  }
0x5: {  	_ = 	snop  }
0x6: {  	_ = 	snop  }
0x7: {  	_ = 	snop  }
__scs_overlays_trampoline_lowered:
0x8: {  	[smem:$0x3FAC] =	sst s0  }
0x9: {  	[smem:$0x3FAD] =	sst s1  }
0xa: {  	[smem:$0x3FAE] =	sst s2  }
0xb: {  	[smem:$0x3FAF] =	sst s3  }
0xc: {  	[smem:$0x3FB0] =	sst s4  }
0xd: {  	[smem:$0x3FB1] =	sst s5  }
0xe: {  	[smem:$0x3FB2] =	sst s6  }
0xf: {  	[smem:$0x3FB3] =	sst s7  }
0x10: {  	[smem:$0x3FB4] =	sst s8  }
0x11: {  	[smem:$0x3FB5] =	sst s9;
	s0 =	simm.s32 @!p0 $0x0  }
0x12: {  	s1 =	sld [smem:$0x3F9B];
	s0 =	simm.s32 @p0 $0x1  }
0x13: {  	[smem:$0x3FB6] =	sst s0;
	s0 =	simm.s32 @!p1 $0x0  }
0x14: {  	s2 =	sld [smem:$0x3F9A];
	s0 =	simm.s32 @p1 $0x1  }
0x15: {  	[smem:$0x3FB7] =	sst s0;
	s0 =	simm.s32 @!p2 $0x0  }
0x16: {  	s3 =	sld [smem:$0x3FDB];
	s0 =	simm.s32 @p2 $0x1  }
0x17: {  	s4 =	simm.s32 $0x1BF5;
	[smem:$0x3FB9] =	sst s0  }
0x18: {  	s0 =	sld [smem:$0x3F9C];
	_ =	swait.ge [sflag:s4], $0x0  }
0x19: {  	s7 =	sld [smem:$0x3F9D]  }
0x1a: {  	s8 =	sadd.s32 $0xFFFFE003, lr  }
0x1b: {  	s9 =	sadd.s32 $0xFFFFFEF7, lr;
	s5 =	simm.s32 $0xFFFFFFFF;
	p2 =	slt.u32 s8, $0xFFFFF086  }
0x1c: {  	p1 =	slt.u32 s9, $0xF7A;
	s5 =	simm.s32 @!p2 $0x0  }
0x1d: {  	s5 =	simm.s32 @p1 $0x1;
	p0 =	seq.s32 s7, s2  }
0x1e: {  	s7 =	smul.u32 @!p0 $0xF7A, s2;
	p2 =	seq.s32 @!p0 s5, $0x0  }
0x1f: {  	s9 =	smul.u32 $0xF7A, s1;
	s8 =	simm.s32 @!p0 $0x1BF5;
	p2 =	por !p2, p0  }
0x20: {  	[sflag:s8] =	ssyncset.s32 @!p0 $0xFFFFF086;
	s6 =	sadd.s32 @!p0 s3, s7;
	s7 =	simm.s32 @!p0 $0x108  }
0x21: {  	s3 =	sadd.s32 s3, s9;
	s6 =	sadd.s32 @!p0 $0x88, s6;
	s7 =	simm.s32 @p2 $0x1082  }
0x22: {  	[simem:s7], [sflag:s8] =	dma.local @!p0 [hbm:s6], $0xF7A  }
0x23: {  	s9 =	sor.u32 $0xD0000000, s2;
	s6 =	simm.s32 $0x108;
	_ =	swait.ge @!p0 [sflag:s8], $0x0  }
0x24: {  	s3 =	sadd.s32 $0x88, s3;
	s6 =	simm.s32 @!p1 $0x1082;
	[sflag:s4] =	ssyncset.s32 $0xFFFFF086  }
0x25: {  	[simem:s6], [sflag:s4] =	dma.local [hbm:s3], $0xF7A  }
0x26: {  	[smem:$0x3F9D] =	sst s1;
	(tag) =	ssettag s2;
	_ =	strace s9  }
0x27: {  	s1 =	sld [smem:$0x3FAD]  }
0x28: {  	s2 =	sld [smem:$0x3FAE]  }
0x29: {  	s4 =	sld [smem:$0x3FB0]  }
0x2a: {  	p0 =	seq.s32 s5, $0x0;
	s5 =	sld [smem:$0x3FB1]  }
0x2b: {  	s6 =	sld [smem:$0x3FB2]  }
0x2c: {  	s7 =	sld [smem:$0x3FB3]  }
0x2d: {  	s3 =	simm.s32 $0x108;
	s8 =	sld [smem:$0x3FB4]  }
0x2e: {  	s3 =	simm.s32 @!p0 $0x1082;
	s9 =	sld [smem:$0x3FB5]  }
0x2f: {  	lr =	sadd.s32 s0, s3;
	s0 =	sld [smem:$0x3FAC]  }
0x30: {  	s3 =	sld [smem:$0x3FAF]  }
0x31: {  	[smem:$0x3FB8] =	sst s10  }
0x32: {  	s10 =	sld [smem:$0x3FB6];
	_ =	sdelay $0x3  }
0x33: {  	p0 =	seq.s32 s10, $0x1;
	s10 =	sld [smem:$0x3FB8];
	_ =	sdelay $0x3  }
0x34: {  	[smem:$0x3FB8] =	sst s10  }
0x35: {  	s10 =	sld [smem:$0x3FB7];
	_ =	sdelay $0x3  }
0x36: {  	p1 =	seq.s32 s10, $0x1;
	s10 =	sld [smem:$0x3FB8];
	_ =	sdelay $0x3  }
0x37: {  	[smem:$0x3FB8] =	sst s10  }
0x38: {  	s10 =	sld [smem:$0x3FB9]  }
0x39: {  	_ = 	snop;
	(pc) =	sbr.ind lr, $3  }
0x3a: {  	_ = 	snop  }
0x3b: {  	_ = 	snop  }
0x3c: {  	p2 =	seq.s32 s10, $0x1;
	s10 =	sld [smem:$0x3FB8]  }
0x3d: {  	_ =	shalt  }
0x3e: {  	_ =	shalt  }
0x3f: {  	_ =	shalt  }
0x40: {  	_ =	shalt  }
0x41: {  	_ =	shalt  }
0x42: {  	_ =	shalt  }
0x43: {  	_ =	shalt  }
0x44: {  	_ =	shalt  }
0x45: {  	_ =	shalt  }
0x46: {  	_ =	shalt  }
0x47: {  	_ =	shalt  }
0x48: {  	_ =	shalt  }
0x49: {  	_ =	shalt  }
0x4a: {  	_ =	shalt  }
0x4b: {  	_ =	shalt  }
0x4c: {  	_ =	shalt  }
0x4d: {  	_ =	shalt  }
0x4e: {  	_ =	shalt  }
0x4f: {  	_ =	shalt  }
0x50: {  	_ =	shalt  }
0x51: {  	_ =	shalt  }
0x52: {  	_ =	shalt  }
0x53: {  	_ =	shalt  }
0x54: {  	_ =	shalt  }
0x55: {  	_ =	shalt  }
0x56: {  	_ =	shalt  }
0x57: {  	_ =	shalt  }
0x58: {  	_ =	shalt  }
0x59: {  	_ =	shalt  }
0x5a: {  	_ =	shalt  }
0x5b: {  	_ =	shalt  }
0x5c: {  	_ =	shalt  }
0x5d: {  	_ =	shalt  }
0x5e: {  	_ =	shalt  }
0x5f: {  	_ =	shalt  }
0x60: {  	_ =	shalt  }
0x61: {  	_ =	shalt  }
0x62: {  	_ =	shalt  }
0x63: {  	_ =	shalt  }
0x64: {  	_ =	shalt  }
0x65: {  	_ =	shalt  }
0x66: {  	_ =	shalt  }
0x67: {  	_ =	shalt  }
0x68: {  	_ =	shalt  }
0x69: {  	_ =	shalt  }
0x6a: {  	_ =	shalt  }
0x6b: {  	_ =	shalt  }
0x6c: {  	_ =	shalt  }
0x6d: {  	_ =	shalt  }
0x6e: {  	_ =	shalt  }
0x6f: {  	_ =	shalt  }
0x70: {  	_ =	shalt  }
0x71: {  	_ =	shalt  }
0x72: {  	_ =	shalt  }
0x73: {  	_ =	shalt  }
0x74: {  	_ =	shalt  }
0x75: {  	_ =	shalt  }
0x76: {  	_ =	shalt  }
0x77: {  	_ =	shalt  }
0x78: {  	_ =	shalt  }
0x79: {  	_ =	shalt  }
0x7a: {  	_ =	shalt  }
0x7b: {  	_ =	shalt  }
0x7c: {  	_ =	shalt  }
0x7d: {  	_ =	shalt  }
0x7e: {  	_ =	shalt  }
0x7f: {  	_ =	shalt  }
0x80: {  	_ =	shalt  }
0x81: {  	_ =	shalt  }
0x82: {  	_ =	shalt  }
0x83: {  	_ =	shalt  }
0x84: {  	_ =	shalt  }
0x85: {  	_ =	shalt  }
0x86: {  	_ =	shalt  }
0x87: {  	_ =	shalt  }
.Lfunc_end0:
.L_simem_size_0:
called_computation.2_lowered:
.L_overlay_start_0:
0x88: {  	s2 =	sld [smem:$0x3FD9]  }
0x89: {  	s3 =	sld [smem:$0x3FFE];
	_ =	sdelay $0x1  }
0x8a: {  	s1 =	srdreg.scid  }
0x8b: {  	s0 =	sand.u32 $0x1, s1  }
0x8c: {  	s17 =	sshll.u32 s0, $0xA;
	s2 =	sadd.s32 s3, s2  }
0x8d: {  	s2 =	sadd.s32 s2, s17  }
0x8e: {  	[smem:$0x3FC4] =	sst s2  }
0x8f: {  	_ = 	snop  }
0x90: {  	s2 =	sld [smem:$0x3FD0];
	(tm) =	ssettm $0x1  }
0x91: {  	s18 =	sld [smem:$0x3FFB];
	_ =	sdelay $0x3  }
0x92: {  	_ =	strace s18  }
0x93: {  	s3 =	sld [smem:$0x3FFC];
	_ =	sdelay $0x3  }
0x94: {  	_ =	strace s3  }
0x95: {  	s3 =	sld [smem:$0x3FFD];
	_ =	sdelay $0x3  }
0x96: {  	_ =	strace s3  }
0x97: {  	_ =	strace $0x8FFFFFFF  }
0x98: {  	s19 =	sld [smem:$0x3FDB];
	_ =	sdelay $0x1  }
0x99: {  	s4 =	simm.s32 $_scs_section_size  }
0x9a: {  	s5 =	simm.s32 $_size__tile_overlayer_lowered;
	s6 =	simm.s32 $_tile_overlayer_lowered  }
0x9b: {  	s22 =	simm.s32 $0x1BFF;
	s21 =	sshll.u32 s6, $0x1;
	s3 =	sadd.s32 s4, s19  }
0x9c: {  	s7 =	simm.s32 $0x0;
	s20 =	sshll.u32 s5, $0x1;
	s5 =	sadd.s32 s21, s3  }
0x9d: {  	[timem:s7], [sflag:s22] =	dma.local [hbm:s5], s20  }
0x9e: {  	_ =	swait.ge [sflag:s22], s20  }
0x9f: {  	s4 =	ssub.s32 $0x0, s20;
	[sflag:s22] =	ssyncset.done $0x0  }
0xa0: {  	[sflag:s22] =	ssyncadd.s32 s4;
	_ =	sdelay $0x1  }
0xa1: {  	s23 =	simm.s32 $0x1B8B  }
0xa2: {  	_ =	swait.ge [sflag:s23], $0x1  }
0xa3: {  	[sflag:s23] =	ssyncset.done $0x0  }
0xa4: {  	s25 =	simm.s32 $0x1B8E;
	s24 =	sld [smem:$0x3FFE];
	[sflag:s23] =	ssyncadd.s32 $0xFFFFFFFF  }
0xa5: {  	s26 =	simm.s32 $execute0_lowered;
	[smem:$0x3FD2] =	sst s25  }
0xa6: {  	s5 =	sshll.u32 s26, $0x1;
	_ =	strace $0x8000004C;
	[dreg:$0x1] =	wrdreg $0xFFFFFFFF  }
0xa7: {  	s28 =	simm.s32 $_size_execute0_lowered;
	s3 =	sadd.s32 s3, s5;
	[dreg:$0x0] =	wrdreg $0x0  }
0xa8: {  	s5 =	sshll.u32 s28, $0x1;
	[dreg:$0x2] =	wrdreg s3  }
0xa9: {  	[dreg:$0x3] =	wrdreg s5  }
0xaa: {  	[dreg:$0x4] =	wrdreg $0xC0  }
0xab: {  	_ =	task [dreg:s7], $0x5FFFF  }
0xac: {  	[dreg:$0x1] =	wrdreg $0xFFFFFFFF  }
0xad: {  	[dreg:$0x0] =	wrdreg $0x60  }
0xae: {  	[dreg:$0x2] =	wrdreg s2  }
0xaf: {  	[dreg:$0x3] =	wrdreg s24  }
0xb0: {  	[dreg:$0x4] =	wrdreg $0xB4000  }
0xb1: {  	[dreg:$0x5] =	wrdreg $0x9  }
0xb2: {  	_ =	task.clear_ibuf [dreg:s7], $0x6FFFF;
	_ =	strace $0x9000004C  }
0xb3: {  	s29 =	simm.s32 $0x9;
	_ =	strace $0x8000004E  }
0xb4: {  	_ =	swait.ge [sflag:s29], $0x1  }
0xb5: {  	[sflag:s29] =	ssyncadd.s32 $0xFFFFFFFF  }
0xb6: {  	_ =	strace $0x9000004E  }
0xb7: {  	_ =	sfence  }
0xb8: {  	s30 =	sld [smem:$0x0];
	_ =	sdelay $0x2  }
0xb9: {  	s31 =	sshll.u32 s1, $0xD;
	s1 =	sshrl.u32 s1, $0x2  }
0xba: {  	s3 =	sand.u32 $0x4000, s31;
	s1 =	sadd.s32 s1, s30  }
0xbb: {  	s0 =	sor.u32 s3, s0;
	s1 =	sshll.u32 s1, $0x11  }
0xbc: {  	s0 =	sor.u32 s1, s0  }
0xbd: {  	s0 =	sadd.s32 $0x8F2B, s0  }
0xbe: {  	[sflag:s0] =	ssyncadd.remote.s32 $0x1  }
0xbf: {  	_ =	sfence.sel $0xFFFF  }
0xc0: {  	[dreg:$0x0] =	wrdreg $0xFFFFFFFF;
	(pc) =	sbr.abs _section_cstart, $3  }
0xc1: {  	[dreg:$0x1] =	wrdreg $0xFFFFFFFF  }
0xc2: {  	_ =	task.clear_ibuf [dreg:s7], $0x2FFFF;
	_ =	strace $0x9FFFFFFF  }
0xc3: {  	(tm) =	ssettm $0x7FFFFFFF  }
tec
execute0_lowered:
.L_overlay_start_1:
0x0: {  	(tag) =	ssettag $0x1  }
0x1: {  	s1 =	rddreg [dreg:$0x0]  }
0x2: {  	s0 =	rddreg [dreg:$0x1]  }
0x3: {  	s2 =	rddreg [dreg:$0x2]  }
0x4: {  	s3 =	srdreg.scid;
	s11 =	stileid.u32  }
0x5: {  	s4 =	simm.s32 $0x0;
	s3 =	sand.u32 $0x1, s3;
	s8 =	smul.u32 $0x14000, s11  }
0x6: {  	[smem:$0x7FF] =	sst s4;
	s5 =	sadd.s32 $0x2200, s0;
	s9 =	smul.u32 $0x50000, s11  }
0x7: {  	s6 =	sadd.s32 $0xC000, s0;
	s14 =	sshll.u32 s11, $0x1;
	s7 =	smul.u32 $0x140000, s3  }
0x8: {  	s16 =	smul.u32 $0x4E20, s11;
	_ =	strace $0x8000004D;
	s9 =	sshrl.u32 s9, $0x2  }
0x9: {  	s7 =	sadd.s32 s8, s7;
	s8 =	sor.u32 s3, s14;
	s14 =	sadd.s32 s9, s2  }
0xa: {  	s15 =	ssub.s32 $0x2, s3;
	s17 =	sadd.s32 $0x1000, s14;
	[dreg:$0xa] =	wrdreg s14  }
0xb: {  	s10 =	sshrl.u32 s15, $0x1;
	s18 =	sadd.s32 $0x2000, s14;
	[dreg:$0xb] =	wrdreg s17  }
0xc: {  	s3 =	smul.u32 $0x2710, s3;
	s19 =	sadd.s32 $0x3000, s14;
	[dreg:$0xc] =	wrdreg s18  }
0xd: {  	s7 =	sshrl.u32 s7, $0x3;
	s20 =	sadd.s32 $0x4000, s14;
	[dreg:$0xd] =	wrdreg s19  }
0xe: {  	s8 =	smul.u32 $0x2710, s8;
	s21 =	sadd.s32 $0x5000, s14;
	[dreg:$0xe] =	wrdreg s20  }
0xf: {  	s0 =	sadd.s32 s7, s0;
	s7 =	ssub.s32 s15, s10;
	[dreg:$0xf] =	wrdreg s21  }
0x10: {  	s3 =	sadd.s32 s3, s16;
	s8 =	sshrl.u32 s8, $0x3;
	s0 =	sadd.s32 $0x15E00, s0  }
0x11: {  	s12 =	sadd.s32 $0x190, s3;
	s11 =	sadd.s32 $0x140, s3;
	[dreg:$0x1a] =	wrdreg s0  }
0x12: {  	s18 =	sadd.s32 $0xF0, s3;
	s22 =	sadd.s32 s5, s8;
	[dreg:$0x1c] =	wrdreg s11  }
0x13: {  	s23 =	sadd.s32 s6, s8;
	s24 =	sadd.s32 $0xA, s8;
	[dreg:$0x10] =	wrdreg s22  }
0x14: {  	s16 =	sshrl.u32 s12, $0x3;
	s12 =	sadd.s32 $0x6000, s14;
	[dreg:$0x11] =	wrdreg s23  }
0x15: {  	s20 =	sshrl.u32 s18, $0x3;
	s18 =	sadd.s32 $0xB000, s14;
	[dreg:$0x1d] =	wrdreg s12  }
0x16: {  	s25 =	sadd.s32 $0x1E0, s3;
	s26 =	sadd.s32 s5, s24;
	[smem:$0x7F5] =	sst s18  }
0x17: {  	s10 =	sshrl.u32 s25, $0x3;
	s9 =	sadd.s32 s6, s24;
	[dreg:$0x12] =	wrdreg s26  }
0x18: {  	s15 =	sadd.s32 s10, s6;
	[dreg:$0x13] =	wrdreg s9  }
0x19: {  	s13 =	sadd.s32 $0x14, s8;
	s17 =	sadd.s32 s16, s6;
	[dreg:$0x4] =	wrdreg s15  }
0x1a: {  	s21 =	sadd.s32 s5, s13;
	[dreg:$0x6] =	wrdreg s17  }
0x1b: {  	s19 =	sadd.s32 s16, s5;
	[dreg:$0x14] =	wrdreg s21  }
0x1c: {  	s22 =	sadd.s32 s20, s6;
	[dreg:$0x7] =	wrdreg s19  }
0x1d: {  	s25 =	sadd.s32 s20, s5;
	[dreg:$0x8] =	wrdreg s22  }
0x1e: {  	s28 =	simm.s32 $0x9;
	s16 =	sadd.s32 $0x9000, s14;
	[dreg:$0x9] =	wrdreg s25  }
0x1f: {  	s29 =	simm.s32 $0x1;
	s20 =	sadd.s32 $0xD000, s14;
	[smem:$0x7F3] =	sst s16  }
0x20: {  	s30 =	simm.s32 $0x180;
	s9 =	sadd.s32 s10, s5;
	[smem:$0x7F7] =	sst s20  }
0x21: {  	s23 =	sadd.s32 $0x4CE, s8;
	s10 =	sadd.s32 s6, s13;
	[dreg:$0x5] =	wrdreg s9  }
0x22: {  	s8 =	sadd.s32 $0x4D8, s8;
	s24 =	sadd.s32 s5, s23;
	[dreg:$0x15] =	wrdreg s10  }
0x23: {  	s31 =	simm.s32 $0x380;
	s26 =	sadd.s32 s5, s8;
	[dreg:$0x16] =	wrdreg s24  }
0x24: {  	s3 =	simm.s32 $0x2;
	s8 =	sadd.s32 s6, s8;
	[dreg:$0x18] =	wrdreg s26  }
0x25: {  	s0 =	simm.s32 $0x7C00;
	s13 =	sadd.s32 $0x7000, s14;
	[dreg:$0x19] =	wrdreg s8  }
0x26: {  	s11 =	simm.s32 $0x4;
	s15 =	sadd.s32 $0x8000, s14;
	[dreg:$0x1e] =	wrdreg s13  }
0x27: {  	s18 =	simm.s32 $0x50;
	s17 =	sadd.s32 $0xA000, s14;
	[dreg:$0x1f] =	wrdreg s15  }
0x28: {  	s12 =	simm.s32 $0x7;
	s19 =	sadd.s32 $0xC000, s14;
	[smem:$0x7F4] =	sst s17  }
0x29: {  	s21 =	sadd.s32 $0xE000, s14;
	s22 =	sadd.s32 $0xF000, s14;
	[smem:$0x7F6] =	sst s19  }
0x2a: {  	s25 =	sadd.s32 $0x12000, s14;
	s16 =	simm.s32 $0xA;
	[smem:$0x7F8] =	sst s21  }
0x2b: {  	s20 =	simm.s32 $0x80;
	s10 =	sadd.s32 s6, s23;
	[smem:$0x7F9] =	sst s22  }
0x2c: {  	s23 =	sadd.s32 $0x10000, s14;
	s24 =	sadd.s32 $0x11000, s14;
	[smem:$0x7FC] =	sst s25  }
0x2d: {  	s26 =	sadd.s32 $0x13000, s14;
	s17 =	simm.s32 $0x200;
	s19 =	simm.s32 $0x400  }
0x2e: {  	s21 =	simm.s32 $0x280;
	s22 =	simm.s32 $0x2C00;
	[dreg:$0x17] =	wrdreg s10  }
0x2f: {  	s8 =	simm.s32 $0x5;
	s9 =	simm.s32 $0x3;
	[smem:$0x7FA] =	sst s23  }
0x30: {  	s13 =	simm.s32 $0x0;
	s10 =	smax.u32 s7, $0x1;
	[smem:$0x7FB] =	sst s24  }
0x31: {  	[smem:$0x7FD] =	sst s26;
	s23 =	simm.s32 $0x100;
	s24 =	simm.s32 $0x300  }
0x32: {  	v0 =	vimm.f32 $0.0e+00;
	s26 =	simm.s32 $0x5400;
	[dreg:$0x1b] =	wrdreg s10;
	s10 =	simm.s32 $0x6  }
.LBB2_1:
0x33: {  	[smem:$0x7F2] =	sst s13;
	s7 =	simm.s32 $0x0;
	s13 =	simm.s32 $0x200  }
.LBB2_2:
0x34: {  	p0 =	sne.s32 s13, $0x3E00;
	[tilespmem:s7+$0xA470] =	vst v0  }
0x35: {  	[tilespmem:s7+$0xA400] =	vst v0  }
0x36: {  	[tilespmem:s7+$0xA410] =	vst v0  }
.Ltmp0:
0x37: {  	[tilespmem:s7+$0xA420] =	vst v0;
	(pc) =	sbr.rel @p0 .LBB2_2-.Ltmp0, $4  }
0x38: {  	[tilespmem:s7+$0xA430] =	vst v0  }
0x39: {  	[tilespmem:s7+$0xA440] =	vst v0  }
0x3a: {  	[tilespmem:s7+$0xA450] =	vst v0  }
0x3b: {  	[tilespmem:s7+$0xA460] =	vst v0;
	s7 =	sshra.s32 s13, $0x2;
	s13 =	sadd.s32 $0x200, s13  }
0x3c: {  	[tilespmem:s7+$0xA470] =	vst v0  }
0x3d: {  	[tilespmem:s7+$0xA400] =	vst v0  }
0x3e: {  	[tilespmem:s7+$0xA410] =	vst v0  }
0x3f: {  	[tilespmem:s7+$0xA420] =	vst v0  }
0x40: {  	[tilespmem:s7+$0xA430] =	vst v0  }
0x41: {  	[tilespmem:s7+$0xA440] =	vst v0  }
0x42: {  	[tilespmem:s7+$0xA450] =	vst v0  }
0x43: {  	[tilespmem:s7+$0xA460] =	vst v0;
	s13 =	simm.s32 $0xA400;
	s15 =	rddreg [dreg:$0xb]  }
0x44: {  	[spmem:s14] =	stream.linear.scatter [tilespmem:s13], [sflag:$0x9], $0x1000, $0x38;
	[tilespmem:$0x1F400] =	vst v63  }
0x45: {  	s25 =	rddreg [dreg:$0xc]  }
0x46: {  	[spmem:s15] =	stream.linear.scatter [tilespmem:s13], [sflag:$0x9], $0x1000, $0x38;
	[tilespmem:$0x1F400] =	vst v63  }
0x47: {  	s14 =	rddreg [dreg:$0xd]  }
0x48: {  	[spmem:s25] =	stream.linear.scatter [tilespmem:s13], [sflag:$0x9], $0x1000, $0x38;
	[tilespmem:$0x1F400] =	vst v63  }
0x49: {  	s15 =	rddreg [dreg:$0xe]  }
0x4a: {  	[spmem:s14] =	stream.linear.scatter [tilespmem:s13], [sflag:$0x9], $0x1000, $0x38;
	[tilespmem:$0x1F400] =	vst v63  }
0x4b: {  	s25 =	rddreg [dreg:$0xf]  }
0x4c: {  	[spmem:s15] =	stream.linear.scatter [tilespmem:s13], [sflag:$0x9], $0x1000, $0x38;
	[tilespmem:$0x1F400] =	vst v63  }
0x4d: {  	s14 =	rddreg [dreg:$0x1d]  }
0x4e: {  	[spmem:s25] =	stream.linear.scatter [tilespmem:s13], [sflag:$0x9], $0x1000, $0x38;
	[tilespmem:$0x1F400] =	vst v63  }
0x4f: {  	s15 =	rddreg [dreg:$0x1e]  }
0x50: {  	[spmem:s14] =	stream.linear.scatter [tilespmem:s13], [sflag:$0x9], $0x1000, $0x38;
	[tilespmem:$0x1F400] =	vst v63  }
0x51: {  	s25 =	rddreg [dreg:$0x1f]  }
0x52: {  	[spmem:s15] =	stream.linear.scatter [tilespmem:s13], [sflag:$0x9], $0x1000, $0x38;
	[tilespmem:$0x1F400] =	vst v63  }
0x53: {  	s14 =	sld [smem:$0x7F3]  }
0x54: {  	[spmem:s25] =	stream.linear.scatter [tilespmem:s13], [sflag:$0x9], $0x1000, $0x38;
	[tilespmem:$0x1F400] =	vst v63  }
0x55: {  	s15 =	sld [smem:$0x7F4]  }
0x56: {  	[spmem:s14] =	stream.linear.scatter [tilespmem:s13], [sflag:$0x9], $0x1000, $0x38;
	[tilespmem:$0x1F400] =	vst v63  }
0x57: {  	s25 =	sld [smem:$0x7F5]  }
0x58: {  	[spmem:s15] =	stream.linear.scatter [tilespmem:s13], [sflag:$0x9], $0x1000, $0x38;
	[tilespmem:$0x1F400] =	vst v63  }
0x59: {  	s14 =	sld [smem:$0x7F6]  }
0x5a: {  	[spmem:s25] =	stream.linear.scatter [tilespmem:s13], [sflag:$0x9], $0x1000, $0x38;
	[tilespmem:$0x1F400] =	vst v63  }
0x5b: {  	s15 =	sld [smem:$0x7F7]  }
0x5c: {  	[spmem:s14] =	stream.linear.scatter [tilespmem:s13], [sflag:$0x9], $0x1000, $0x38;
	[tilespmem:$0x1F400] =	vst v63  }
0x5d: {  	s25 =	sld [smem:$0x7F8]  }
0x5e: {  	[spmem:s15] =	stream.linear.scatter [tilespmem:s13], [sflag:$0x9], $0x1000, $0x38;
	[tilespmem:$0x1F400] =	vst v63  }
0x5f: {  	s14 =	sld [smem:$0x7F9]  }
0x60: {  	[spmem:s25] =	stream.linear.scatter [tilespmem:s13], [sflag:$0x9], $0x1000, $0x38;
	[tilespmem:$0x1F400] =	vst v63  }
0x61: {  	s15 =	sld [smem:$0x7FA]  }
0x62: {  	[spmem:s14] =	stream.linear.scatter [tilespmem:s13], [sflag:$0x9], $0x1000, $0x38;
	[tilespmem:$0x1F400] =	vst v63  }
0x63: {  	s25 =	sld [smem:$0x7FB]  }
0x64: {  	[spmem:s15] =	stream.linear.scatter [tilespmem:s13], [sflag:$0x9], $0x1000, $0x38;
	[tilespmem:$0x1F400] =	vst v63  }
0x65: {  	s14 =	sld [smem:$0x7FC]  }
0x66: {  	[spmem:s25] =	stream.linear.scatter [tilespmem:s13], [sflag:$0x9], $0x1000, $0x38;
	[tilespmem:$0x1F400] =	vst v63  }
0x67: {  	s15 =	sld [smem:$0x7FD]  }
0x68: {  	[spmem:s14] =	stream.linear.scatter [tilespmem:s13], [sflag:$0x9], $0x1000, $0x38;
	[tilespmem:$0x1F400] =	vst v63  }
0x69: {  	_ = 	snop  }
0x6a: {  	[spmem:s15] =	stream.linear.scatter [tilespmem:s13], [sflag:$0x9], $0x1000, $0x38;
	[tilespmem:$0x1F400] =	vst v63  }
0x6b: {  	s7 =	simm.s32 $0x0;
	s25 =	rddreg [dreg:$0x10]  }
0x6c: {  	[tilespmem:s7], [sflag:$0xA] =	stream.linear.gather [hbm4b:s25+s7], $0x50, $0x38;
	[tilespmem:$0x1F400] =	vst v63  }
0x6d: {  	_ =	swait.ge [sflag:s16], $0x50  }
0x6e: {  	[sflag:s16] =	ssyncset.done $0x0  }
0x6f: {  	s14 =	rddreg [dreg:$0x11];
	[sflag:s16] =	ssyncadd.s32 $0xFFFFFFB0  }
0x70: {  	[tilespmem:s17], [sflag:$0xA] =	stream.linear.gather [hbm4b:s14+s7], $0x50, $0x38;
	[tilespmem:$0x1F400] =	vst v63  }
0x71: {  	_ =	swait.ge [sflag:s16], $0x50  }
0x72: {  	[sflag:s16] =	ssyncset.done $0x0  }
0x73: {  	[sflag:s16] =	ssyncadd.s32 $0xFFFFFFB0  }
0x74: {  	[tilespmem:s19], [sflag:$0x1] =	stream.indirect.gather [hbm4b:s1+s18], $0x80, s7, s18, $0xb8;
	[tilespmem:$0x1F400] =	vst v63  }
0x75: {  	s15 =	rddreg [dreg:$0x12]  }
0x76: {  	[tilespmem:s20], [sflag:$0xA] =	stream.linear.gather [hbm4b:s15+s7], $0x50, $0x38;
	[tilespmem:$0x1F400] =	vst v63  }
0x77: {  	_ =	swait.ge [sflag:s16], $0x50  }
0x78: {  	[sflag:s16] =	ssyncset.done $0x0  }
0x79: {  	s25 =	rddreg [dreg:$0x13];
	[sflag:s16] =	ssyncadd.s32 $0xFFFFFFB0  }
0x7a: {  	[tilespmem:s21], [sflag:$0xA] =	stream.linear.gather [hbm4b:s25+s7], $0x50, $0x38;
	[tilespmem:$0x1F400] =	vst v63  }
0x7b: {  	_ =	swait.ge [sflag:s16], $0x50  }
0x7c: {  	[sflag:s16] =	ssyncset.done $0x0  }
0x7d: {  	[sflag:s16] =	ssyncadd.s32 $0xFFFFFFB0  }
0x7e: {  	[tilespmem:s22], [sflag:$0x2] =	stream.indirect.gather [hbm4b:s1+s18], $0x80, s20, s18, $0xb8;
	[tilespmem:$0x1F400] =	vst v63  }
0x7f: {  	s14 =	rddreg [dreg:$0x14]  }
0x80: {  	[tilespmem:s23], [sflag:$0xA] =	stream.linear.gather [hbm4b:s14+s7], $0x50, $0x38;
	[tilespmem:$0x1F400] =	vst v63  }
0x81: {  	_ =	swait.ge [sflag:s16], $0x50  }
0x82: {  	[sflag:s16] =	ssyncset.done $0x0  }
0x83: {  	s15 =	rddreg [dreg:$0x15];
	[sflag:s16] =	ssyncadd.s32 $0xFFFFFFB0  }
0x84: {  	[tilespmem:s24], [sflag:$0xA] =	stream.linear.gather [hbm4b:s15+s7], $0x50, $0x38;
	[tilespmem:$0x1F400] =	vst v63  }
0x85: {  	_ =	swait.ge [sflag:s16], $0x50  }
0x86: {  	[sflag:s16] =	ssyncset.done $0x0  }
0x87: {  	[sflag:s16] =	ssyncadd.s32 $0xFFFFFFB0  }
0x88: {  	[tilespmem:s26], [sflag:$0x3] =	stream.indirect.gather [hbm4b:s1+s18], $0x80, s23, s18, $0xb8;
	[tilespmem:$0x1F400] =	vst v63  }
0x89: {  	_ =	swait.ge [sflag:s28], $0x1000  }
0x8a: {  	[sflag:s28] =	ssyncset.done $0x0  }
0x8b: {  	[sflag:s28] =	ssyncadd.s32 $0xFFFFF000  }
0x8c: {  	_ =	swait.ge [sflag:s28], $0x1000  }
0x8d: {  	[sflag:s28] =	ssyncset.done $0x0  }
0x8e: {  	[sflag:s28] =	ssyncadd.s32 $0xFFFFF000  }
0x8f: {  	_ =	swait.ge [sflag:s28], $0x1000  }
0x90: {  	[sflag:s28] =	ssyncset.done $0x0  }
0x91: {  	[sflag:s28] =	ssyncadd.s32 $0xFFFFF000  }
0x92: {  	_ =	swait.ge [sflag:s28], $0x1000  }
0x93: {  	[sflag:s28] =	ssyncset.done $0x0  }
0x94: {  	[sflag:s28] =	ssyncadd.s32 $0xFFFFF000  }
0x95: {  	_ =	swait.ge [sflag:s28], $0x1000  }
0x96: {  	[sflag:s28] =	ssyncset.done $0x0  }
0x97: {  	[sflag:s28] =	ssyncadd.s32 $0xFFFFF000  }
0x98: {  	_ =	swait.ge [sflag:s28], $0x1000  }
0x99: {  	[sflag:s28] =	ssyncset.done $0x0  }
0x9a: {  	[sflag:s28] =	ssyncadd.s32 $0xFFFFF000  }
0x9b: {  	_ =	swait.ge [sflag:s28], $0x1000  }
0x9c: {  	[sflag:s28] =	ssyncset.done $0x0  }
0x9d: {  	[sflag:s28] =	ssyncadd.s32 $0xFFFFF000  }
0x9e: {  	_ =	swait.ge [sflag:s28], $0x1000  }
0x9f: {  	[sflag:s28] =	ssyncset.done $0x0  }
0xa0: {  	[sflag:s28] =	ssyncadd.s32 $0xFFFFF000  }
0xa1: {  	_ =	swait.ge [sflag:s28], $0x1000  }
0xa2: {  	[sflag:s28] =	ssyncset.done $0x0  }
0xa3: {  	[sflag:s28] =	ssyncadd.s32 $0xFFFFF000  }
0xa4: {  	_ =	swait.ge [sflag:s28], $0x1000  }
0xa5: {  	[sflag:s28] =	ssyncset.done $0x0  }
0xa6: {  	[sflag:s28] =	ssyncadd.s32 $0xFFFFF000  }
0xa7: {  	_ =	swait.ge [sflag:s28], $0x1000  }
0xa8: {  	[sflag:s28] =	ssyncset.done $0x0  }
0xa9: {  	[sflag:s28] =	ssyncadd.s32 $0xFFFFF000  }
0xaa: {  	_ =	swait.ge [sflag:s28], $0x1000  }
0xab: {  	[sflag:s28] =	ssyncset.done $0x0  }
0xac: {  	[sflag:s28] =	ssyncadd.s32 $0xFFFFF000  }
0xad: {  	_ =	swait.ge [sflag:s28], $0x1000  }
0xae: {  	[sflag:s28] =	ssyncset.done $0x0  }
0xaf: {  	[sflag:s28] =	ssyncadd.s32 $0xFFFFF000  }
0xb0: {  	_ =	swait.ge [sflag:s28], $0x1000  }
0xb1: {  	[sflag:s28] =	ssyncset.done $0x0  }
0xb2: {  	[sflag:s28] =	ssyncadd.s32 $0xFFFFF000  }
0xb3: {  	_ =	swait.ge [sflag:s28], $0x1000  }
0xb4: {  	[sflag:s28] =	ssyncset.done $0x0  }
0xb5: {  	[sflag:s28] =	ssyncadd.s32 $0xFFFFF000  }
0xb6: {  	_ =	swait.ge [sflag:s28], $0x1000  }
0xb7: {  	[sflag:s28] =	ssyncset.done $0x0  }
0xb8: {  	[sflag:s28] =	ssyncadd.s32 $0xFFFFF000  }
0xb9: {  	_ =	swait.ge [sflag:s28], $0x1000  }
0xba: {  	[sflag:s28] =	ssyncset.done $0x0  }
0xbb: {  	[sflag:s28] =	ssyncadd.s32 $0xFFFFF000  }
0xbc: {  	_ =	swait.ge [sflag:s28], $0x1000  }
0xbd: {  	[sflag:s28] =	ssyncset.done $0x0  }
0xbe: {  	[sflag:s28] =	ssyncadd.s32 $0xFFFFF000  }
0xbf: {  	_ =	swait.ge [sflag:s28], $0x1000  }
0xc0: {  	[sflag:s28] =	ssyncset.done $0x0  }
0xc1: {  	[sflag:s28] =	ssyncadd.s32 $0xFFFFF000  }
0xc2: {  	_ =	swait.ge [sflag:s28], $0x1000  }
0xc3: {  	[sflag:s28] =	ssyncset.done $0x0  }
0xc4: {  	[sflag:s28] =	ssyncadd.s32 $0xFFFFF000  }
0xc5: {  	[bflag:$0x0] =	sbarrier.arrive $0xFFFF  }
0xc6: {  	_ =	swait.ge [sflag:s29], $0x2800  }
0xc7: {  	p0 =	por $0x1, $0x1;
	[sflag:s29] =	ssyncset.done $0x0  }
0xc8: {  	s7 =	simm.s32 @!p0 $0x8;
	[sflag:s29] =	ssyncadd.s32 $0xFFFFD800  }
0xc9: {  	[spmem:s2] =	stream.indirect.scatter.add.f32 [tilespmem:s19], [sflag:$0x5], $0x80, s17, s18, $0xb8;
	[tilespmem:$0x1F400] =	vst v63  }
0xca: {  	_ =	swait.ge @!p0 [sflag:s7], $0x2800  }
0xcb: {  	s25 =	rddreg [dreg:$0x9];
	[sflag:s7] =	ssyncset.done @!p0 $0x0  }
0xcc: {  	[sflag:s7] =	ssyncadd.s32 @!p0 $0xFFFFD800;
	s14 =	sadd.s32 $0x0, s25  }
0xcd: {  	[tilespmem:s30], [sflag:$0xA] =	stream.linear.gather [hbm4b:s14+s4], $0x50, $0x38;
	[tilespmem:$0x1F400] =	vst v63  }
0xce: {  	_ =	swait.ge [sflag:s16], $0x50  }
0xcf: {  	s15 =	rddreg [dreg:$0x8];
	[sflag:s16] =	ssyncset.done $0x0  }
0xd0: {  	[sflag:s16] =	ssyncadd.s32 $0xFFFFFFB0;
	s7 =	sadd.s32 $0x0, s15  }
0xd1: {  	[tilespmem:s31], [sflag:$0xA] =	stream.linear.gather [hbm4b:s7+s4], $0x50, $0x38;
	[tilespmem:$0x1F400] =	vst v63  }
0xd2: {  	_ =	swait.ge [sflag:s16], $0x50  }
0xd3: {  	[sflag:s16] =	ssyncset.done $0x0  }
0xd4: {  	[sflag:s16] =	ssyncadd.s32 $0xFFFFFFB0  }
0xd5: {  	[tilespmem:s0], [sflag:$0x4] =	stream.indirect.gather [hbm4b:s1+s18], $0x80, s30, s18, $0xb8;
	[tilespmem:$0x1F400] =	vst v63  }
0xd6: {  	_ =	swait.ge [sflag:s3], $0x2800  }
0xd7: {  	[sflag:s3] =	ssyncset.done $0x0  }
0xd8: {  	[sflag:s3] =	ssyncadd.s32 $0xFFFFD800  }
0xd9: {  	[spmem:s2] =	stream.indirect.scatter.add.f32 [tilespmem:s22], [sflag:$0x6], $0x80, s21, s18, $0xb8;
	[tilespmem:$0x1F400] =	vst v63  }
0xda: {  	_ =	swait.ge [sflag:s8], $0x2800  }
0xdb: {  	s14 =	rddreg [dreg:$0x1c]  }
0xdc: {  	[sflag:s8] =	ssyncset.done $0x0;
	s25 =	sshrl.u32 s14, $0x3  }
0xdd: {  	[sflag:s8] =	ssyncadd.s32 $0xFFFFD800;
	s15 =	sadd.s32 s5, s25  }
0xde: {  	[tilespmem:s4], [sflag:$0xA] =	stream.linear.gather [hbm4b:s15+s4], $0x50, $0x38;
	[tilespmem:$0x1F400] =	vst v63  }
0xdf: {  	_ =	swait.ge [sflag:s16], $0x50  }
0xe0: {  	[sflag:s16] =	ssyncset.done $0x0  }
0xe1: {  	s7 =	sadd.s32 s6, s25;
	[sflag:s16] =	ssyncadd.s32 $0xFFFFFFB0  }
0xe2: {  	[tilespmem:s17], [sflag:$0xA] =	stream.linear.gather [hbm4b:s7+s4], $0x50, $0x38;
	[tilespmem:$0x1F400] =	vst v63  }
0xe3: {  	_ =	swait.ge [sflag:s16], $0x50  }
0xe4: {  	[sflag:s16] =	ssyncset.done $0x0  }
0xe5: {  	[sflag:s16] =	ssyncadd.s32 $0xFFFFFFB0  }
0xe6: {  	[tilespmem:s19], [sflag:$0x1] =	stream.indirect.gather [hbm4b:s1+s18], $0x80, s4, s18, $0xb8;
	[tilespmem:$0x1F400] =	vst v63  }
0xe7: {  	_ =	swait.ge [sflag:s9], $0x2800  }
0xe8: {  	[sflag:s9] =	ssyncset.done $0x0  }
0xe9: {  	[sflag:s9] =	ssyncadd.s32 $0xFFFFD800  }
0xea: {  	[spmem:s2] =	stream.indirect.scatter.add.f32 [tilespmem:s26], [sflag:$0x7], $0x80, s24, s18, $0xb8;
	[tilespmem:$0x1F400] =	vst v63  }
0xeb: {  	_ =	swait.ge [sflag:s10], $0x2800  }
0xec: {  	s25 =	rddreg [dreg:$0x7];
	[sflag:s10] =	ssyncset.done $0x0  }
0xed: {  	[sflag:s10] =	ssyncadd.s32 $0xFFFFD800;
	s7 =	sadd.s32 $0x0, s25  }
0xee: {  	[tilespmem:s20], [sflag:$0xA] =	stream.linear.gather [hbm4b:s7+s4], $0x50, $0x38;
	[tilespmem:$0x1F400] =	vst v63  }
0xef: {  	_ =	swait.ge [sflag:s16], $0x50  }
0xf0: {  	s13 =	rddreg [dreg:$0x6];
	[sflag:s16] =	ssyncset.done $0x0  }
0xf1: {  	[sflag:s16] =	ssyncadd.s32 $0xFFFFFFB0;
	s7 =	sadd.s32 $0x0, s13  }
0xf2: {  	[tilespmem:s21], [sflag:$0xA] =	stream.linear.gather [hbm4b:s7+s4], $0x50, $0x38;
	[tilespmem:$0x1F400] =	vst v63  }
0xf3: {  	_ =	swait.ge [sflag:s16], $0x50  }
0xf4: {  	[sflag:s16] =	ssyncset.done $0x0  }
0xf5: {  	[sflag:s16] =	ssyncadd.s32 $0xFFFFFFB0  }
0xf6: {  	[tilespmem:s22], [sflag:$0x2] =	stream.indirect.gather [hbm4b:s1+s18], $0x80, s20, s18, $0xb8;
	[tilespmem:$0x1F400] =	vst v63  }
0xf7: {  	_ =	swait.ge [sflag:s11], $0x2800  }
0xf8: {  	[sflag:s11] =	ssyncset.done $0x0  }
0xf9: {  	[sflag:s11] =	ssyncadd.s32 $0xFFFFD800  }
0xfa: {  	[spmem:s2] =	stream.indirect.scatter.add.f32 [tilespmem:s0], [sflag:$0x8], $0x80, s31, s18, $0xb8;
	[tilespmem:$0x1F400] =	vst v63  }
0xfb: {  	_ =	swait.ge [sflag:s12], $0x2800  }
0xfc: {  	s15 =	rddreg [dreg:$0x5];
	[sflag:s12] =	ssyncset.done $0x0  }
0xfd: {  	[sflag:s12] =	ssyncadd.s32 $0xFFFFD800;
	s7 =	sadd.s32 $0x0, s15  }
0xfe: {  	[tilespmem:s23], [sflag:$0xA] =	stream.linear.gather [hbm4b:s7+s4], $0x50, $0x38;
	[tilespmem:$0x1F400] =	vst v63  }
0xff: {  	_ =	swait.ge [sflag:s16], $0x50  }
0x100: {  	s25 =	rddreg [dreg:$0x4];
	[sflag:s16] =	ssyncset.done $0x0  }
0x101: {  	[sflag:s16] =	ssyncadd.s32 $0xFFFFFFB0;
	s7 =	sadd.s32 $0x0, s25  }
0x102: {  	[tilespmem:s24], [sflag:$0xA] =	stream.linear.gather [hbm4b:s7+s4], $0x50, $0x38;
	[tilespmem:$0x1F400] =	vst v63  }
0x103: {  	_ =	swait.ge [sflag:s16], $0x50  }
0x104: {  	s25 =	simm.s32 $0x28;
	s7 =	smov.u32 s14;
	[sflag:s16] =	ssyncset.done $0x0  }
.LBB2_4:
0x105: {  	[sflag:s16] =	ssyncadd.s32 $0xFFFFFFB0  }
0x106: {  	[tilespmem:s26], [sflag:$0x3] =	stream.indirect.gather [hbm4b:s1+s18], $0x80, s23, s18, $0xb8;
	[tilespmem:$0x1F400] =	vst v63  }
0x107: {  	s13 =	smov.u32 s25;
	_ =	swait.ge [sflag:s29], $0x2800  }
0x108: {  	p1 =	seq.s32 s13, $0x0;
	[sflag:s29] =	ssyncset.done $0x0  }
0x109: {  	s14 =	simm.s32 @!p1 $0x8;
	[sflag:s29] =	ssyncadd.s32 $0xFFFFD800  }
0x10a: {  	[spmem:s2] =	stream.indirect.scatter.add.f32 [tilespmem:s19], [sflag:$0x5], $0x80, s17, s18, $0xb8;
	[tilespmem:$0x1F400] =	vst v63  }
0x10b: {  	_ =	swait.ge @!p1 [sflag:s14], $0x2800  }
0x10c: {  	[sflag:s14] =	ssyncset.done @!p1 $0x0;
	s15 =	rddreg [dreg:$0x9]  }
0x10d: {  	[sflag:s14] =	ssyncadd.s32 @!p1 $0xFFFFD800;
	s15 =	sadd.s32 s13, s15  }
0x10e: {  	[tilespmem:s30], [sflag:$0xA] =	stream.linear.gather [hbm4b:s15+s4], $0x50, $0x38;
	[tilespmem:$0x1F400] =	vst v63  }
0x10f: {  	_ =	swait.ge [sflag:s16], $0x50  }
0x110: {  	s15 =	rddreg [dreg:$0x8];
	[sflag:s16] =	ssyncset.done $0x0  }
0x111: {  	[sflag:s16] =	ssyncadd.s32 $0xFFFFFFB0;
	s14 =	sadd.s32 s13, s15  }
0x112: {  	[tilespmem:s31], [sflag:$0xA] =	stream.linear.gather [hbm4b:s14+s4], $0x50, $0x38;
	[tilespmem:$0x1F400] =	vst v63  }
0x113: {  	_ =	swait.ge [sflag:s16], $0x50  }
0x114: {  	[sflag:s16] =	ssyncset.done $0x0  }
0x115: {  	[sflag:s16] =	ssyncadd.s32 $0xFFFFFFB0  }
0x116: {  	[tilespmem:s0], [sflag:$0x4] =	stream.indirect.gather [hbm4b:s1+s18], $0x80, s30, s18, $0xb8;
	[tilespmem:$0x1F400] =	vst v63  }
0x117: {  	_ =	swait.ge [sflag:s3], $0x2800  }
0x118: {  	[sflag:s3] =	ssyncset.done $0x0  }
0x119: {  	[sflag:s3] =	ssyncadd.s32 $0xFFFFD800  }
0x11a: {  	[spmem:s2] =	stream.indirect.scatter.add.f32 [tilespmem:s22], [sflag:$0x6], $0x80, s21, s18, $0xb8;
	[tilespmem:$0x1F400] =	vst v63  }
0x11b: {  	s7 =	sadd.s32 $0x140, s7;
	_ =	swait.ge [sflag:s8], $0x2800  }
0x11c: {  	s14 =	sshrl.u32 s7, $0x3;
	[sflag:s8] =	ssyncset.done $0x0  }
0x11d: {  	s15 =	sadd.s32 s5, s14;
	[sflag:s8] =	ssyncadd.s32 $0xFFFFD800  }
0x11e: {  	[tilespmem:s4], [sflag:$0xA] =	stream.linear.gather [hbm4b:s15+s4], $0x50, $0x38;
	[tilespmem:$0x1F400] =	vst v63  }
0x11f: {  	_ =	swait.ge [sflag:s16], $0x50  }
0x120: {  	[sflag:s16] =	ssyncset.done $0x0  }
0x121: {  	s14 =	sadd.s32 s6, s14;
	[sflag:s16] =	ssyncadd.s32 $0xFFFFFFB0  }
0x122: {  	[tilespmem:s17], [sflag:$0xA] =	stream.linear.gather [hbm4b:s14+s4], $0x50, $0x38;
	[tilespmem:$0x1F400] =	vst v63  }
0x123: {  	_ =	swait.ge [sflag:s16], $0x50  }
0x124: {  	[sflag:s16] =	ssyncset.done $0x0  }
0x125: {  	[sflag:s16] =	ssyncadd.s32 $0xFFFFFFB0  }
0x126: {  	[tilespmem:s19], [sflag:$0x1] =	stream.indirect.gather [hbm4b:s1+s18], $0x80, s4, s18, $0xb8;
	[tilespmem:$0x1F400] =	vst v63  }
0x127: {  	_ =	swait.ge [sflag:s9], $0x2800  }
0x128: {  	[sflag:s9] =	ssyncset.done $0x0  }
0x129: {  	[sflag:s9] =	ssyncadd.s32 $0xFFFFD800  }
0x12a: {  	[spmem:s2] =	stream.indirect.scatter.add.f32 [tilespmem:s26], [sflag:$0x7], $0x80, s24, s18, $0xb8;
	[tilespmem:$0x1F400] =	vst v63  }
0x12b: {  	_ =	swait.ge [sflag:s10], $0x2800  }
0x12c: {  	s15 =	rddreg [dreg:$0x7];
	[sflag:s10] =	ssyncset.done $0x0  }
0x12d: {  	[sflag:s10] =	ssyncadd.s32 $0xFFFFD800;
	s14 =	sadd.s32 s13, s15  }
0x12e: {  	[tilespmem:s20], [sflag:$0xA] =	stream.linear.gather [hbm4b:s14+s4], $0x50, $0x38;
	[tilespmem:$0x1F400] =	vst v63  }
0x12f: {  	_ =	swait.ge [sflag:s16], $0x50  }
0x130: {  	s15 =	rddreg [dreg:$0x6];
	[sflag:s16] =	ssyncset.done $0x0  }
0x131: {  	[sflag:s16] =	ssyncadd.s32 $0xFFFFFFB0;
	s14 =	sadd.s32 s13, s15  }
0x132: {  	[tilespmem:s21], [sflag:$0xA] =	stream.linear.gather [hbm4b:s14+s4], $0x50, $0x38;
	[tilespmem:$0x1F400] =	vst v63  }
0x133: {  	_ =	swait.ge [sflag:s16], $0x50  }
0x134: {  	[sflag:s16] =	ssyncset.done $0x0  }
0x135: {  	[sflag:s16] =	ssyncadd.s32 $0xFFFFFFB0  }
0x136: {  	[tilespmem:s22], [sflag:$0x2] =	stream.indirect.gather [hbm4b:s1+s18], $0x80, s20, s18, $0xb8;
	[tilespmem:$0x1F400] =	vst v63  }
0x137: {  	_ =	swait.ge [sflag:s11], $0x2800  }
0x138: {  	[sflag:s11] =	ssyncset.done $0x0  }
0x139: {  	[sflag:s11] =	ssyncadd.s32 $0xFFFFD800  }
0x13a: {  	[spmem:s2] =	stream.indirect.scatter.add.f32 [tilespmem:s0], [sflag:$0x8], $0x80, s31, s18, $0xb8;
	[tilespmem:$0x1F400] =	vst v63  }
0x13b: {  	_ =	swait.ge [sflag:s12], $0x2800  }
0x13c: {  	s15 =	rddreg [dreg:$0x5];
	[sflag:s12] =	ssyncset.done $0x0  }
0x13d: {  	s25 =	sadd.s32 $0x28, s25;
	[sflag:s12] =	ssyncadd.s32 $0xFFFFD800;
	s14 =	sadd.s32 s13, s15  }
0x13e: {  	[tilespmem:s23], [sflag:$0xA] =	stream.linear.gather [hbm4b:s14+s4], $0x50, $0x38;
	[tilespmem:$0x1F400] =	vst v63  }
0x13f: {  	p0 =	sne.s32 s25, $0x4B0;
	_ =	swait.ge [sflag:s16], $0x50  }
.Ltmp1:
0x140: {  	s15 =	rddreg [dreg:$0x4];
	[sflag:s16] =	ssyncset.done $0x0;
	(pc) =	sbr.rel @p0 .LBB2_4-.Ltmp1, $4  }
0x141: {  	[sflag:s16] =	ssyncadd.s32 $0xFFFFFFB0;
	s13 =	sadd.s32 s13, s15  }
0x142: {  	[tilespmem:s24], [sflag:$0xA] =	stream.linear.gather [hbm4b:s13+s4], $0x50, $0x38;
	[tilespmem:$0x1F400] =	vst v63  }
0x143: {  	_ =	swait.ge [sflag:s16], $0x50  }
0x144: {  	[sflag:s16] =	ssyncset.done $0x0  }
0x145: {  	[sflag:s16] =	ssyncadd.s32 $0xFFFFFFB0  }
0x146: {  	[tilespmem:s26], [sflag:$0x3] =	stream.indirect.gather [hbm4b:s1+s18], $0x80, s23, s18, $0xb8;
	[tilespmem:$0x1F400] =	vst v63  }
0x147: {  	_ =	swait.ge [sflag:s29], $0x2800  }
0x148: {  	[sflag:s29] =	ssyncset.done $0x0  }
0x149: {  	s13 =	simm.s32 $0x8;
	[sflag:s29] =	ssyncadd.s32 $0xFFFFD800  }
0x14a: {  	[spmem:s2] =	stream.indirect.scatter.add.f32 [tilespmem:s19], [sflag:$0x5], $0x80, s17, s18, $0xb8;
	[tilespmem:$0x1F400] =	vst v63  }
0x14b: {  	_ =	swait.ge [sflag:s13], $0x2800  }
0x14c: {  	[sflag:s13] =	ssyncset.done $0x0  }
0x14d: {  	s7 =	rddreg [dreg:$0x16];
	[sflag:s13] =	ssyncadd.s32 $0xFFFFD800  }
0x14e: {  	[tilespmem:s30], [sflag:$0xA] =	stream.linear.gather [hbm4b:s7+s4], $0x50, $0x38;
	[tilespmem:$0x1F400] =	vst v63  }
0x14f: {  	_ =	swait.ge [sflag:s16], $0x50  }
0x150: {  	[sflag:s16] =	ssyncset.done $0x0  }
0x151: {  	s15 =	rddreg [dreg:$0x17];
	[sflag:s16] =	ssyncadd.s32 $0xFFFFFFB0  }
0x152: {  	[tilespmem:s31], [sflag:$0xA] =	stream.linear.gather [hbm4b:s15+s4], $0x50, $0x38;
	[tilespmem:$0x1F400] =	vst v63  }
0x153: {  	_ =	swait.ge [sflag:s16], $0x50  }
0x154: {  	[sflag:s16] =	ssyncset.done $0x0  }
0x155: {  	[sflag:s16] =	ssyncadd.s32 $0xFFFFFFB0  }
0x156: {  	[tilespmem:s0], [sflag:$0x4] =	stream.indirect.gather [hbm4b:s1+s18], $0x80, s30, s18, $0xb8;
	[tilespmem:$0x1F400] =	vst v63  }
0x157: {  	_ =	swait.ge [sflag:s3], $0x2800  }
0x158: {  	[sflag:s3] =	ssyncset.done $0x0  }
0x159: {  	[sflag:s3] =	ssyncadd.s32 $0xFFFFD800  }
0x15a: {  	[spmem:s2] =	stream.indirect.scatter.add.f32 [tilespmem:s22], [sflag:$0x6], $0x80, s21, s18, $0xb8;
	[tilespmem:$0x1F400] =	vst v63  }
0x15b: {  	_ =	swait.ge [sflag:s8], $0x2800  }
0x15c: {  	[sflag:s8] =	ssyncset.done $0x0  }
0x15d: {  	s25 =	rddreg [dreg:$0x18];
	[sflag:s8] =	ssyncadd.s32 $0xFFFFD800  }
0x15e: {  	[tilespmem:s4], [sflag:$0xA] =	stream.linear.gather [hbm4b:s25+s4], $0x50, $0x38;
	[tilespmem:$0x1F400] =	vst v63  }
0x15f: {  	_ =	swait.ge [sflag:s16], $0x50  }
0x160: {  	[sflag:s16] =	ssyncset.done $0x0  }
0x161: {  	s14 =	rddreg [dreg:$0x19];
	[sflag:s16] =	ssyncadd.s32 $0xFFFFFFB0  }
0x162: {  	[tilespmem:s17], [sflag:$0xA] =	stream.linear.gather [hbm4b:s14+s4], $0x50, $0x38;
	[tilespmem:$0x1F400] =	vst v63  }
0x163: {  	_ =	swait.ge [sflag:s16], $0x50  }
0x164: {  	[sflag:s16] =	ssyncset.done $0x0  }
0x165: {  	[sflag:s16] =	ssyncadd.s32 $0xFFFFFFB0  }
0x166: {  	[tilespmem:s19], [sflag:$0x1] =	stream.indirect.gather [hbm4b:s1+s18], $0x80, s4, s18, $0xb8;
	[tilespmem:$0x1F400] =	vst v63  }
0x167: {  	_ =	swait.ge [sflag:s9], $0x2800  }
0x168: {  	[sflag:s9] =	ssyncset.done $0x0  }
0x169: {  	[sflag:s9] =	ssyncadd.s32 $0xFFFFD800  }
0x16a: {  	[spmem:s2] =	stream.indirect.scatter.add.f32 [tilespmem:s26], [sflag:$0x7], $0x80, s24, s18, $0xb8;
	[tilespmem:$0x1F400] =	vst v63  }
0x16b: {  	_ =	swait.ge [sflag:s10], $0x2800  }
0x16c: {  	[sflag:s10] =	ssyncset.done $0x0  }
0x16d: {  	[sflag:s10] =	ssyncadd.s32 $0xFFFFD800  }
0x16e: {  	_ =	swait.ge [sflag:s11], $0x2800  }
0x16f: {  	[sflag:s11] =	ssyncset.done $0x0  }
0x170: {  	[sflag:s11] =	ssyncadd.s32 $0xFFFFD800  }
0x171: {  	[spmem:s2] =	stream.indirect.scatter.add.f32 [tilespmem:s0], [sflag:$0x8], $0x80, s31, s18, $0xb8;
	[tilespmem:$0x1F400] =	vst v63  }
0x172: {  	_ =	swait.ge [sflag:s12], $0x2800  }
0x173: {  	[sflag:s12] =	ssyncset.done $0x0  }
0x174: {  	[sflag:s12] =	ssyncadd.s32 $0xFFFFD800  }
0x175: {  	_ =	swait.ge [sflag:s29], $0x2800  }
0x176: {  	[sflag:s29] =	ssyncset.done $0x0  }
0x177: {  	[sflag:s29] =	ssyncadd.s32 $0xFFFFD800  }
0x178: {  	[spmem:s2] =	stream.indirect.scatter.add.f32 [tilespmem:s19], [sflag:$0x5], $0x80, s17, s18, $0xb8;
	[tilespmem:$0x1F400] =	vst v63  }
0x179: {  	_ =	swait.ge [sflag:s13], $0x2800  }
0x17a: {  	[sflag:s13] =	ssyncset.done $0x0  }
0x17b: {  	[sflag:s13] =	ssyncadd.s32 $0xFFFFD800  }
0x17c: {  	_ =	swait.ge [sflag:s8], $0x2800  }
0x17d: {  	[sflag:s8] =	ssyncset.done $0x0  }
0x17e: {  	[sflag:s8] =	ssyncadd.s32 $0xFFFFD800  }
0x17f: {  	s15 =	stileid.u32;
	[bflag:$0x0] =	sbarrier.arrive $0xFFFF  }
0x180: {  	s7 =	sshll.u32 s15, $0x6;
	s14 =	rddreg [dreg:$0xa]  }
0x181: {  	s7 =	sor.u32 $0x1C0A, s7;
	s15 =	rddreg [dreg:$0x1a];
	s25 =	sshrl.u32 s14, $0x3  }
0x182: {  	[hbm:s15], [sflag:s7] =	dma.local [spmem:s25], $0x2800  }
0x183: {  	_ =	swait.ge [sflag:s16], $0x2800  }
0x184: {  	s15 =	sld [smem:$0x7F2];
	_ =	sdelay $0x2  }
0x185: {  	s25 =	rddreg [dreg:$0x1b];
	s13 =	sadd.s32 $0x1, s15  }
0x186: {  	p0 =	sne.s32 s13, s25  }
.Ltmp2:
0x187: {  	_ = 	snop;
	(pc) =	sbr.rel @p0 .LBB2_1-.Ltmp2, $3  }
0x188: {  	_ =	sdelay $0x1  }
0x189: {  	[sflag:s16] =	ssyncset.done $0x0  }
0x18a: {  	[sflag:s16] =	ssyncadd.s32 $0xFFFFD800  }
0x18b: {  	_ =	sfence.sel $0x180000  }
0x18c: {  	[bflag:$0x0] =	sbarrier.arrive $0xFFFF  }
0x18d: {  	_ =	strace $0x9000004D  }
0x18e: {  	s0 =	stileid.u32;
	[bflag:$0x2] =	sbarrier.arrive $0xFFFF  }
0x18f: {  	p0 =	sne.s32 s0, $0x0;
	s0 =	rddreg [dreg:$0x3]  }
0x190: {  	s0 =	sadd.s32 @!p0 $0x100000, s0  }
0x191: {  	[sflag:s0] =	ssyncadd.tile.s32 @!p0 $0x1;
	_ =	shalt  }
.Lfunc_end2:
_tile_overlayer_lowered:
.L_overlay_start_2:
0x192: {  	(tag) =	ssettag $0x2  }
0x193: {  	s0 =	rddreg [dreg:$0x0];
	s2 =	stileid.u32  }
0x194: {  	s1 =	rddreg [dreg:$0x1];
	p0 =	sne.s32 s2, $0x0  }
0x195: {  	s3 =	rddreg [dreg:$0x2];
	[bflag:$0x3] =	sbarrier.arrive $0xFFFF;
	s2 =	simm.s32 @!p0 $0x1C0A  }
0x196: {  	[timem:s3], [sflag:s2] =	dma.local @!p0 [hbm:s0], s1  }
0x197: {  	s0 =	simm.s32 @!p0 $0xA  }
0x198: {  	_ =	swait.ge @!p0 [sflag:s0], s1  }
0x199: {  	s1 =	ssub.s32 @!p0 $0x0, s1;
	[sflag:s0] =	ssyncset.done @!p0 $0x0  }
0x19a: {  	[sflag:s0] =	ssyncadd.s32 @!p0 s1  }
0x19b: {  	[bflag:$0x3] =	sbarrier.arrive $0xFFFF  }
0x19c: {  	_ =	shalt  }

// kernel: kernel.8.cloned.1.call-start
scs
__scs_entry_jumppad:
0x0: {  	(pc) =	sbr.rel $0x88, $3  }
0x1: {  	(tag) =	ssettag $0x0;
	lr =	simm.s32 $0x1  }
0x2: {  	[smem:$0x3F9D] =	sst lr;
	_ =	strace $0xD0000000  }
0x3: {  	_ = 	snop  }
0x4: {  	_ = 	snop  }
0x5: {  	_ = 	snop  }
0x6: {  	_ = 	snop  }
0x7: {  	_ = 	snop  }
__scs_overlays_trampoline_lowered:
0x8: {  	[smem:$0x3FAC] =	sst s0  }
0x9: {  	[smem:$0x3FAD] =	sst s1  }
0xa: {  	[smem:$0x3FAE] =	sst s2  }
0xb: {  	[smem:$0x3FAF] =	sst s3  }
0xc: {  	[smem:$0x3FB0] =	sst s4  }
0xd: {  	[smem:$0x3FB1] =	sst s5  }
0xe: {  	[smem:$0x3FB2] =	sst s6  }
0xf: {  	[smem:$0x3FB3] =	sst s7  }
0x10: {  	[smem:$0x3FB4] =	sst s8  }
0x11: {  	[smem:$0x3FB5] =	sst s9;
	s0 =	simm.s32 @!p0 $0x0  }
0x12: {  	s1 =	sld [smem:$0x3F9B];
	s0 =	simm.s32 @p0 $0x1  }
0x13: {  	[smem:$0x3FB6] =	sst s0;
	s0 =	simm.s32 @!p1 $0x0  }
0x14: {  	s2 =	sld [smem:$0x3F9A];
	s0 =	simm.s32 @p1 $0x1  }
0x15: {  	[smem:$0x3FB7] =	sst s0;
	s0 =	simm.s32 @!p2 $0x0  }
0x16: {  	s3 =	sld [smem:$0x3FDB];
	s0 =	simm.s32 @p2 $0x1  }
0x17: {  	s4 =	simm.s32 $0x1BF5;
	[smem:$0x3FB9] =	sst s0  }
0x18: {  	s0 =	sld [smem:$0x3F9C];
	_ =	swait.ge [sflag:s4], $0x0  }
0x19: {  	s7 =	sld [smem:$0x3F9D]  }
0x1a: {  	s8 =	sadd.s32 $0xFFFFE003, lr  }
0x1b: {  	s9 =	sadd.s32 $0xFFFFFEF7, lr;
	s5 =	simm.s32 $0xFFFFFFFF;
	p2 =	slt.u32 s8, $0xFFFFF086  }
0x1c: {  	p1 =	slt.u32 s9, $0xF7A;
	s5 =	simm.s32 @!p2 $0x0  }
0x1d: {  	s5 =	simm.s32 @p1 $0x1;
	p0 =	seq.s32 s7, s2  }
0x1e: {  	s7 =	smul.u32 @!p0 $0xF7A, s2;
	p2 =	seq.s32 @!p0 s5, $0x0  }
0x1f: {  	s9 =	smul.u32 $0xF7A, s1;
	s8 =	simm.s32 @!p0 $0x1BF5;
	p2 =	por !p2, p0  }
0x20: {  	[sflag:s8] =	ssyncset.s32 @!p0 $0xFFFFF086;
	s6 =	sadd.s32 @!p0 s3, s7;
	s7 =	simm.s32 @!p0 $0x108  }
0x21: {  	s3 =	sadd.s32 s3, s9;
	s6 =	sadd.s32 @!p0 $0x88, s6;
	s7 =	simm.s32 @p2 $0x1082  }
0x22: {  	[simem:s7], [sflag:s8] =	dma.local @!p0 [hbm:s6], $0xF7A  }
0x23: {  	s9 =	sor.u32 $0xD0000000, s2;
	s6 =	simm.s32 $0x108;
	_ =	swait.ge @!p0 [sflag:s8], $0x0  }
0x24: {  	s3 =	sadd.s32 $0x88, s3;
	s6 =	simm.s32 @!p1 $0x1082;
	[sflag:s4] =	ssyncset.s32 $0xFFFFF086  }
0x25: {  	[simem:s6], [sflag:s4] =	dma.local [hbm:s3], $0xF7A  }
0x26: {  	[smem:$0x3F9D] =	sst s1;
	(tag) =	ssettag s2;
	_ =	strace s9  }
0x27: {  	s1 =	sld [smem:$0x3FAD]  }
0x28: {  	s2 =	sld [smem:$0x3FAE]  }
0x29: {  	s4 =	sld [smem:$0x3FB0]  }
0x2a: {  	p0 =	seq.s32 s5, $0x0;
	s5 =	sld [smem:$0x3FB1]  }
0x2b: {  	s6 =	sld [smem:$0x3FB2]  }
0x2c: {  	s7 =	sld [smem:$0x3FB3]  }
0x2d: {  	s3 =	simm.s32 $0x108;
	s8 =	sld [smem:$0x3FB4]  }
0x2e: {  	s3 =	simm.s32 @!p0 $0x1082;
	s9 =	sld [smem:$0x3FB5]  }
0x2f: {  	lr =	sadd.s32 s0, s3;
	s0 =	sld [smem:$0x3FAC]  }
0x30: {  	s3 =	sld [smem:$0x3FAF]  }
0x31: {  	[smem:$0x3FB8] =	sst s10  }
0x32: {  	s10 =	sld [smem:$0x3FB6];
	_ =	sdelay $0x3  }
0x33: {  	p0 =	seq.s32 s10, $0x1;
	s10 =	sld [smem:$0x3FB8];
	_ =	sdelay $0x3  }
0x34: {  	[smem:$0x3FB8] =	sst s10  }
0x35: {  	s10 =	sld [smem:$0x3FB7];
	_ =	sdelay $0x3  }
0x36: {  	p1 =	seq.s32 s10, $0x1;
	s10 =	sld [smem:$0x3FB8];
	_ =	sdelay $0x3  }
0x37: {  	[smem:$0x3FB8] =	sst s10  }
0x38: {  	s10 =	sld [smem:$0x3FB9]  }
0x39: {  	_ = 	snop;
	(pc) =	sbr.ind lr, $3  }
0x3a: {  	_ = 	snop  }
0x3b: {  	_ = 	snop  }
0x3c: {  	p2 =	seq.s32 s10, $0x1;
	s10 =	sld [smem:$0x3FB8]  }
0x3d: {  	_ =	shalt  }
0x3e: {  	_ =	shalt  }
0x3f: {  	_ =	shalt  }
0x40: {  	_ =	shalt  }
0x41: {  	_ =	shalt  }
0x42: {  	_ =	shalt  }
0x43: {  	_ =	shalt  }
0x44: {  	_ =	shalt  }
0x45: {  	_ =	shalt  }
0x46: {  	_ =	shalt  }
0x47: {  	_ =	shalt  }
0x48: {  	_ =	shalt  }
0x49: {  	_ =	shalt  }
0x4a: {  	_ =	shalt  }
0x4b: {  	_ =	shalt  }
0x4c: {  	_ =	shalt  }
0x4d: {  	_ =	shalt  }
0x4e: {  	_ =	shalt  }
0x4f: {  	_ =	shalt  }
0x50: {  	_ =	shalt  }
0x51: {  	_ =	shalt  }
0x52: {  	_ =	shalt  }
0x53: {  	_ =	shalt  }
0x54: {  	_ =	shalt  }
0x55: {  	_ =	shalt  }
0x56: {  	_ =	shalt  }
0x57: {  	_ =	shalt  }
0x58: {  	_ =	shalt  }
0x59: {  	_ =	shalt  }
0x5a: {  	_ =	shalt  }
0x5b: {  	_ =	shalt  }
0x5c: {  	_ =	shalt  }
0x5d: {  	_ =	shalt  }
0x5e: {  	_ =	shalt  }
0x5f: {  	_ =	shalt  }
0x60: {  	_ =	shalt  }
0x61: {  	_ =	shalt  }
0x62: {  	_ =	shalt  }
0x63: {  	_ =	shalt  }
0x64: {  	_ =	shalt  }
0x65: {  	_ =	shalt  }
0x66: {  	_ =	shalt  }
0x67: {  	_ =	shalt  }
0x68: {  	_ =	shalt  }
0x69: {  	_ =	shalt  }
0x6a: {  	_ =	shalt  }
0x6b: {  	_ =	shalt  }
0x6c: {  	_ =	shalt  }
0x6d: {  	_ =	shalt  }
0x6e: {  	_ =	shalt  }
0x6f: {  	_ =	shalt  }
0x70: {  	_ =	shalt  }
0x71: {  	_ =	shalt  }
0x72: {  	_ =	shalt  }
0x73: {  	_ =	shalt  }
0x74: {  	_ =	shalt  }
0x75: {  	_ =	shalt  }
0x76: {  	_ =	shalt  }
0x77: {  	_ =	shalt  }
0x78: {  	_ =	shalt  }
0x79: {  	_ =	shalt  }
0x7a: {  	_ =	shalt  }
0x7b: {  	_ =	shalt  }
0x7c: {  	_ =	shalt  }
0x7d: {  	_ =	shalt  }
0x7e: {  	_ =	shalt  }
0x7f: {  	_ =	shalt  }
0x80: {  	_ =	shalt  }
0x81: {  	_ =	shalt  }
0x82: {  	_ =	shalt  }
0x83: {  	_ =	shalt  }
0x84: {  	_ =	shalt  }
0x85: {  	_ =	shalt  }
0x86: {  	_ =	shalt  }
0x87: {  	_ =	shalt  }
.Lfunc_end0:
.L_simem_size_0:
called_computation_lowered:
.L_overlay_start_0:
0x88: {  	s2 =	sld [smem:$0x3FD9]  }
0x89: {  	s3 =	sld [smem:$0x3FFE];
	_ =	sdelay $0x1  }
0x8a: {  	s1 =	srdreg.scid  }
0x8b: {  	s0 =	sand.u32 $0x1, s1  }
0x8c: {  	s17 =	sshll.u32 s0, $0xA;
	s2 =	sadd.s32 s3, s2  }
0x8d: {  	s2 =	sadd.s32 s2, s17  }
0x8e: {  	[smem:$0x3FC4] =	sst s2  }
0x8f: {  	_ = 	snop  }
0x90: {  	s2 =	sld [smem:$0x3FD0];
	(tm) =	ssettm $0x1  }
0x91: {  	s18 =	sld [smem:$0x3FFB];
	_ =	sdelay $0x3  }
0x92: {  	_ =	strace s18  }
0x93: {  	s3 =	sld [smem:$0x3FFC];
	_ =	sdelay $0x3  }
0x94: {  	_ =	strace s3  }
0x95: {  	s3 =	sld [smem:$0x3FFD];
	_ =	sdelay $0x3  }
0x96: {  	_ =	strace s3  }
0x97: {  	_ =	strace $0x8FFFFFFF  }
0x98: {  	s19 =	sld [smem:$0x3FDB];
	_ =	sdelay $0x1  }
0x99: {  	s4 =	simm.s32 $_scs_section_size  }
0x9a: {  	s5 =	simm.s32 $_size__tile_overlayer_lowered;
	s6 =	simm.s32 $_tile_overlayer_lowered  }
0x9b: {  	s22 =	simm.s32 $0x1BFF;
	s21 =	sshll.u32 s6, $0x1;
	s3 =	sadd.s32 s4, s19  }
0x9c: {  	s7 =	simm.s32 $0x0;
	s20 =	sshll.u32 s5, $0x1;
	s5 =	sadd.s32 s21, s3  }
0x9d: {  	[timem:s7], [sflag:s22] =	dma.local [hbm:s5], s20  }
0x9e: {  	_ =	swait.ge [sflag:s22], s20  }
0x9f: {  	s4 =	ssub.s32 $0x0, s20;
	[sflag:s22] =	ssyncset.done $0x0  }
0xa0: {  	[sflag:s22] =	ssyncadd.s32 s4;
	_ =	sdelay $0x1  }
0xa1: {  	s23 =	simm.s32 $0x1B8B  }
0xa2: {  	_ =	swait.ge [sflag:s23], $0x1  }
0xa3: {  	[sflag:s23] =	ssyncset.done $0x0  }
0xa4: {  	s25 =	simm.s32 $0x1B8E;
	s24 =	sld [smem:$0x3FFE];
	[sflag:s23] =	ssyncadd.s32 $0xFFFFFFFF  }
0xa5: {  	s26 =	simm.s32 $execute0_lowered;
	[smem:$0x3FD2] =	sst s25  }
0xa6: {  	s5 =	sshll.u32 s26, $0x1;
	_ =	strace $0x80000046;
	[dreg:$0x1] =	wrdreg $0xFFFFFFFF  }
0xa7: {  	s28 =	simm.s32 $_size_execute0_lowered;
	s3 =	sadd.s32 s3, s5;
	[dreg:$0x0] =	wrdreg $0x0  }
0xa8: {  	s5 =	sshll.u32 s28, $0x1;
	[dreg:$0x2] =	wrdreg s3  }
0xa9: {  	[dreg:$0x3] =	wrdreg s5  }
0xaa: {  	[dreg:$0x4] =	wrdreg $0xC0  }
0xab: {  	_ =	task [dreg:s7], $0x5FFFF  }
0xac: {  	[dreg:$0x1] =	wrdreg $0xFFFFFFFF  }
0xad: {  	[dreg:$0x0] =	wrdreg $0x60  }
0xae: {  	[dreg:$0x2] =	wrdreg s24  }
0xaf: {  	[dreg:$0x3] =	wrdreg s2  }
0xb0: {  	[dreg:$0x4] =	wrdreg $0x9  }
0xb1: {  	_ =	task.clear_ibuf [dreg:s7], $0x5FFFF;
	_ =	strace $0x90000046  }
0xb2: {  	s29 =	simm.s32 $0x9;
	_ =	strace $0x80000048  }
0xb3: {  	_ =	swait.ge [sflag:s29], $0x1  }
0xb4: {  	[sflag:s29] =	ssyncadd.s32 $0xFFFFFFFF  }
0xb5: {  	_ =	strace $0x90000048  }
0xb6: {  	_ =	sfence  }
0xb7: {  	s30 =	sld [smem:$0x0];
	_ =	sdelay $0x2  }
0xb8: {  	s31 =	sshll.u32 s1, $0xD;
	s1 =	sshrl.u32 s1, $0x2  }
0xb9: {  	s3 =	sand.u32 $0x4000, s31;
	s1 =	sadd.s32 s1, s30  }
0xba: {  	s0 =	sor.u32 s3, s0;
	s1 =	sshll.u32 s1, $0x11  }
0xbb: {  	s0 =	sor.u32 s1, s0  }
0xbc: {  	s0 =	sadd.s32 $0x8F2B, s0  }
0xbd: {  	[sflag:s0] =	ssyncadd.remote.s32 $0x1  }
0xbe: {  	_ =	sfence.sel $0xFFFF  }
0xbf: {  	[dreg:$0x0] =	wrdreg $0xFFFFFFFF;
	(pc) =	sbr.abs _section_cstart, $3  }
0xc0: {  	[dreg:$0x1] =	wrdreg $0xFFFFFFFF  }
0xc1: {  	_ =	task.clear_ibuf [dreg:s7], $0x2FFFF;
	_ =	strace $0x9FFFFFFF  }
0xc2: {  	(tm) =	ssettm $0x7FFFFFFF  }
0xc3: {  	_ =	shalt  }
tec
execute0_lowered:
.L_overlay_start_1:
0x0: {  	(tag) =	ssettag $0x1  }
0x1: {  	s1 =	srdreg.scid  }
0x2: {  	s0 =	stileid.u32;
	s3 =	rddreg [dreg:$0x0]  }
0x3: {  	s5 =	rddreg [dreg:$0x1];
	s4 =	sand.u32 $0x1, s1;
	s30 =	sshll.u32 s0, $0x1  }
0x4: {  	s2 =	simm.s32 $0x0;
	s8 =	simm.s32 $0x2;
	s6 =	sor.u32 s4, s30  }
0x5: {  	s9 =	simm.s32 $0x0;
	s1 =	rddreg [dreg:$0x2];
	s7 =	smul.u32 $0x4E2, s6  }
0x6: {  	[smem:$0x7FF] =	sst s2;
	s4 =	ssub.s32 $0x2, s4;
	s6 =	smul.u32 $0x500, s6  }
0x7: {  	_ =	strace $0x80000047;
	s31 =	sshrl.u32 s4, $0x1;
	s3 =	sadd.s32 s7, s3  }
0x8: {  	s7 =	ssub.s32 s4, s31;
	s4 =	sadd.s32 s5, s6;
	s6 =	simm.s32 $0x2800  }
0x9: {  	v0 =	vimm.f32 $0.0e+00;
	v1 =	vimm.f32 $1.000000000e+00;
	s3 =	sadd.s32 $0xC000, s3;
	s5 =	smax.u32 s7, $0x1;
	s7 =	simm.s32 $0x1  }
.LBB2_1:
0xa: {  	[tilespmem:s6], [sflag:$0x1] =	stream.linear.gather [hbm4b:s3+s2], $0x2710, $0x38;
	[tilespmem:$0x4F80] =	vst v63  }
0xb: {  	s10 =	simm.s32 $0x40;
	s11 =	simm.s32 $0x0  }
.LBB2_2:
0xc: {  	p0 =	sne.s32 s10, $0x9FC0;
	[tilespmem:s11+$0x0] =	vst v0;
	s11 =	smov.u32 s10;
	s10 =	sadd.s32 $0x40, s10  }
.Ltmp0:
0xd: {  	(pc) =	sbr.rel @p0 .LBB2_2-.Ltmp0, $2  }
0xe: {  	_ =	sdelay $0x2  }
0xf: {  	s11 =	sshra.s32 s11, $0x2  }
0x10: {  	[tilespmem:s11+$0x0] =	vst v0  }
0x11: {  	_ =	swait.ge [sflag:s7], $0x2710  }
0x12: {  	[sflag:s7] =	ssyncset.done $0x0  }
0x13: {  	s10 =	simm.s32 $0x0;
	[sflag:s7] =	ssyncadd.s32 $0xFFFFD8F0  }
.LBB2_4:
0x14: {  	s11 =	sshra.s32 s10, $0x2  }
0x15: {  	v2 =	vld [tilespmem:s11+$0x2800];
	_ =	sdelay $0x7  }
0x16: {  	[tilespmem:v2+s2+$0x0] =	vst.idx.add.f32.msk $0xffff, v1  }
0x17: {  	v2 =	vld [tilespmem:s11+$0x2810];
	_ =	sdelay $0x7  }
0x18: {  	[tilespmem:v2+s2+$0x0] =	vst.idx.add.f32.msk $0xffff, v1  }
0x19: {  	v2 =	vld [tilespmem:s11+$0x2820];
	_ =	sdelay $0x7  }
0x1a: {  	[tilespmem:v2+s2+$0x0] =	vst.idx.add.f32.msk $0xffff, v1  }
0x1b: {  	v2 =	vld [tilespmem:s11+$0x2830];
	_ =	sdelay $0x7  }
0x1c: {  	[tilespmem:v2+s2+$0x0] =	vst.idx.add.f32.msk $0xffff, v1  }
0x1d: {  	v2 =	vld [tilespmem:s11+$0x2840];
	_ =	sdelay $0x2  }
0x1e: {  	p0 =	sne.s32 s10, $0x9B00  }
.Ltmp1:
0x1f: {  	_ = 	snop;
	(pc) =	sbr.rel @p0 .LBB2_4-.Ltmp1, $2  }
0x20: {  	_ =	sdelay $0x2  }
0x21: {  	s10 =	sadd.s32 $0x140, s10;
	[tilespmem:v2+s2+$0x0] =	vst.idx.add.f32.msk $0xffff, v1  }
0x22: {  	s9 =	sadd.s32 $0x1, s9  }
0x23: {  	p0 =	sne.s32 s9, s5  }
.Ltmp2:
0x24: {  	_ = 	snop;
	(pc) =	sbr.rel @p0 .LBB2_1-.Ltmp2, $4  }
0x25: {  	[hbm4b:s4+s2] =	stream.linear.scatter [tilespmem:s2], [sflag:$0x2], $0x2800, $0x38;
	[tilespmem:$0x4F80] =	vst v63  }
0x26: {  	_ =	swait.ge [sflag:s8], $0x2800  }
0x27: {  	[sflag:s8] =	ssyncset.done $0x0  }
0x28: {  	[sflag:s8] =	ssyncadd.s32 $0xFFFFD800  }
0x29: {  	_ =	sfence.sel $0x180000  }
0x2a: {  	[bflag:$0x0] =	sbarrier.arrive $0xFFFF  }
0x2b: {  	p0 =	sne.s32 s0, $0x0;
	_ =	strace $0x90000047  }
0x2c: {  	s0 =	sadd.s32 @!p0 $0x100000, s1;
	[bflag:$0x2] =	sbarrier.arrive $0xFFFF  }
0x2d: {  	[sflag:s0] =	ssyncadd.tile.s32 @!p0 $0x1;
	_ =	shalt  }
.Lfunc_end2:
_tile_overlayer_lowered:
.L_overlay_start_2:
0x2e: {  	(tag) =	ssettag $0x2  }
0x2f: {  	s0 =	rddreg [dreg:$0x0];
	s2 =	stileid.u32  }
0x30: {  	s1 =	rddreg [dreg:$0x1];
	p0 =	sne.s32 s2, $0x0  }
0x31: {  	s3 =	rddreg [dreg:$0x2];
	[bflag:$0x3] =	sbarrier.arrive $0xFFFF;
	s2 =	simm.s32 @!p0 $0x1C02  }
0x32: {  	[timem:s3], [sflag:s2] =	dma.local @!p0 [hbm:s0], s1  }
0x33: {  	s0 =	simm.s32 @!p0 $0x2  }
0x34: {  	_ =	swait.ge @!p0 [sflag:s0], s1  }
0x35: {  	s1 =	ssub.s32 @!p0 $0x0, s1;
	[sflag:s0] =	ssyncset.done @!p0 $0x0  }
0x36: {  	[sflag:s0] =	ssyncadd.s32 @!p0 s1  }
0x37: {  	[bflag:$0x3] =	sbarrier.arrive $0xFFFF  }
0x38: {  	_ =	shalt  }

</sc_bundles>
